<compile_context>
chip_gen: v7x
topology: tpu7x:2x2x1
jax: 0.10.2.dev20260603
libtpu: 0.0.44.dev20260713+nightly
codegen_flags: <defaults>
</compile_context>

<pallas_src>
import functools

import jax
import jax.numpy as jnp
from jax import lax
from jax.experimental import pallas as pl
from jax.experimental.pallas import tpu as pltpu
from jax.experimental.pallas import tpu_sc as plsc

VOCAB = 1_000_000
D_MODEL = 32
K = 8
BATCH = 16384
HIST = 50

NC = 2
NS = 16
NW = NC * NS
IDX_COLS = 128
B_TOTAL = BATCH * HIST
IDX_ROWS = B_TOTAL // IDX_COLS
ROWS_PER_TILE = IDX_ROWS // NW
MACRO = 40
N_MACRO = ROWS_PER_TILE // MACRO


BN = 16384


def _project_tc(table_t, vk):

    def body(x_ref, w_ref, o_ref):
        o_ref[...] = jax.lax.dot_general(
            x_ref[...], w_ref[...],
            dimension_numbers=(((0,), (0,)), ((), ())),
            preferred_element_type=jnp.float32,
        )

    return pl.pallas_call(
        body,
        grid=(pl.cdiv(VOCAB, BN),),
        in_specs=[
            pl.BlockSpec((D_MODEL, BN), lambda i: (0, i)),
            pl.BlockSpec((D_MODEL, K), lambda i: (0, 0)),
        ],
        out_specs=pl.BlockSpec((BN, K), lambda i: (i, 0)),
        out_shape=jax.ShapeDtypeStruct((VOCAB, K), jnp.float32),
    )(table_t, vk)


_MESH = plsc.VectorSubcoreMesh(core_axis_name="c", subcore_axis_name="s")

M_ROWS = MACRO * IDX_COLS
M_GROUPS = M_ROWS // 16


@functools.partial(
    pl.kernel,
    mesh=_MESH,
    compiler_params=pltpu.CompilerParams(
        use_tc_tiling_on_sc=False, needs_layout_passes=False
    ),
    out_type=jax.ShapeDtypeStruct((K, B_TOTAL), jnp.float32),
    scratch_types=[
        pltpu.VMEM((MACRO, IDX_COLS), jnp.int32),
        pltpu.VMEM((M_ROWS, K), jnp.float32),
        pltpu.VMEM((K, M_ROWS), jnp.float32),
        pltpu.SemaphoreType.DMA,
    ],
)
def _gather_sc(idx_hbm, p_hbm, out_hbm, idx_v, stage_v, staget_v, sem):
    wid = lax.axis_index("s") * NC + lax.axis_index("c")
    lanes = lax.iota(jnp.int32, 16)
    for m in range(N_MACRO):
        row0 = wid * ROWS_PER_TILE + m * MACRO
        pltpu.sync_copy(idx_hbm.at[pl.ds(row0, MACRO)], idx_v)

        def fire(j, carry):
            pltpu.make_async_copy(
                p_hbm.at[idx_v.at[j]],
                stage_v.at[pl.ds(j * IDX_COLS, IDX_COLS)],
                sem,
            ).start()
            return carry

        lax.fori_loop(0, MACRO, fire, 0)
        pltpu.make_async_copy(
            p_hbm.at[pl.ds(0, M_ROWS)], stage_v, sem
        ).wait()

        def transp(g, carry):
            rows = g * 16 + lanes
            for k in range(K):
                cols = jnp.full((16,), k, jnp.int32)
                v = plsc.load_gather(stage_v, [rows, cols])
                staget_v[k, pl.ds(g * 16, 16)] = v
            return carry

        lax.fori_loop(0, M_GROUPS, transp, 0)
        for k in range(K):
            pltpu.sync_copy(
                staget_v.at[k],
                out_hbm.at[k, pl.ds(row0 * IDX_COLS, M_ROWS)],
            )


def kernel(input_ids, embed_table, Vk):
    table_t = embed_table.T
    p = _project_tc(table_t, Vk)
    idx = input_ids.reshape(IDX_ROWS, IDX_COLS)
    out_t = _gather_sc(idx, p)
    out_t = out_t.reshape(K, BATCH, HIST)
    return jnp.transpose(out_t, (1, 2, 0))

# --- scband reference (transcript-rebuilt; emitter-appended) ---
"""Pipeline reference for scband-low-rank-embedding-6253472383303 (READ-ONLY COPY).

The authoritative reference and input builder live on the scoring server;
editing this copy changes nothing except your own understanding.
"""

import jax, jax.numpy as jnp
import numpy as np

VOCAB = 1000000
D_MODEL = 32
K = 8
BATCH = 16384
HIST = 50


def setup_inputs(seed: int = 0) -> dict:
    key = jax.random.key(seed)
    k1, k2, k3 = jax.random.split(key, 3)
    input_ids = jax.random.randint(k1, (BATCH, HIST), 0, VOCAB, dtype=jnp.int32)
    embed_table = jax.random.normal(k2, (VOCAB, D_MODEL), dtype=jnp.float32) * 0.02
    Vk = jax.random.normal(k3, (D_MODEL, K), dtype=jnp.float32) * 0.1
    return {"input_ids": input_ids, "embed_table": embed_table, "Vk": Vk}


def reference(input_ids, embed_table, Vk):
    # x = self.embed(input_ids)  -> gather rows from embedding table
    x = jnp.take(embed_table, input_ids, axis=0)  # [B, L, d_model]
    # return x @ self.Vk  -> low-rank projection
    return x @ Vk  # [B, L, k]

if __name__ == "__main__":
    import jax
    _d = setup_inputs()
    print(jax.jit(kernel)(*tuple(_d.values())))

</pallas_src>

<mosaic_0001>
#map = affine_map<(d0, d1) -> (0, 0)>
module attributes {stable_mosaic.version = 14 : i64} {
  func.func @_gather_sc(%arg0: i32, %arg1: i32, %arg2: memref<6400x128xi32, #tpu.memory_space<hbm>>, %arg3: memref<1000000x8xf32, #tpu.memory_space<hbm>>, %arg4: memref<8x819200xf32, #tpu.memory_space<hbm>>, %arg5: memref<40x128xi32, #tpu.memory_space<vmem>>, %arg6: memref<5120x8xf32, #tpu.memory_space<vmem>>, %arg7: memref<8x5120xf32, #tpu.memory_space<vmem>>, %arg8: memref<!tpu.dma_semaphore, #tpu.memory_space<semaphore_mem>>) attributes {dimension_semantics = [#tpu.dimension_semantics<core_parallel>, #tpu.dimension_semantics<subcore_parallel>], iteration_bounds = array<i64: 2, 16>, scalar_prefetch = 0 : i64, scratch_operands = 4 : i64, tpu.core_type = #tpu.core_type<sc_vector_subcore>, window_params = [{transform_indices = #map}, {transform_indices = #map}, {transform_indices = #map}]} {
    %mul3A = arith.constant 2 : i32
    %mul3A_0 = arith.muli %arg1, %mul3A : i32
    %add3A = arith.addi %mul3A_0, %arg0 : i32
    %iota3A = tpu.iota {dimensions = array<i32: 0>} : vector<16xi32>
    %mul3A_1 = arith.constant 200 : i32
    %mul3A_2 = arith.muli %add3A, %mul3A_1 : i32
    %add3A_3 = arith.constant 0 : i32
    %add3A_4 = arith.addi %mul3A_2, %add3A_3 : i32
    "tpu.region"() ({
      %run_scoped3A_268 = tpu.sem_alloc : memref<!tpu.dma_semaphore, #tpu.memory_space<semaphore_mem>>
      %dma_start3A = arith.constant 0 : i32
      %dma_start3A_269 = tpu.memref_slice %arg2[%add3A_4, %dma_start3A] : memref<6400x128xi32, #tpu.memory_space<hbm>> -> memref<40x128xi32, #tpu.memory_space<hbm>>
      %dma_start3A_270 = arith.constant 0 : i32
      %dma_start3A_271 = tpu.memref_slice %arg2[%add3A_4, %dma_start3A_270] : memref<6400x128xi32, #tpu.memory_space<hbm>> -> memref<40x128xi32, #tpu.memory_space<hbm>>
      tpu.enqueue_dma source(%dma_start3A_271 : memref<40x128xi32, #tpu.memory_space<hbm>>) target(%arg5 : memref<40x128xi32, #tpu.memory_space<vmem>>) target_semaphore(%run_scoped3A_268 : memref<!tpu.dma_semaphore, #tpu.memory_space<semaphore_mem>>)
      %dma_wait3A_272 = arith.constant 0 : i32
      %dma_wait3A_273 = tpu.memref_slice %arg2[%add3A_4, %dma_wait3A_272] : memref<6400x128xi32, #tpu.memory_space<hbm>> -> memref<40x128xi32, #tpu.memory_space<hbm>>
      %dma_wait3A_274 = arith.constant 0 : i32
      %dma_wait3A_275 = tpu.memref_slice %arg2[%add3A_4, %dma_wait3A_274] : memref<6400x128xi32, #tpu.memory_space<hbm>> -> memref<40x128xi32, #tpu.memory_space<hbm>>
      tpu.wait_dma2 semaphore(%run_scoped3A_268 : memref<!tpu.dma_semaphore, #tpu.memory_space<semaphore_mem>>) src(%dma_wait3A_275 : memref<40x128xi32, #tpu.memory_space<hbm>>) dst(%arg5 : memref<40x128xi32, #tpu.memory_space<vmem>>)
      tpu.yield
    }) : () -> ()
    %scan3A = arith.constant 0 : i32
    %scan3A_5 = arith.constant 0 : i32
    %scan3A_6 = arith.constant 40 : i32
    %scan3A_7 = arith.addi %scan3A_5, %scan3A_6 : i32
    %scan3A_8 = arith.constant 1 : i32
    scf.for %scan3A_268 = %scan3A_5 to %scan3A_7 step %scan3A_8  : i32 {
      %mul3A_269 = arith.constant 128 : i32
      %mul3A_270 = arith.muli %scan3A_268, %mul3A_269 : i32
      %dma_start3A = arith.constant 0 : i32
      %dma_start3A_271 = tpu.memref_slice %arg6[%mul3A_270, %dma_start3A] : memref<5120x8xf32, #tpu.memory_space<vmem>> -> memref<128x8xf32, #tpu.memory_space<vmem>>
      %dma_start3A_272 = arith.constant 0 : i32
      %dma_start3A_273 = tpu.memref_slice %arg5[%scan3A_268, %dma_start3A_272] : memref<40x128xi32, #tpu.memory_space<vmem>> -> memref<1x128xi32, #tpu.memory_space<vmem>>
      %dma_start3A_274 = tpu.memref_squeeze %dma_start3A_273 : memref<1x128xi32, #tpu.memory_space<vmem>> -> memref<128xi32, #tpu.memory_space<vmem>>
      %dma_start3A_275 = arith.constant 0 : i32
      %dma_start3A_276 = arith.constant 0 : i32
      %dma_start3A_277 = tpu.memref_slice %arg3[%dma_start3A_275, %dma_start3A_276] : memref<1000000x8xf32, #tpu.memory_space<hbm>> -> memref<1000000x8xf32, #tpu.memory_space<hbm>>
      tpu.enqueue_indirect_dma source(%dma_start3A_277 : memref<1000000x8xf32, #tpu.memory_space<hbm>>) target(%dma_start3A_271 : memref<128x8xf32, #tpu.memory_space<vmem>>) offsets(%dma_start3A_274 : memref<128xi32, #tpu.memory_space<vmem>>) semaphore(%arg8 : memref<!tpu.dma_semaphore, #tpu.memory_space<semaphore_mem>>)
    }
    %scan3A_9 = arith.constant 40 : i32
    %dma_wait3A = arith.constant 0 : i32
    %dma_wait3A_10 = arith.constant 0 : i32
    %dma_wait3A_11 = tpu.memref_slice %arg3[%dma_wait3A, %dma_wait3A_10] : memref<1000000x8xf32, #tpu.memory_space<hbm>> -> memref<5120x8xf32, #tpu.memory_space<hbm>>
    %dma_wait3A_12 = arith.constant 0 : i32
    %dma_wait3A_13 = arith.constant 0 : i32
    %dma_wait3A_14 = tpu.memref_slice %arg3[%dma_wait3A_12, %dma_wait3A_13] : memref<1000000x8xf32, #tpu.memory_space<hbm>> -> memref<5120x8xf32, #tpu.memory_space<hbm>>
    tpu.wait_dma2 semaphore(%arg8 : memref<!tpu.dma_semaphore, #tpu.memory_space<semaphore_mem>>) src(%dma_wait3A_14 : memref<5120x8xf32, #tpu.memory_space<hbm>>) dst(%arg6 : memref<5120x8xf32, #tpu.memory_space<vmem>>)
    %scan3A_15 = arith.constant 0 : i32
    %scan3A_16 = arith.constant 0 : i32
    %scan3A_17 = arith.constant 320 : i32
    %scan3A_18 = arith.addi %scan3A_16, %scan3A_17 : i32
    %scan3A_19 = arith.constant 1 : i32
    scf.for %scan3A_268 = %scan3A_16 to %scan3A_18 step %scan3A_19  : i32 {
      %mul3A_269 = arith.constant 16 : i32
      %mul3A_270 = arith.muli %scan3A_268, %mul3A_269 : i32
      %add3A_271 = vector.broadcast %mul3A_270 : i32 to vector<16xi32>
      %add3A_272 = arith.addi %add3A_271, %iota3A : vector<16xi32>
      %broadcast_in_dim3A = arith.constant 0 : i32
      %broadcast_in_dim3A_273 = vector.broadcast %broadcast_in_dim3A : i32 to vector<16xi32>
      %gather3A = tpu.vector_load_idx %arg6[%add3A_272, %broadcast_in_dim3A_273] : memref<5120x8xf32, #tpu.memory_space<vmem>>[vector<16xi32>, vector<16xi32>], vector<16xf32>,
      %mul3A_274 = arith.constant 16 : i32
      %mul3A_275 = arith.muli %scan3A_268, %mul3A_274 : i32
      %swap3A = arith.constant 0 : i32
      %swap3A_276 = arith.index_cast %swap3A : i32 to index
      %swap3A_277 = arith.index_cast %mul3A_275 : i32 to index
      %swap3A_278 = tpu.vector_load %arg7[%swap3A_276, %swap3A_277] {strides = array<i32>} : memref<8x5120xf32, #tpu.memory_space<vmem>>, vector<16xf32>,
      tpu.vector_store %arg7[%swap3A_276, %swap3A_277], %gather3A {strides = array<i32>} : memref<8x5120xf32, #tpu.memory_space<vmem>>, vector<16xf32>,
      %broadcast_in_dim3A_279 = arith.constant 1 : i32
      %broadcast_in_dim3A_280 = vector.broadcast %broadcast_in_dim3A_279 : i32 to vector<16xi32>
      %gather3A_281 = tpu.vector_load_idx %arg6[%add3A_272, %broadcast_in_dim3A_280] : memref<5120x8xf32, #tpu.memory_space<vmem>>[vector<16xi32>, vector<16xi32>], vector<16xf32>,
      %mul3A_282 = arith.constant 16 : i32
      %mul3A_283 = arith.muli %scan3A_268, %mul3A_282 : i32
      %swap3A_284 = arith.constant 1 : i32
      %swap3A_285 = arith.index_cast %swap3A_284 : i32 to index
      %swap3A_286 = arith.index_cast %mul3A_283 : i32 to index
      %swap3A_287 = tpu.vector_load %arg7[%swap3A_285, %swap3A_286] {strides = array<i32>} : memref<8x5120xf32, #tpu.memory_space<vmem>>, vector<16xf32>,
      tpu.vector_store %arg7[%swap3A_285, %swap3A_286], %gather3A_281 {strides = array<i32>} : memref<8x5120xf32, #tpu.memory_space<vmem>>, vector<16xf32>,
      %broadcast_in_dim3A_288 = arith.constant 2 : i32
      %broadcast_in_dim3A_289 = vector.broadcast %broadcast_in_dim3A_288 : i32 to vector<16xi32>
      %gather3A_290 = tpu.vector_load_idx %arg6[%add3A_272, %broadcast_in_dim3A_289] : memref<5120x8xf32, #tpu.memory_space<vmem>>[vector<16xi32>, vector<16xi32>], vector<16xf32>,
      %mul3A_291 = arith.constant 16 : i32
      %mul3A_292 = arith.muli %scan3A_268, %mul3A_291 : i32
      %swap3A_293 = arith.constant 2 : i32
      %swap3A_294 = arith.index_cast %swap3A_293 : i32 to index
      %swap3A_295 = arith.index_cast %mul3A_292 : i32 to index
      %swap3A_296 = tpu.vector_load %arg7[%swap3A_294, %swap3A_295] {strides = array<i32>} : memref<8x5120xf32, #tpu.memory_space<vmem>>, vector<16xf32>,
      tpu.vector_store %arg7[%swap3A_294, %swap3A_295], %gather3A_290 {strides = array<i32>} : memref<8x5120xf32, #tpu.memory_space<vmem>>, vector<16xf32>,
      %broadcast_in_dim3A_297 = arith.constant 3 : i32
      %broadcast_in_dim3A_298 = vector.broadcast %broadcast_in_dim3A_297 : i32 to vector<16xi32>
      %gather3A_299 = tpu.vector_load_idx %arg6[%add3A_272, %broadcast_in_dim3A_298] : memref<5120x8xf32, #tpu.memory_space<vmem>>[vector<16xi32>, vector<16xi32>], vector<16xf32>,
      %mul3A_300 = arith.constant 16 : i32
      %mul3A_301 = arith.muli %scan3A_268, %mul3A_300 : i32
      %swap3A_302 = arith.constant 3 : i32
      %swap3A_303 = arith.index_cast %swap3A_302 : i32 to index
      %swap3A_304 = arith.index_cast %mul3A_301 : i32 to index
      %swap3A_305 = tpu.vector_load %arg7[%swap3A_303, %swap3A_304] {strides = array<i32>} : memref<8x5120xf32, #tpu.memory_space<vmem>>, vector<16xf32>,
      tpu.vector_store %arg7[%swap3A_303, %swap3A_304], %gather3A_299 {strides = array<i32>} : memref<8x5120xf32, #tpu.memory_space<vmem>>, vector<16xf32>,
      %broadcast_in_dim3A_306 = arith.constant 4 : i32
      %broadcast_in_dim3A_307 = vector.broadcast %broadcast_in_dim3A_306 : i32 to vector<16xi32>
      %gather3A_308 = tpu.vector_load_idx %arg6[%add3A_272, %broadcast_in_dim3A_307] : memref<5120x8xf32, #tpu.memory_space<vmem>>[vector<16xi32>, vector<16xi32>], vector<16xf32>,
      %mul3A_309 = arith.constant 16 : i32
      %mul3A_310 = arith.muli %scan3A_268, %mul3A_309 : i32
      %swap3A_311 = arith.constant 4 : i32
      %swap3A_312 = arith.index_cast %swap3A_311 : i32 to index
      %swap3A_313 = arith.index_cast %mul3A_310 : i32 to index
      %swap3A_314 = tpu.vector_load %arg7[%swap3A_312, %swap3A_313] {strides = array<i32>} : memref<8x5120xf32, #tpu.memory_space<vmem>>, vector<16xf32>,
      tpu.vector_store %arg7[%swap3A_312, %swap3A_313], %gather3A_308 {strides = array<i32>} : memref<8x5120xf32, #tpu.memory_space<vmem>>, vector<16xf32>,
      %broadcast_in_dim3A_315 = arith.constant 5 : i32
      %broadcast_in_dim3A_316 = vector.broadcast %broadcast_in_dim3A_315 : i32 to vector<16xi32>
      %gather3A_317 = tpu.vector_load_idx %arg6[%add3A_272, %broadcast_in_dim3A_316] : memref<5120x8xf32, #tpu.memory_space<vmem>>[vector<16xi32>, vector<16xi32>], vector<16xf32>,
      %mul3A_318 = arith.constant 16 : i32
      %mul3A_319 = arith.muli %scan3A_268, %mul3A_318 : i32
      %swap3A_320 = arith.constant 5 : i32
      %swap3A_321 = arith.index_cast %swap3A_320 : i32 to index
      %swap3A_322 = arith.index_cast %mul3A_319 : i32 to index
      %swap3A_323 = tpu.vector_load %arg7[%swap3A_321, %swap3A_322] {strides = array<i32>} : memref<8x5120xf32, #tpu.memory_space<vmem>>, vector<16xf32>,
      tpu.vector_store %arg7[%swap3A_321, %swap3A_322], %gather3A_317 {strides = array<i32>} : memref<8x5120xf32, #tpu.memory_space<vmem>>, vector<16xf32>,
      %broadcast_in_dim3A_324 = arith.constant 6 : i32
      %broadcast_in_dim3A_325 = vector.broadcast %broadcast_in_dim3A_324 : i32 to vector<16xi32>
      %gather3A_326 = tpu.vector_load_idx %arg6[%add3A_272, %broadcast_in_dim3A_325] : memref<5120x8xf32, #tpu.memory_space<vmem>>[vector<16xi32>, vector<16xi32>], vector<16xf32>,
      %mul3A_327 = arith.constant 16 : i32
      %mul3A_328 = arith.muli %scan3A_268, %mul3A_327 : i32
      %swap3A_329 = arith.constant 6 : i32
      %swap3A_330 = arith.index_cast %swap3A_329 : i32 to index
      %swap3A_331 = arith.index_cast %mul3A_328 : i32 to index
      %swap3A_332 = tpu.vector_load %arg7[%swap3A_330, %swap3A_331] {strides = array<i32>} : memref<8x5120xf32, #tpu.memory_space<vmem>>, vector<16xf32>,
      tpu.vector_store %arg7[%swap3A_330, %swap3A_331], %gather3A_326 {strides = array<i32>} : memref<8x5120xf32, #tpu.memory_space<vmem>>, vector<16xf32>,
      %broadcast_in_dim3A_333 = arith.constant 7 : i32
      %broadcast_in_dim3A_334 = vector.broadcast %broadcast_in_dim3A_333 : i32 to vector<16xi32>
      %gather3A_335 = tpu.vector_load_idx %arg6[%add3A_272, %broadcast_in_dim3A_334] : memref<5120x8xf32, #tpu.memory_space<vmem>>[vector<16xi32>, vector<16xi32>], vector<16xf32>,
      %mul3A_336 = arith.constant 16 : i32
      %mul3A_337 = arith.muli %scan3A_268, %mul3A_336 : i32
      %swap3A_338 = arith.constant 7 : i32
      %swap3A_339 = arith.index_cast %swap3A_338 : i32 to index
      %swap3A_340 = arith.index_cast %mul3A_337 : i32 to index
      %swap3A_341 = tpu.vector_load %arg7[%swap3A_339, %swap3A_340] {strides = array<i32>} : memref<8x5120xf32, #tpu.memory_space<vmem>>, vector<16xf32>,
      tpu.vector_store %arg7[%swap3A_339, %swap3A_340], %gather3A_335 {strides = array<i32>} : memref<8x5120xf32, #tpu.memory_space<vmem>>, vector<16xf32>,
    }
    %scan3A_20 = arith.constant 320 : i32
    %mul3A_21 = arith.constant 128 : i32
    %mul3A_22 = arith.muli %add3A_4, %mul3A_21 : i32
    %run_scoped3A = arith.constant 0 : i32
    %run_scoped3A_23 = arith.constant 0 : i32
    "tpu.region"() ({
      %run_scoped3A_268 = tpu.sem_alloc : memref<!tpu.dma_semaphore, #tpu.memory_space<semaphore_mem>>
      %dma_start3A = arith.constant 0 : i32
      %dma_start3A_269 = tpu.memref_slice %arg7[%run_scoped3A, %dma_start3A] : memref<8x5120xf32, #tpu.memory_space<vmem>> -> memref<1x5120xf32, #tpu.memory_space<vmem>>
      %dma_start3A_270 = tpu.memref_squeeze %dma_start3A_269 : memref<1x5120xf32, #tpu.memory_space<vmem>> -> memref<5120xf32, #tpu.memory_space<vmem>>
      %dma_start3A_271 = tpu.memref_slice %arg4[%run_scoped3A_23, %mul3A_22] : memref<8x819200xf32, #tpu.memory_space<hbm>> -> memref<1x5120xf32, #tpu.memory_space<hbm>>
      %dma_start3A_272 = tpu.memref_squeeze %dma_start3A_271 : memref<1x5120xf32, #tpu.memory_space<hbm>> -> memref<5120xf32, #tpu.memory_space<hbm>>
      %dma_start3A_273 = tpu.memref_slice %arg4[%run_scoped3A_23, %mul3A_22] : memref<8x819200xf32, #tpu.memory_space<hbm>> -> memref<1x5120xf32, #tpu.memory_space<hbm>>
      %dma_start3A_274 = tpu.memref_squeeze %dma_start3A_273 : memref<1x5120xf32, #tpu.memory_space<hbm>> -> memref<5120xf32, #tpu.memory_space<hbm>>
      %dma_start3A_275 = arith.constant 0 : i32
      %dma_start3A_276 = tpu.memref_slice %arg7[%run_scoped3A, %dma_start3A_275] : memref<8x5120xf32, #tpu.memory_space<vmem>> -> memref<1x5120xf32, #tpu.memory_space<vmem>>
      %dma_start3A_277 = tpu.memref_squeeze %dma_start3A_276 : memref<1x5120xf32, #tpu.memory_space<vmem>> -> memref<5120xf32, #tpu.memory_space<vmem>>
      tpu.enqueue_dma source(%dma_start3A_277 : memref<5120xf32, #tpu.memory_space<vmem>>) target(%dma_start3A_274 : memref<5120xf32, #tpu.memory_space<hbm>>) target_semaphore(%run_scoped3A_268 : memref<!tpu.dma_semaphore, #tpu.memory_space<semaphore_mem>>)
      %dma_wait3A_278 = arith.constant 0 : i32
      %dma_wait3A_279 = tpu.memref_slice %arg7[%run_scoped3A, %dma_wait3A_278] : memref<8x5120xf32, #tpu.memory_space<vmem>> -> memref<1x5120xf32, #tpu.memory_space<vmem>>
      %dma_wait3A_280 = tpu.memref_squeeze %dma_wait3A_279 : memref<1x5120xf32, #tpu.memory_space<vmem>> -> memref<5120xf32, #tpu.memory_space<vmem>>
      %dma_wait3A_281 = tpu.memref_slice %arg4[%run_scoped3A_23, %mul3A_22] : memref<8x819200xf32, #tpu.memory_space<hbm>> -> memref<1x5120xf32, #tpu.memory_space<hbm>>
      %dma_wait3A_282 = tpu.memref_squeeze %dma_wait3A_281 : memref<1x5120xf32, #tpu.memory_space<hbm>> -> memref<5120xf32, #tpu.memory_space<hbm>>
      %dma_wait3A_283 = tpu.memref_slice %arg4[%run_scoped3A_23, %mul3A_22] : memref<8x819200xf32, #tpu.memory_space<hbm>> -> memref<1x5120xf32, #tpu.memory_space<hbm>>
      %dma_wait3A_284 = tpu.memref_squeeze %dma_wait3A_283 : memref<1x5120xf32, #tpu.memory_space<hbm>> -> memref<5120xf32, #tpu.memory_space<hbm>>
      %dma_wait3A_285 = arith.constant 0 : i32
      %dma_wait3A_286 = tpu.memref_slice %arg7[%run_scoped3A, %dma_wait3A_285] : memref<8x5120xf32, #tpu.memory_space<vmem>> -> memref<1x5120xf32, #tpu.memory_space<vmem>>
      %dma_wait3A_287 = tpu.memref_squeeze %dma_wait3A_286 : memref<1x5120xf32, #tpu.memory_space<vmem>> -> memref<5120xf32, #tpu.memory_space<vmem>>
      tpu.wait_dma2 semaphore(%run_scoped3A_268 : memref<!tpu.dma_semaphore, #tpu.memory_space<semaphore_mem>>) src(%dma_wait3A_287 : memref<5120xf32, #tpu.memory_space<vmem>>) dst(%dma_wait3A_284 : memref<5120xf32, #tpu.memory_space<hbm>>)
      tpu.yield
    }) : () -> ()
    %mul3A_24 = arith.constant 128 : i32
    %mul3A_25 = arith.muli %add3A_4, %mul3A_24 : i32
    %run_scoped3A_26 = arith.constant 1 : i32
    %run_scoped3A_27 = arith.constant 1 : i32
    "tpu.region"() ({
      %run_scoped3A_268 = tpu.sem_alloc : memref<!tpu.dma_semaphore, #tpu.memory_space<semaphore_mem>>
      %dma_start3A = arith.constant 0 : i32
      %dma_start3A_269 = tpu.memref_slice %arg7[%run_scoped3A_26, %dma_start3A] : memref<8x5120xf32, #tpu.memory_space<vmem>> -> memref<1x5120xf32, #tpu.memory_space<vmem>>
      %dma_start3A_270 = tpu.memref_squeeze %dma_start3A_269 : memref<1x5120xf32, #tpu.memory_space<vmem>> -> memref<5120xf32, #tpu.memory_space<vmem>>
      %dma_start3A_271 = tpu.memref_slice %arg4[%run_scoped3A_27, %mul3A_25] : memref<8x819200xf32, #tpu.memory_space<hbm>> -> memref<1x5120xf32, #tpu.memory_space<hbm>>
      %dma_start3A_272 = tpu.memref_squeeze %dma_start3A_271 : memref<1x5120xf32, #tpu.memory_space<hbm>> -> memref<5120xf32, #tpu.memory_space<hbm>>
      %dma_start3A_273 = tpu.memref_slice %arg4[%run_scoped3A_27, %mul3A_25] : memref<8x819200xf32, #tpu.memory_space<hbm>> -> memref<1x5120xf32, #tpu.memory_space<hbm>>
      %dma_start3A_274 = tpu.memref_squeeze %dma_start3A_273 : memref<1x5120xf32, #tpu.memory_space<hbm>> -> memref<5120xf32, #tpu.memory_space<hbm>>
      %dma_start3A_275 = arith.constant 0 : i32
      %dma_start3A_276 = tpu.memref_slice %arg7[%run_scoped3A_26, %dma_start3A_275] : memref<8x5120xf32, #tpu.memory_space<vmem>> -> memref<1x5120xf32, #tpu.memory_space<vmem>>
      %dma_start3A_277 = tpu.memref_squeeze %dma_start3A_276 : memref<1x5120xf32, #tpu.memory_space<vmem>> -> memref<5120xf32, #tpu.memory_space<vmem>>
      tpu.enqueue_dma source(%dma_start3A_277 : memref<5120xf32, #tpu.memory_space<vmem>>) target(%dma_start3A_274 : memref<5120xf32, #tpu.memory_space<hbm>>) target_semaphore(%run_scoped3A_268 : memref<!tpu.dma_semaphore, #tpu.memory_space<semaphore_mem>>)
      %dma_wait3A_278 = arith.constant 0 : i32
      %dma_wait3A_279 = tpu.memref_slice %arg7[%run_scoped3A_26, %dma_wait3A_278] : memref<8x5120xf32, #tpu.memory_space<vmem>> -> memref<1x5120xf32, #tpu.memory_space<vmem>>
      %dma_wait3A_280 = tpu.memref_squeeze %dma_wait3A_279 : memref<1x5120xf32, #tpu.memory_space<vmem>> -> memref<5120xf32, #tpu.memory_space<vmem>>
      %dma_wait3A_281 = tpu.memref_slice %arg4[%run_scoped3A_27, %mul3A_25] : memref<8x819200xf32, #tpu.memory_space<hbm>> -> memref<1x5120xf32, #tpu.memory_space<hbm>>
      %dma_wait3A_282 = tpu.memref_squeeze %dma_wait3A_281 : memref<1x5120xf32, #tpu.memory_space<hbm>> -> memref<5120xf32, #tpu.memory_space<hbm>>
      %dma_wait3A_283 = tpu.memref_slice %arg4[%run_scoped3A_27, %mul3A_25] : memref<8x819200xf32, #tpu.memory_space<hbm>> -> memref<1x5120xf32, #tpu.memory_space<hbm>>
      %dma_wait3A_284 = tpu.memref_squeeze %dma_wait3A_283 : memref<1x5120xf32, #tpu.memory_space<hbm>> -> memref<5120xf32, #tpu.memory_space<hbm>>
      %dma_wait3A_285 = arith.constant 0 : i32
      %dma_wait3A_286 = tpu.memref_slice %arg7[%run_scoped3A_26, %dma_wait3A_285] : memref<8x5120xf32, #tpu.memory_space<vmem>> -> memref<1x5120xf32, #tpu.memory_space<vmem>>
      %dma_wait3A_287 = tpu.memref_squeeze %dma_wait3A_286 : memref<1x5120xf32, #tpu.memory_space<vmem>> -> memref<5120xf32, #tpu.memory_space<vmem>>
      tpu.wait_dma2 semaphore(%run_scoped3A_268 : memref<!tpu.dma_semaphore, #tpu.memory_space<semaphore_mem>>) src(%dma_wait3A_287 : memref<5120xf32, #tpu.memory_space<vmem>>) dst(%dma_wait3A_284 : memref<5120xf32, #tpu.memory_space<hbm>>)
      tpu.yield
    }) : () -> ()
    %mul3A_28 = arith.constant 128 : i32
    %mul3A_29 = arith.muli %add3A_4, %mul3A_28 : i32
    %run_scoped3A_30 = arith.constant 2 : i32
    %run_scoped3A_31 = arith.constant 2 : i32
    "tpu.region"() ({
      %run_scoped3A_268 = tpu.sem_alloc : memref<!tpu.dma_semaphore, #tpu.memory_space<semaphore_mem>>
      %dma_start3A = arith.constant 0 : i32
      %dma_start3A_269 = tpu.memref_slice %arg7[%run_scoped3A_30, %dma_start3A] : memref<8x5120xf32, #tpu.memory_space<vmem>> -> memref<1x5120xf32, #tpu.memory_space<vmem>>
      %dma_start3A_270 = tpu.memref_squeeze %dma_start3A_269 : memref<1x5120xf32, #tpu.memory_space<vmem>> -> memref<5120xf32, #tpu.memory_space<vmem>>
      %dma_start3A_271 = tpu.memref_slice %arg4[%run_scoped3A_31, %mul3A_29] : memref<8x819200xf32, #tpu.memory_space<hbm>> -> memref<1x5120xf32, #tpu.memory_space<hbm>>
      %dma_start3A_272 = tpu.memref_squeeze %dma_start3A_271 : memref<1x5120xf32, #tpu.memory_space<hbm>> -> memref<5120xf32, #tpu.memory_space<hbm>>
      %dma_start3A_273 = tpu.memref_slice %arg4[%run_scoped3A_31, %mul3A_29] : memref<8x819200xf32, #tpu.memory_space<hbm>> -> memref<1x5120xf32, #tpu.memory_space<hbm>>
      %dma_start3A_274 = tpu.memref_squeeze %dma_start3A_273 : memref<1x5120xf32, #tpu.memory_space<hbm>> -> memref<5120xf32, #tpu.memory_space<hbm>>
      %dma_start3A_275 = arith.constant 0 : i32
      %dma_start3A_276 = tpu.memref_slice %arg7[%run_scoped3A_30, %dma_start3A_275] : memref<8x5120xf32, #tpu.memory_space<vmem>> -> memref<1x5120xf32, #tpu.memory_space<vmem>>
      %dma_start3A_277 = tpu.memref_squeeze %dma_start3A_276 : memref<1x5120xf32, #tpu.memory_space<vmem>> -> memref<5120xf32, #tpu.memory_space<vmem>>
      tpu.enqueue_dma source(%dma_start3A_277 : memref<5120xf32, #tpu.memory_space<vmem>>) target(%dma_start3A_274 : memref<5120xf32, #tpu.memory_space<hbm>>) target_semaphore(%run_scoped3A_268 : memref<!tpu.dma_semaphore, #tpu.memory_space<semaphore_mem>>)
      %dma_wait3A_278 = arith.constant 0 : i32
      %dma_wait3A_279 = tpu.memref_slice %arg7[%run_scoped3A_30, %dma_wait3A_278] : memref<8x5120xf32, #tpu.memory_space<vmem>> -> memref<1x5120xf32, #tpu.memory_space<vmem>>
      %dma_wait3A_280 = tpu.memref_squeeze %dma_wait3A_279 : memref<1x5120xf32, #tpu.memory_space<vmem>> -> memref<5120xf32, #tpu.memory_space<vmem>>
      %dma_wait3A_281 = tpu.memref_slice %arg4[%run_scoped3A_31, %mul3A_29] : memref<8x819200xf32, #tpu.memory_space<hbm>> -> memref<1x5120xf32, #tpu.memory_space<hbm>>
      %dma_wait3A_282 = tpu.memref_squeeze %dma_wait3A_281 : memref<1x5120xf32, #tpu.memory_space<hbm>> -> memref<5120xf32, #tpu.memory_space<hbm>>
      %dma_wait3A_283 = tpu.memref_slice %arg4[%run_scoped3A_31, %mul3A_29] : memref<8x819200xf32, #tpu.memory_space<hbm>> -> memref<1x5120xf32, #tpu.memory_space<hbm>>
      %dma_wait3A_284 = tpu.memref_squeeze %dma_wait3A_283 : memref<1x5120xf32, #tpu.memory_space<hbm>> -> memref<5120xf32, #tpu.memory_space<hbm>>
      %dma_wait3A_285 = arith.constant 0 : i32
      %dma_wait3A_286 = tpu.memref_slice %arg7[%run_scoped3A_30, %dma_wait3A_285] : memref<8x5120xf32, #tpu.memory_space<vmem>> -> memref<1x5120xf32, #tpu.memory_space<vmem>>
      %dma_wait3A_287 = tpu.memref_squeeze %dma_wait3A_286 : memref<1x5120xf32, #tpu.memory_space<vmem>> -> memref<5120xf32, #tpu.memory_space<vmem>>
      tpu.wait_dma2 semaphore(%run_scoped3A_268 : memref<!tpu.dma_semaphore, #tpu.memory_space<semaphore_mem>>) src(%dma_wait3A_287 : memref<5120xf32, #tpu.memory_space<vmem>>) dst(%dma_wait3A_284 : memref<5120xf32, #tpu.memory_space<hbm>>)
      tpu.yield
    }) : () -> ()
    %mul3A_32 = arith.constant 128 : i32
    %mul3A_33 = arith.muli %add3A_4, %mul3A_32 : i32
    %run_scoped3A_34 = arith.constant 3 : i32
    %run_scoped3A_35 = arith.constant 3 : i32
    "tpu.region"() ({
      %run_scoped3A_268 = tpu.sem_alloc : memref<!tpu.dma_semaphore, #tpu.memory_space<semaphore_mem>>
      %dma_start3A = arith.constant 0 : i32
      %dma_start3A_269 = tpu.memref_slice %arg7[%run_scoped3A_34, %dma_start3A] : memref<8x5120xf32, #tpu.memory_space<vmem>> -> memref<1x5120xf32, #tpu.memory_space<vmem>>
      %dma_start3A_270 = tpu.memref_squeeze %dma_start3A_269 : memref<1x5120xf32, #tpu.memory_space<vmem>> -> memref<5120xf32, #tpu.memory_space<vmem>>
      %dma_start3A_271 = tpu.memref_slice %arg4[%run_scoped3A_35, %mul3A_33] : memref<8x819200xf32, #tpu.memory_space<hbm>> -> memref<1x5120xf32, #tpu.memory_space<hbm>>
      %dma_start3A_272 = tpu.memref_squeeze %dma_start3A_271 : memref<1x5120xf32, #tpu.memory_space<hbm>> -> memref<5120xf32, #tpu.memory_space<hbm>>
      %dma_start3A_273 = tpu.memref_slice %arg4[%run_scoped3A_35, %mul3A_33] : memref<8x819200xf32, #tpu.memory_space<hbm>> -> memref<1x5120xf32, #tpu.memory_space<hbm>>
      %dma_start3A_274 = tpu.memref_squeeze %dma_start3A_273 : memref<1x5120xf32, #tpu.memory_space<hbm>> -> memref<5120xf32, #tpu.memory_space<hbm>>
      %dma_start3A_275 = arith.constant 0 : i32
      %dma_start3A_276 = tpu.memref_slice %arg7[%run_scoped3A_34, %dma_start3A_275] : memref<8x5120xf32, #tpu.memory_space<vmem>> -> memref<1x5120xf32, #tpu.memory_space<vmem>>
      %dma_start3A_277 = tpu.memref_squeeze %dma_start3A_276 : memref<1x5120xf32, #tpu.memory_space<vmem>> -> memref<5120xf32, #tpu.memory_space<vmem>>
      tpu.enqueue_dma source(%dma_start3A_277 : memref<5120xf32, #tpu.memory_space<vmem>>) target(%dma_start3A_274 : memref<5120xf32, #tpu.memory_space<hbm>>) target_semaphore(%run_scoped3A_268 : memref<!tpu.dma_semaphore, #tpu.memory_space<semaphore_mem>>)
      %dma_wait3A_278 = arith.constant 0 : i32
      %dma_wait3A_279 = tpu.memref_slice %arg7[%run_scoped3A_34, %dma_wait3A_278] : memref<8x5120xf32, #tpu.memory_space<vmem>> -> memref<1x5120xf32, #tpu.memory_space<vmem>>
      %dma_wait3A_280 = tpu.memref_squeeze %dma_wait3A_279 : memref<1x5120xf32, #tpu.memory_space<vmem>> -> memref<5120xf32, #tpu.memory_space<vmem>>
      %dma_wait3A_281 = tpu.memref_slice %arg4[%run_scoped3A_35, %mul3A_33] : memref<8x819200xf32, #tpu.memory_space<hbm>> -> memref<1x5120xf32, #tpu.memory_space<hbm>>
      %dma_wait3A_282 = tpu.memref_squeeze %dma_wait3A_281 : memref<1x5120xf32, #tpu.memory_space<hbm>> -> memref<5120xf32, #tpu.memory_space<hbm>>
      %dma_wait3A_283 = tpu.memref_slice %arg4[%run_scoped3A_35, %mul3A_33] : memref<8x819200xf32, #tpu.memory_space<hbm>> -> memref<1x5120xf32, #tpu.memory_space<hbm>>
      %dma_wait3A_284 = tpu.memref_squeeze %dma_wait3A_283 : memref<1x5120xf32, #tpu.memory_space<hbm>> -> memref<5120xf32, #tpu.memory_space<hbm>>
      %dma_wait3A_285 = arith.constant 0 : i32
      %dma_wait3A_286 = tpu.memref_slice %arg7[%run_scoped3A_34, %dma_wait3A_285] : memref<8x5120xf32, #tpu.memory_space<vmem>> -> memref<1x5120xf32, #tpu.memory_space<vmem>>
      %dma_wait3A_287 = tpu.memref_squeeze %dma_wait3A_286 : memref<1x5120xf32, #tpu.memory_space<vmem>> -> memref<5120xf32, #tpu.memory_space<vmem>>
      tpu.wait_dma2 semaphore(%run_scoped3A_268 : memref<!tpu.dma_semaphore, #tpu.memory_space<semaphore_mem>>) src(%dma_wait3A_287 : memref<5120xf32, #tpu.memory_space<vmem>>) dst(%dma_wait3A_284 : memref<5120xf32, #tpu.memory_space<hbm>>)
      tpu.yield
    }) : () -> ()
    %mul3A_36 = arith.constant 128 : i32
    %mul3A_37 = arith.muli %add3A_4, %mul3A_36 : i32
    %run_scoped3A_38 = arith.constant 4 : i32
    %run_scoped3A_39 = arith.constant 4 : i32
    "tpu.region"() ({
      %run_scoped3A_268 = tpu.sem_alloc : memref<!tpu.dma_semaphore, #tpu.memory_space<semaphore_mem>>
      %dma_start3A = arith.constant 0 : i32
      %dma_start3A_269 = tpu.memref_slice %arg7[%run_scoped3A_38, %dma_start3A] : memref<8x5120xf32, #tpu.memory_space<vmem>> -> memref<1x5120xf32, #tpu.memory_space<vmem>>
      %dma_start3A_270 = tpu.memref_squeeze %dma_start3A_269 : memref<1x5120xf32, #tpu.memory_space<vmem>> -> memref<5120xf32, #tpu.memory_space<vmem>>
      %dma_start3A_271 = tpu.memref_slice %arg4[%run_scoped3A_39, %mul3A_37] : memref<8x819200xf32, #tpu.memory_space<hbm>> -> memref<1x5120xf32, #tpu.memory_space<hbm>>
      %dma_start3A_272 = tpu.memref_squeeze %dma_start3A_271 : memref<1x5120xf32, #tpu.memory_space<hbm>> -> memref<5120xf32, #tpu.memory_space<hbm>>
      %dma_start3A_273 = tpu.memref_slice %arg4[%run_scoped3A_39, %mul3A_37] : memref<8x819200xf32, #tpu.memory_space<hbm>> -> memref<1x5120xf32, #tpu.memory_space<hbm>>
      %dma_start3A_274 = tpu.memref_squeeze %dma_start3A_273 : memref<1x5120xf32, #tpu.memory_space<hbm>> -> memref<5120xf32, #tpu.memory_space<hbm>>
      %dma_start3A_275 = arith.constant 0 : i32
      %dma_start3A_276 = tpu.memref_slice %arg7[%run_scoped3A_38, %dma_start3A_275] : memref<8x5120xf32, #tpu.memory_space<vmem>> -> memref<1x5120xf32, #tpu.memory_space<vmem>>
      %dma_start3A_277 = tpu.memref_squeeze %dma_start3A_276 : memref<1x5120xf32, #tpu.memory_space<vmem>> -> memref<5120xf32, #tpu.memory_space<vmem>>
      tpu.enqueue_dma source(%dma_start3A_277 : memref<5120xf32, #tpu.memory_space<vmem>>) target(%dma_start3A_274 : memref<5120xf32, #tpu.memory_space<hbm>>) target_semaphore(%run_scoped3A_268 : memref<!tpu.dma_semaphore, #tpu.memory_space<semaphore_mem>>)
      %dma_wait3A_278 = arith.constant 0 : i32
      %dma_wait3A_279 = tpu.memref_slice %arg7[%run_scoped3A_38, %dma_wait3A_278] : memref<8x5120xf32, #tpu.memory_space<vmem>> -> memref<1x5120xf32, #tpu.memory_space<vmem>>
      %dma_wait3A_280 = tpu.memref_squeeze %dma_wait3A_279 : memref<1x5120xf32, #tpu.memory_space<vmem>> -> memref<5120xf32, #tpu.memory_space<vmem>>
      %dma_wait3A_281 = tpu.memref_slice %arg4[%run_scoped3A_39, %mul3A_37] : memref<8x819200xf32, #tpu.memory_space<hbm>> -> memref<1x5120xf32, #tpu.memory_space<hbm>>
      %dma_wait3A_282 = tpu.memref_squeeze %dma_wait3A_281 : memref<1x5120xf32, #tpu.memory_space<hbm>> -> memref<5120xf32, #tpu.memory_space<hbm>>
      %dma_wait3A_283 = tpu.memref_slice %arg4[%run_scoped3A_39, %mul3A_37] : memref<8x819200xf32, #tpu.memory_space<hbm>> -> memref<1x5120xf32, #tpu.memory_space<hbm>>
      %dma_wait3A_284 = tpu.memref_squeeze %dma_wait3A_283 : memref<1x5120xf32, #tpu.memory_space<hbm>> -> memref<5120xf32, #tpu.memory_space<hbm>>
      %dma_wait3A_285 = arith.constant 0 : i32
      %dma_wait3A_286 = tpu.memref_slice %arg7[%run_scoped3A_38, %dma_wait3A_285] : memref<8x5120xf32, #tpu.memory_space<vmem>> -> memref<1x5120xf32, #tpu.memory_space<vmem>>
      %dma_wait3A_287 = tpu.memref_squeeze %dma_wait3A_286 : memref<1x5120xf32, #tpu.memory_space<vmem>> -> memref<5120xf32, #tpu.memory_space<vmem>>
      tpu.wait_dma2 semaphore(%run_scoped3A_268 : memref<!tpu.dma_semaphore, #tpu.memory_space<semaphore_mem>>) src(%dma_wait3A_287 : memref<5120xf32, #tpu.memory_space<vmem>>) dst(%dma_wait3A_284 : memref<5120xf32, #tpu.memory_space<hbm>>)
      tpu.yield
    }) : () -> ()
    %mul3A_40 = arith.constant 128 : i32
    %mul3A_41 = arith.muli %add3A_4, %mul3A_40 : i32
    %run_scoped3A_42 = arith.constant 5 : i32
    %run_scoped3A_43 = arith.constant 5 : i32
    "tpu.region"() ({
      %run_scoped3A_268 = tpu.sem_alloc : memref<!tpu.dma_semaphore, #tpu.memory_space<semaphore_mem>>
      %dma_start3A = arith.constant 0 : i32
      %dma_start3A_269 = tpu.memref_slice %arg7[%run_scoped3A_42, %dma_start3A] : memref<8x5120xf32, #tpu.memory_space<vmem>> -> memref<1x5120xf32, #tpu.memory_space<vmem>>
      %dma_start3A_270 = tpu.memref_squeeze %dma_start3A_269 : memref<1x5120xf32, #tpu.memory_space<vmem>> -> memref<5120xf32, #tpu.memory_space<vmem>>
      %dma_start3A_271 = tpu.memref_slice %arg4[%run_scoped3A_43, %mul3A_41] : memref<8x819200xf32, #tpu.memory_space<hbm>> -> memref<1x5120xf32, #tpu.memory_space<hbm>>
      %dma_start3A_272 = tpu.memref_squeeze %dma_start3A_271 : memref<1x5120xf32, #tpu.memory_space<hbm>> -> memref<5120xf32, #tpu.memory_space<hbm>>
      %dma_start3A_273 = tpu.memref_slice %arg4[%run_scoped3A_43, %mul3A_41] : memref<8x819200xf32, #tpu.memory_space<hbm>> -> memref<1x5120xf32, #tpu.memory_space<hbm>>
      %dma_start3A_274 = tpu.memref_squeeze %dma_start3A_273 : memref<1x5120xf32, #tpu.memory_space<hbm>> -> memref<5120xf32, #tpu.memory_space<hbm>>
      %dma_start3A_275 = arith.constant 0 : i32
      %dma_start3A_276 = tpu.memref_slice %arg7[%run_scoped3A_42, %dma_start3A_275] : memref<8x5120xf32, #tpu.memory_space<vmem>> -> memref<1x5120xf32, #tpu.memory_space<vmem>>
      %dma_start3A_277 = tpu.memref_squeeze %dma_start3A_276 : memref<1x5120xf32, #tpu.memory_space<vmem>> -> memref<5120xf32, #tpu.memory_space<vmem>>
      tpu.enqueue_dma source(%dma_start3A_277 : memref<5120xf32, #tpu.memory_space<vmem>>) target(%dma_start3A_274 : memref<5120xf32, #tpu.memory_space<hbm>>) target_semaphore(%run_scoped3A_268 : memref<!tpu.dma_semaphore, #tpu.memory_space<semaphore_mem>>)
      %dma_wait3A_278 = arith.constant 0 : i32
      %dma_wait3A_279 = tpu.memref_slice %arg7[%run_scoped3A_42, %dma_wait3A_278] : memref<8x5120xf32, #tpu.memory_space<vmem>> -> memref<1x5120xf32, #tpu.memory_space<vmem>>
      %dma_wait3A_280 = tpu.memref_squeeze %dma_wait3A_279 : memref<1x5120xf32, #tpu.memory_space<vmem>> -> memref<5120xf32, #tpu.memory_space<vmem>>
      %dma_wait3A_281 = tpu.memref_slice %arg4[%run_scoped3A_43, %mul3A_41] : memref<8x819200xf32, #tpu.memory_space<hbm>> -> memref<1x5120xf32, #tpu.memory_space<hbm>>
      %dma_wait3A_282 = tpu.memref_squeeze %dma_wait3A_281 : memref<1x5120xf32, #tpu.memory_space<hbm>> -> memref<5120xf32, #tpu.memory_space<hbm>>
      %dma_wait3A_283 = tpu.memref_slice %arg4[%run_scoped3A_43, %mul3A_41] : memref<8x819200xf32, #tpu.memory_space<hbm>> -> memref<1x5120xf32, #tpu.memory_space<hbm>>
      %dma_wait3A_284 = tpu.memref_squeeze %dma_wait3A_283 : memref<1x5120xf32, #tpu.memory_space<hbm>> -> memref<5120xf32, #tpu.memory_space<hbm>>
      %dma_wait3A_285 = arith.constant 0 : i32
      %dma_wait3A_286 = tpu.memref_slice %arg7[%run_scoped3A_42, %dma_wait3A_285] : memref<8x5120xf32, #tpu.memory_space<vmem>> -> memref<1x5120xf32, #tpu.memory_space<vmem>>
      %dma_wait3A_287 = tpu.memref_squeeze %dma_wait3A_286 : memref<1x5120xf32, #tpu.memory_space<vmem>> -> memref<5120xf32, #tpu.memory_space<vmem>>
      tpu.wait_dma2 semaphore(%run_scoped3A_268 : memref<!tpu.dma_semaphore, #tpu.memory_space<semaphore_mem>>) src(%dma_wait3A_287 : memref<5120xf32, #tpu.memory_space<vmem>>) dst(%dma_wait3A_284 : memref<5120xf32, #tpu.memory_space<hbm>>)
      tpu.yield
    }) : () -> ()
    %mul3A_44 = arith.constant 128 : i32
    %mul3A_45 = arith.muli %add3A_4, %mul3A_44 : i32
    %run_scoped3A_46 = arith.constant 6 : i32
    %run_scoped3A_47 = arith.constant 6 : i32
    "tpu.region"() ({
      %run_scoped3A_268 = tpu.sem_alloc : memref<!tpu.dma_semaphore, #tpu.memory_space<semaphore_mem>>
      %dma_start3A = arith.constant 0 : i32
      %dma_start3A_269 = tpu.memref_slice %arg7[%run_scoped3A_46, %dma_start3A] : memref<8x5120xf32, #tpu.memory_space<vmem>> -> memref<1x5120xf32, #tpu.memory_space<vmem>>
      %dma_start3A_270 = tpu.memref_squeeze %dma_start3A_269 : memref<1x5120xf32, #tpu.memory_space<vmem>> -> memref<5120xf32, #tpu.memory_space<vmem>>
      %dma_start3A_271 = tpu.memref_slice %arg4[%run_scoped3A_47, %mul3A_45] : memref<8x819200xf32, #tpu.memory_space<hbm>> -> memref<1x5120xf32, #tpu.memory_space<hbm>>
      %dma_start3A_272 = tpu.memref_squeeze %dma_start3A_271 : memref<1x5120xf32, #tpu.memory_space<hbm>> -> memref<5120xf32, #tpu.memory_space<hbm>>
      %dma_start3A_273 = tpu.memref_slice %arg4[%run_scoped3A_47, %mul3A_45] : memref<8x819200xf32, #tpu.memory_space<hbm>> -> memref<1x5120xf32, #tpu.memory_space<hbm>>
      %dma_start3A_274 = tpu.memref_squeeze %dma_start3A_273 : memref<1x5120xf32, #tpu.memory_space<hbm>> -> memref<5120xf32, #tpu.memory_space<hbm>>
      %dma_start3A_275 = arith.constant 0 : i32
      %dma_start3A_276 = tpu.memref_slice %arg7[%run_scoped3A_46, %dma_start3A_275] : memref<8x5120xf32, #tpu.memory_space<vmem>> -> memref<1x5120xf32, #tpu.memory_space<vmem>>
      %dma_start3A_277 = tpu.memref_squeeze %dma_start3A_276 : memref<1x5120xf32, #tpu.memory_space<vmem>> -> memref<5120xf32, #tpu.memory_space<vmem>>
      tpu.enqueue_dma source(%dma_start3A_277 : memref<5120xf32, #tpu.memory_space<vmem>>) target(%dma_start3A_274 : memref<5120xf32, #tpu.memory_space<hbm>>) target_semaphore(%run_scoped3A_268 : memref<!tpu.dma_semaphore, #tpu.memory_space<semaphore_mem>>)
      %dma_wait3A_278 = arith.constant 0 : i32
      %dma_wait3A_279 = tpu.memref_slice %arg7[%run_scoped3A_46, %dma_wait3A_278] : memref<8x5120xf32, #tpu.memory_space<vmem>> -> memref<1x5120xf32, #tpu.memory_space<vmem>>
      %dma_wait3A_280 = tpu.memref_squeeze %dma_wait3A_279 : memref<1x5120xf32, #tpu.memory_space<vmem>> -> memref<5120xf32, #tpu.memory_space<vmem>>
      %dma_wait3A_281 = tpu.memref_slice %arg4[%run_scoped3A_47, %mul3A_45] : memref<8x819200xf32, #tpu.memory_space<hbm>> -> memref<1x5120xf32, #tpu.memory_space<hbm>>
      %dma_wait3A_282 = tpu.memref_squeeze %dma_wait3A_281 : memref<1x5120xf32, #tpu.memory_space<hbm>> -> memref<5120xf32, #tpu.memory_space<hbm>>
      %dma_wait3A_283 = tpu.memref_slice %arg4[%run_scoped3A_47, %mul3A_45] : memref<8x819200xf32, #tpu.memory_space<hbm>> -> memref<1x5120xf32, #tpu.memory_space<hbm>>
      %dma_wait3A_284 = tpu.memref_squeeze %dma_wait3A_283 : memref<1x5120xf32, #tpu.memory_space<hbm>> -> memref<5120xf32, #tpu.memory_space<hbm>>
      %dma_wait3A_285 = arith.constant 0 : i32
      %dma_wait3A_286 = tpu.memref_slice %arg7[%run_scoped3A_46, %dma_wait3A_285] : memref<8x5120xf32, #tpu.memory_space<vmem>> -> memref<1x5120xf32, #tpu.memory_space<vmem>>
      %dma_wait3A_287 = tpu.memref_squeeze %dma_wait3A_286 : memref<1x5120xf32, #tpu.memory_space<vmem>> -> memref<5120xf32, #tpu.memory_space<vmem>>
      tpu.wait_dma2 semaphore(%run_scoped3A_268 : memref<!tpu.dma_semaphore, #tpu.memory_space<semaphore_mem>>) src(%dma_wait3A_287 : memref<5120xf32, #tpu.memory_space<vmem>>) dst(%dma_wait3A_284 : memref<5120xf32, #tpu.memory_space<hbm>>)
      tpu.yield
    }) : () -> ()
    %mul3A_48 = arith.constant 128 : i32
    %mul3A_49 = arith.muli %add3A_4, %mul3A_48 : i32
    %run_scoped3A_50 = arith.constant 7 : i32
    %run_scoped3A_51 = arith.constant 7 : i32
    "tpu.region"() ({
      %run_scoped3A_268 = tpu.sem_alloc : memref<!tpu.dma_semaphore, #tpu.memory_space<semaphore_mem>>
      %dma_start3A = arith.constant 0 : i32
      %dma_start3A_269 = tpu.memref_slice %arg7[%run_scoped3A_50, %dma_start3A] : memref<8x5120xf32, #tpu.memory_space<vmem>> -> memref<1x5120xf32, #tpu.memory_space<vmem>>
      %dma_start3A_270 = tpu.memref_squeeze %dma_start3A_269 : memref<1x5120xf32, #tpu.memory_space<vmem>> -> memref<5120xf32, #tpu.memory_space<vmem>>
      %dma_start3A_271 = tpu.memref_slice %arg4[%run_scoped3A_51, %mul3A_49] : memref<8x819200xf32, #tpu.memory_space<hbm>> -> memref<1x5120xf32, #tpu.memory_space<hbm>>
      %dma_start3A_272 = tpu.memref_squeeze %dma_start3A_271 : memref<1x5120xf32, #tpu.memory_space<hbm>> -> memref<5120xf32, #tpu.memory_space<hbm>>
      %dma_start3A_273 = tpu.memref_slice %arg4[%run_scoped3A_51, %mul3A_49] : memref<8x819200xf32, #tpu.memory_space<hbm>> -> memref<1x5120xf32, #tpu.memory_space<hbm>>
      %dma_start3A_274 = tpu.memref_squeeze %dma_start3A_273 : memref<1x5120xf32, #tpu.memory_space<hbm>> -> memref<5120xf32, #tpu.memory_space<hbm>>
      %dma_start3A_275 = arith.constant 0 : i32
      %dma_start3A_276 = tpu.memref_slice %arg7[%run_scoped3A_50, %dma_start3A_275] : memref<8x5120xf32, #tpu.memory_space<vmem>> -> memref<1x5120xf32, #tpu.memory_space<vmem>>
      %dma_start3A_277 = tpu.memref_squeeze %dma_start3A_276 : memref<1x5120xf32, #tpu.memory_space<vmem>> -> memref<5120xf32, #tpu.memory_space<vmem>>
      tpu.enqueue_dma source(%dma_start3A_277 : memref<5120xf32, #tpu.memory_space<vmem>>) target(%dma_start3A_274 : memref<5120xf32, #tpu.memory_space<hbm>>) target_semaphore(%run_scoped3A_268 : memref<!tpu.dma_semaphore, #tpu.memory_space<semaphore_mem>>)
      %dma_wait3A_278 = arith.constant 0 : i32
      %dma_wait3A_279 = tpu.memref_slice %arg7[%run_scoped3A_50, %dma_wait3A_278] : memref<8x5120xf32, #tpu.memory_space<vmem>> -> memref<1x5120xf32, #tpu.memory_space<vmem>>
      %dma_wait3A_280 = tpu.memref_squeeze %dma_wait3A_279 : memref<1x5120xf32, #tpu.memory_space<vmem>> -> memref<5120xf32, #tpu.memory_space<vmem>>
      %dma_wait3A_281 = tpu.memref_slice %arg4[%run_scoped3A_51, %mul3A_49] : memref<8x819200xf32, #tpu.memory_space<hbm>> -> memref<1x5120xf32, #tpu.memory_space<hbm>>
      %dma_wait3A_282 = tpu.memref_squeeze %dma_wait3A_281 : memref<1x5120xf32, #tpu.memory_space<hbm>> -> memref<5120xf32, #tpu.memory_space<hbm>>
      %dma_wait3A_283 = tpu.memref_slice %arg4[%run_scoped3A_51, %mul3A_49] : memref<8x819200xf32, #tpu.memory_space<hbm>> -> memref<1x5120xf32, #tpu.memory_space<hbm>>
      %dma_wait3A_284 = tpu.memref_squeeze %dma_wait3A_283 : memref<1x5120xf32, #tpu.memory_space<hbm>> -> memref<5120xf32, #tpu.memory_space<hbm>>
      %dma_wait3A_285 = arith.constant 0 : i32
      %dma_wait3A_286 = tpu.memref_slice %arg7[%run_scoped3A_50, %dma_wait3A_285] : memref<8x5120xf32, #tpu.memory_space<vmem>> -> memref<1x5120xf32, #tpu.memory_space<vmem>>
      %dma_wait3A_287 = tpu.memref_squeeze %dma_wait3A_286 : memref<1x5120xf32, #tpu.memory_space<vmem>> -> memref<5120xf32, #tpu.memory_space<vmem>>
      tpu.wait_dma2 semaphore(%run_scoped3A_268 : memref<!tpu.dma_semaphore, #tpu.memory_space<semaphore_mem>>) src(%dma_wait3A_287 : memref<5120xf32, #tpu.memory_space<vmem>>) dst(%dma_wait3A_284 : memref<5120xf32, #tpu.memory_space<hbm>>)
      tpu.yield
    }) : () -> ()
    %mul3A_52 = arith.constant 200 : i32
    %mul3A_53 = arith.muli %add3A, %mul3A_52 : i32
    %add3A_54 = arith.constant 40 : i32
    %add3A_55 = arith.addi %mul3A_53, %add3A_54 : i32
    "tpu.region"() ({
      %run_scoped3A_268 = tpu.sem_alloc : memref<!tpu.dma_semaphore, #tpu.memory_space<semaphore_mem>>
      %dma_start3A = arith.constant 0 : i32
      %dma_start3A_269 = tpu.memref_slice %arg2[%add3A_55, %dma_start3A] : memref<6400x128xi32, #tpu.memory_space<hbm>> -> memref<40x128xi32, #tpu.memory_space<hbm>>
      %dma_start3A_270 = arith.constant 0 : i32
      %dma_start3A_271 = tpu.memref_slice %arg2[%add3A_55, %dma_start3A_270] : memref<6400x128xi32, #tpu.memory_space<hbm>> -> memref<40x128xi32, #tpu.memory_space<hbm>>
      tpu.enqueue_dma source(%dma_start3A_271 : memref<40x128xi32, #tpu.memory_space<hbm>>) target(%arg5 : memref<40x128xi32, #tpu.memory_space<vmem>>) target_semaphore(%run_scoped3A_268 : memref<!tpu.dma_semaphore, #tpu.memory_space<semaphore_mem>>)
      %dma_wait3A_272 = arith.constant 0 : i32
      %dma_wait3A_273 = tpu.memref_slice %arg2[%add3A_55, %dma_wait3A_272] : memref<6400x128xi32, #tpu.memory_space<hbm>> -> memref<40x128xi32, #tpu.memory_space<hbm>>
      %dma_wait3A_274 = arith.constant 0 : i32
      %dma_wait3A_275 = tpu.memref_slice %arg2[%add3A_55, %dma_wait3A_274] : memref<6400x128xi32, #tpu.memory_space<hbm>> -> memref<40x128xi32, #tpu.memory_space<hbm>>
      tpu.wait_dma2 semaphore(%run_scoped3A_268 : memref<!tpu.dma_semaphore, #tpu.memory_space<semaphore_mem>>) src(%dma_wait3A_275 : memref<40x128xi32, #tpu.memory_space<hbm>>) dst(%arg5 : memref<40x128xi32, #tpu.memory_space<vmem>>)
      tpu.yield
    }) : () -> ()
    %scan3A_56 = arith.constant 0 : i32
    %scan3A_57 = arith.constant 0 : i32
    %scan3A_58 = arith.constant 40 : i32
    %scan3A_59 = arith.addi %scan3A_57, %scan3A_58 : i32
    %scan3A_60 = arith.constant 1 : i32
    scf.for %scan3A_268 = %scan3A_57 to %scan3A_59 step %scan3A_60  : i32 {
      %mul3A_269 = arith.constant 128 : i32
      %mul3A_270 = arith.muli %scan3A_268, %mul3A_269 : i32
      %dma_start3A = arith.constant 0 : i32
      %dma_start3A_271 = tpu.memref_slice %arg6[%mul3A_270, %dma_start3A] : memref<5120x8xf32, #tpu.memory_space<vmem>> -> memref<128x8xf32, #tpu.memory_space<vmem>>
      %dma_start3A_272 = arith.constant 0 : i32
      %dma_start3A_273 = tpu.memref_slice %arg5[%scan3A_268, %dma_start3A_272] : memref<40x128xi32, #tpu.memory_space<vmem>> -> memref<1x128xi32, #tpu.memory_space<vmem>>
      %dma_start3A_274 = tpu.memref_squeeze %dma_start3A_273 : memref<1x128xi32, #tpu.memory_space<vmem>> -> memref<128xi32, #tpu.memory_space<vmem>>
      %dma_start3A_275 = arith.constant 0 : i32
      %dma_start3A_276 = arith.constant 0 : i32
      %dma_start3A_277 = tpu.memref_slice %arg3[%dma_start3A_275, %dma_start3A_276] : memref<1000000x8xf32, #tpu.memory_space<hbm>> -> memref<1000000x8xf32, #tpu.memory_space<hbm>>
      tpu.enqueue_indirect_dma source(%dma_start3A_277 : memref<1000000x8xf32, #tpu.memory_space<hbm>>) target(%dma_start3A_271 : memref<128x8xf32, #tpu.memory_space<vmem>>) offsets(%dma_start3A_274 : memref<128xi32, #tpu.memory_space<vmem>>) semaphore(%arg8 : memref<!tpu.dma_semaphore, #tpu.memory_space<semaphore_mem>>)
    }
    %scan3A_61 = arith.constant 40 : i32
    %dma_wait3A_62 = arith.constant 0 : i32
    %dma_wait3A_63 = arith.constant 0 : i32
    %dma_wait3A_64 = tpu.memref_slice %arg3[%dma_wait3A_62, %dma_wait3A_63] : memref<1000000x8xf32, #tpu.memory_space<hbm>> -> memref<5120x8xf32, #tpu.memory_space<hbm>>
    %dma_wait3A_65 = arith.constant 0 : i32
    %dma_wait3A_66 = arith.constant 0 : i32
    %dma_wait3A_67 = tpu.memref_slice %arg3[%dma_wait3A_65, %dma_wait3A_66] : memref<1000000x8xf32, #tpu.memory_space<hbm>> -> memref<5120x8xf32, #tpu.memory_space<hbm>>
    tpu.wait_dma2 semaphore(%arg8 : memref<!tpu.dma_semaphore, #tpu.memory_space<semaphore_mem>>) src(%dma_wait3A_67 : memref<5120x8xf32, #tpu.memory_space<hbm>>) dst(%arg6 : memref<5120x8xf32, #tpu.memory_space<vmem>>)
    %scan3A_68 = arith.constant 0 : i32
    %scan3A_69 = arith.constant 0 : i32
    %scan3A_70 = arith.constant 320 : i32
    %scan3A_71 = arith.addi %scan3A_69, %scan3A_70 : i32
    %scan3A_72 = arith.constant 1 : i32
    scf.for %scan3A_268 = %scan3A_69 to %scan3A_71 step %scan3A_72  : i32 {
      %mul3A_269 = arith.constant 16 : i32
      %mul3A_270 = arith.muli %scan3A_268, %mul3A_269 : i32
      %add3A_271 = vector.broadcast %mul3A_270 : i32 to vector<16xi32>
      %add3A_272 = arith.addi %add3A_271, %iota3A : vector<16xi32>
      %broadcast_in_dim3A = arith.constant 0 : i32
      %broadcast_in_dim3A_273 = vector.broadcast %broadcast_in_dim3A : i32 to vector<16xi32>
      %gather3A = tpu.vector_load_idx %arg6[%add3A_272, %broadcast_in_dim3A_273] : memref<5120x8xf32, #tpu.memory_space<vmem>>[vector<16xi32>, vector<16xi32>], vector<16xf32>,
      %mul3A_274 = arith.constant 16 : i32
      %mul3A_275 = arith.muli %scan3A_268, %mul3A_274 : i32
      %swap3A = arith.constant 0 : i32
      %swap3A_276 = arith.index_cast %swap3A : i32 to index
      %swap3A_277 = arith.index_cast %mul3A_275 : i32 to index
      %swap3A_278 = tpu.vector_load %arg7[%swap3A_276, %swap3A_277] {strides = array<i32>} : memref<8x5120xf32, #tpu.memory_space<vmem>>, vector<16xf32>,
      tpu.vector_store %arg7[%swap3A_276, %swap3A_277], %gather3A {strides = array<i32>} : memref<8x5120xf32, #tpu.memory_space<vmem>>, vector<16xf32>,
      %broadcast_in_dim3A_279 = arith.constant 1 : i32
      %broadcast_in_dim3A_280 = vector.broadcast %broadcast_in_dim3A_279 : i32 to vector<16xi32>
      %gather3A_281 = tpu.vector_load_idx %arg6[%add3A_272, %broadcast_in_dim3A_280] : memref<5120x8xf32, #tpu.memory_space<vmem>>[vector<16xi32>, vector<16xi32>], vector<16xf32>,
      %mul3A_282 = arith.constant 16 : i32
      %mul3A_283 = arith.muli %scan3A_268, %mul3A_282 : i32
      %swap3A_284 = arith.constant 1 : i32
      %swap3A_285 = arith.index_cast %swap3A_284 : i32 to index
      %swap3A_286 = arith.index_cast %mul3A_283 : i32 to index
      %swap3A_287 = tpu.vector_load %arg7[%swap3A_285, %swap3A_286] {strides = array<i32>} : memref<8x5120xf32, #tpu.memory_space<vmem>>, vector<16xf32>,
      tpu.vector_store %arg7[%swap3A_285, %swap3A_286], %gather3A_281 {strides = array<i32>} : memref<8x5120xf32, #tpu.memory_space<vmem>>, vector<16xf32>,
      %broadcast_in_dim3A_288 = arith.constant 2 : i32
      %broadcast_in_dim3A_289 = vector.broadcast %broadcast_in_dim3A_288 : i32 to vector<16xi32>
      %gather3A_290 = tpu.vector_load_idx %arg6[%add3A_272, %broadcast_in_dim3A_289] : memref<5120x8xf32, #tpu.memory_space<vmem>>[vector<16xi32>, vector<16xi32>], vector<16xf32>,
      %mul3A_291 = arith.constant 16 : i32
      %mul3A_292 = arith.muli %scan3A_268, %mul3A_291 : i32
      %swap3A_293 = arith.constant 2 : i32
      %swap3A_294 = arith.index_cast %swap3A_293 : i32 to index
      %swap3A_295 = arith.index_cast %mul3A_292 : i32 to index
      %swap3A_296 = tpu.vector_load %arg7[%swap3A_294, %swap3A_295] {strides = array<i32>} : memref<8x5120xf32, #tpu.memory_space<vmem>>, vector<16xf32>,
      tpu.vector_store %arg7[%swap3A_294, %swap3A_295], %gather3A_290 {strides = array<i32>} : memref<8x5120xf32, #tpu.memory_space<vmem>>, vector<16xf32>,
      %broadcast_in_dim3A_297 = arith.constant 3 : i32
      %broadcast_in_dim3A_298 = vector.broadcast %broadcast_in_dim3A_297 : i32 to vector<16xi32>
      %gather3A_299 = tpu.vector_load_idx %arg6[%add3A_272, %broadcast_in_dim3A_298] : memref<5120x8xf32, #tpu.memory_space<vmem>>[vector<16xi32>, vector<16xi32>], vector<16xf32>,
      %mul3A_300 = arith.constant 16 : i32
      %mul3A_301 = arith.muli %scan3A_268, %mul3A_300 : i32
      %swap3A_302 = arith.constant 3 : i32
      %swap3A_303 = arith.index_cast %swap3A_302 : i32 to index
      %swap3A_304 = arith.index_cast %mul3A_301 : i32 to index
      %swap3A_305 = tpu.vector_load %arg7[%swap3A_303, %swap3A_304] {strides = array<i32>} : memref<8x5120xf32, #tpu.memory_space<vmem>>, vector<16xf32>,
      tpu.vector_store %arg7[%swap3A_303, %swap3A_304], %gather3A_299 {strides = array<i32>} : memref<8x5120xf32, #tpu.memory_space<vmem>>, vector<16xf32>,
      %broadcast_in_dim3A_306 = arith.constant 4 : i32
      %broadcast_in_dim3A_307 = vector.broadcast %broadcast_in_dim3A_306 : i32 to vector<16xi32>
      %gather3A_308 = tpu.vector_load_idx %arg6[%add3A_272, %broadcast_in_dim3A_307] : memref<5120x8xf32, #tpu.memory_space<vmem>>[vector<16xi32>, vector<16xi32>], vector<16xf32>,
      %mul3A_309 = arith.constant 16 : i32
      %mul3A_310 = arith.muli %scan3A_268, %mul3A_309 : i32
      %swap3A_311 = arith.constant 4 : i32
      %swap3A_312 = arith.index_cast %swap3A_311 : i32 to index
      %swap3A_313 = arith.index_cast %mul3A_310 : i32 to index
      %swap3A_314 = tpu.vector_load %arg7[%swap3A_312, %swap3A_313] {strides = array<i32>} : memref<8x5120xf32, #tpu.memory_space<vmem>>, vector<16xf32>,
      tpu.vector_store %arg7[%swap3A_312, %swap3A_313], %gather3A_308 {strides = array<i32>} : memref<8x5120xf32, #tpu.memory_space<vmem>>, vector<16xf32>,
      %broadcast_in_dim3A_315 = arith.constant 5 : i32
      %broadcast_in_dim3A_316 = vector.broadcast %broadcast_in_dim3A_315 : i32 to vector<16xi32>
      %gather3A_317 = tpu.vector_load_idx %arg6[%add3A_272, %broadcast_in_dim3A_316] : memref<5120x8xf32, #tpu.memory_space<vmem>>[vector<16xi32>, vector<16xi32>], vector<16xf32>,
      %mul3A_318 = arith.constant 16 : i32
      %mul3A_319 = arith.muli %scan3A_268, %mul3A_318 : i32
      %swap3A_320 = arith.constant 5 : i32
      %swap3A_321 = arith.index_cast %swap3A_320 : i32 to index
      %swap3A_322 = arith.index_cast %mul3A_319 : i32 to index
      %swap3A_323 = tpu.vector_load %arg7[%swap3A_321, %swap3A_322] {strides = array<i32>} : memref<8x5120xf32, #tpu.memory_space<vmem>>, vector<16xf32>,
      tpu.vector_store %arg7[%swap3A_321, %swap3A_322], %gather3A_317 {strides = array<i32>} : memref<8x5120xf32, #tpu.memory_space<vmem>>, vector<16xf32>,
      %broadcast_in_dim3A_324 = arith.constant 6 : i32
      %broadcast_in_dim3A_325 = vector.broadcast %broadcast_in_dim3A_324 : i32 to vector<16xi32>
      %gather3A_326 = tpu.vector_load_idx %arg6[%add3A_272, %broadcast_in_dim3A_325] : memref<5120x8xf32, #tpu.memory_space<vmem>>[vector<16xi32>, vector<16xi32>], vector<16xf32>,
      %mul3A_327 = arith.constant 16 : i32
      %mul3A_328 = arith.muli %scan3A_268, %mul3A_327 : i32
      %swap3A_329 = arith.constant 6 : i32
      %swap3A_330 = arith.index_cast %swap3A_329 : i32 to index
      %swap3A_331 = arith.index_cast %mul3A_328 : i32 to index
      %swap3A_332 = tpu.vector_load %arg7[%swap3A_330, %swap3A_331] {strides = array<i32>} : memref<8x5120xf32, #tpu.memory_space<vmem>>, vector<16xf32>,
      tpu.vector_store %arg7[%swap3A_330, %swap3A_331], %gather3A_326 {strides = array<i32>} : memref<8x5120xf32, #tpu.memory_space<vmem>>, vector<16xf32>,
      %broadcast_in_dim3A_333 = arith.constant 7 : i32
      %broadcast_in_dim3A_334 = vector.broadcast %broadcast_in_dim3A_333 : i32 to vector<16xi32>
      %gather3A_335 = tpu.vector_load_idx %arg6[%add3A_272, %broadcast_in_dim3A_334] : memref<5120x8xf32, #tpu.memory_space<vmem>>[vector<16xi32>, vector<16xi32>], vector<16xf32>,
      %mul3A_336 = arith.constant 16 : i32
      %mul3A_337 = arith.muli %scan3A_268, %mul3A_336 : i32
      %swap3A_338 = arith.constant 7 : i32
      %swap3A_339 = arith.index_cast %swap3A_338 : i32 to index
      %swap3A_340 = arith.index_cast %mul3A_337 : i32 to index
      %swap3A_341 = tpu.vector_load %arg7[%swap3A_339, %swap3A_340] {strides = array<i32>} : memref<8x5120xf32, #tpu.memory_space<vmem>>, vector<16xf32>,
      tpu.vector_store %arg7[%swap3A_339, %swap3A_340], %gather3A_335 {strides = array<i32>} : memref<8x5120xf32, #tpu.memory_space<vmem>>, vector<16xf32>,
    }
    %scan3A_73 = arith.constant 320 : i32
    %mul3A_74 = arith.constant 128 : i32
    %mul3A_75 = arith.muli %add3A_55, %mul3A_74 : i32
    %run_scoped3A_76 = arith.constant 0 : i32
    %run_scoped3A_77 = arith.constant 0 : i32
    "tpu.region"() ({
      %run_scoped3A_268 = tpu.sem_alloc : memref<!tpu.dma_semaphore, #tpu.memory_space<semaphore_mem>>
      %dma_start3A = arith.constant 0 : i32
      %dma_start3A_269 = tpu.memref_slice %arg7[%run_scoped3A_76, %dma_start3A] : memref<8x5120xf32, #tpu.memory_space<vmem>> -> memref<1x5120xf32, #tpu.memory_space<vmem>>
      %dma_start3A_270 = tpu.memref_squeeze %dma_start3A_269 : memref<1x5120xf32, #tpu.memory_space<vmem>> -> memref<5120xf32, #tpu.memory_space<vmem>>
      %dma_start3A_271 = tpu.memref_slice %arg4[%run_scoped3A_77, %mul3A_75] : memref<8x819200xf32, #tpu.memory_space<hbm>> -> memref<1x5120xf32, #tpu.memory_space<hbm>>
      %dma_start3A_272 = tpu.memref_squeeze %dma_start3A_271 : memref<1x5120xf32, #tpu.memory_space<hbm>> -> memref<5120xf32, #tpu.memory_space<hbm>>
      %dma_start3A_273 = tpu.memref_slice %arg4[%run_scoped3A_77, %mul3A_75] : memref<8x819200xf32, #tpu.memory_space<hbm>> -> memref<1x5120xf32, #tpu.memory_space<hbm>>
      %dma_start3A_274 = tpu.memref_squeeze %dma_start3A_273 : memref<1x5120xf32, #tpu.memory_space<hbm>> -> memref<5120xf32, #tpu.memory_space<hbm>>
      %dma_start3A_275 = arith.constant 0 : i32
      %dma_start3A_276 = tpu.memref_slice %arg7[%run_scoped3A_76, %dma_start3A_275] : memref<8x5120xf32, #tpu.memory_space<vmem>> -> memref<1x5120xf32, #tpu.memory_space<vmem>>
      %dma_start3A_277 = tpu.memref_squeeze %dma_start3A_276 : memref<1x5120xf32, #tpu.memory_space<vmem>> -> memref<5120xf32, #tpu.memory_space<vmem>>
      tpu.enqueue_dma source(%dma_start3A_277 : memref<5120xf32, #tpu.memory_space<vmem>>) target(%dma_start3A_274 : memref<5120xf32, #tpu.memory_space<hbm>>) target_semaphore(%run_scoped3A_268 : memref<!tpu.dma_semaphore, #tpu.memory_space<semaphore_mem>>)
      %dma_wait3A_278 = arith.constant 0 : i32
      %dma_wait3A_279 = tpu.memref_slice %arg7[%run_scoped3A_76, %dma_wait3A_278] : memref<8x5120xf32, #tpu.memory_space<vmem>> -> memref<1x5120xf32, #tpu.memory_space<vmem>>
      %dma_wait3A_280 = tpu.memref_squeeze %dma_wait3A_279 : memref<1x5120xf32, #tpu.memory_space<vmem>> -> memref<5120xf32, #tpu.memory_space<vmem>>
      %dma_wait3A_281 = tpu.memref_slice %arg4[%run_scoped3A_77, %mul3A_75] : memref<8x819200xf32, #tpu.memory_space<hbm>> -> memref<1x5120xf32, #tpu.memory_space<hbm>>
      %dma_wait3A_282 = tpu.memref_squeeze %dma_wait3A_281 : memref<1x5120xf32, #tpu.memory_space<hbm>> -> memref<5120xf32, #tpu.memory_space<hbm>>
      %dma_wait3A_283 = tpu.memref_slice %arg4[%run_scoped3A_77, %mul3A_75] : memref<8x819200xf32, #tpu.memory_space<hbm>> -> memref<1x5120xf32, #tpu.memory_space<hbm>>
      %dma_wait3A_284 = tpu.memref_squeeze %dma_wait3A_283 : memref<1x5120xf32, #tpu.memory_space<hbm>> -> memref<5120xf32, #tpu.memory_space<hbm>>
      %dma_wait3A_285 = arith.constant 0 : i32
      %dma_wait3A_286 = tpu.memref_slice %arg7[%run_scoped3A_76, %dma_wait3A_285] : memref<8x5120xf32, #tpu.memory_space<vmem>> -> memref<1x5120xf32, #tpu.memory_space<vmem>>
      %dma_wait3A_287 = tpu.memref_squeeze %dma_wait3A_286 : memref<1x5120xf32, #tpu.memory_space<vmem>> -> memref<5120xf32, #tpu.memory_space<vmem>>
      tpu.wait_dma2 semaphore(%run_scoped3A_268 : memref<!tpu.dma_semaphore, #tpu.memory_space<semaphore_mem>>) src(%dma_wait3A_287 : memref<5120xf32, #tpu.memory_space<vmem>>) dst(%dma_wait3A_284 : memref<5120xf32, #tpu.memory_space<hbm>>)
      tpu.yield
    }) : () -> ()
    %mul3A_78 = arith.constant 128 : i32
    %mul3A_79 = arith.muli %add3A_55, %mul3A_78 : i32
    %run_scoped3A_80 = arith.constant 1 : i32
    %run_scoped3A_81 = arith.constant 1 : i32
    "tpu.region"() ({
      %run_scoped3A_268 = tpu.sem_alloc : memref<!tpu.dma_semaphore, #tpu.memory_space<semaphore_mem>>
      %dma_start3A = arith.constant 0 : i32
      %dma_start3A_269 = tpu.memref_slice %arg7[%run_scoped3A_80, %dma_start3A] : memref<8x5120xf32, #tpu.memory_space<vmem>> -> memref<1x5120xf32, #tpu.memory_space<vmem>>
      %dma_start3A_270 = tpu.memref_squeeze %dma_start3A_269 : memref<1x5120xf32, #tpu.memory_space<vmem>> -> memref<5120xf32, #tpu.memory_space<vmem>>
      %dma_start3A_271 = tpu.memref_slice %arg4[%run_scoped3A_81, %mul3A_79] : memref<8x819200xf32, #tpu.memory_space<hbm>> -> memref<1x5120xf32, #tpu.memory_space<hbm>>
      %dma_start3A_272 = tpu.memref_squeeze %dma_start3A_271 : memref<1x5120xf32, #tpu.memory_space<hbm>> -> memref<5120xf32, #tpu.memory_space<hbm>>
      %dma_start3A_273 = tpu.memref_slice %arg4[%run_scoped3A_81, %mul3A_79] : memref<8x819200xf32, #tpu.memory_space<hbm>> -> memref<1x5120xf32, #tpu.memory_space<hbm>>
      %dma_start3A_274 = tpu.memref_squeeze %dma_start3A_273 : memref<1x5120xf32, #tpu.memory_space<hbm>> -> memref<5120xf32, #tpu.memory_space<hbm>>
      %dma_start3A_275 = arith.constant 0 : i32
      %dma_start3A_276 = tpu.memref_slice %arg7[%run_scoped3A_80, %dma_start3A_275] : memref<8x5120xf32, #tpu.memory_space<vmem>> -> memref<1x5120xf32, #tpu.memory_space<vmem>>
      %dma_start3A_277 = tpu.memref_squeeze %dma_start3A_276 : memref<1x5120xf32, #tpu.memory_space<vmem>> -> memref<5120xf32, #tpu.memory_space<vmem>>
      tpu.enqueue_dma source(%dma_start3A_277 : memref<5120xf32, #tpu.memory_space<vmem>>) target(%dma_start3A_274 : memref<5120xf32, #tpu.memory_space<hbm>>) target_semaphore(%run_scoped3A_268 : memref<!tpu.dma_semaphore, #tpu.memory_space<semaphore_mem>>)
      %dma_wait3A_278 = arith.constant 0 : i32
      %dma_wait3A_279 = tpu.memref_slice %arg7[%run_scoped3A_80, %dma_wait3A_278] : memref<8x5120xf32, #tpu.memory_space<vmem>> -> memref<1x5120xf32, #tpu.memory_space<vmem>>
      %dma_wait3A_280 = tpu.memref_squeeze %dma_wait3A_279 : memref<1x5120xf32, #tpu.memory_space<vmem>> -> memref<5120xf32, #tpu.memory_space<vmem>>
      %dma_wait3A_281 = tpu.memref_slice %arg4[%run_scoped3A_81, %mul3A_79] : memref<8x819200xf32, #tpu.memory_space<hbm>> -> memref<1x5120xf32, #tpu.memory_space<hbm>>
      %dma_wait3A_282 = tpu.memref_squeeze %dma_wait3A_281 : memref<1x5120xf32, #tpu.memory_space<hbm>> -> memref<5120xf32, #tpu.memory_space<hbm>>
      %dma_wait3A_283 = tpu.memref_slice %arg4[%run_scoped3A_81, %mul3A_79] : memref<8x819200xf32, #tpu.memory_space<hbm>> -> memref<1x5120xf32, #tpu.memory_space<hbm>>
      %dma_wait3A_284 = tpu.memref_squeeze %dma_wait3A_283 : memref<1x5120xf32, #tpu.memory_space<hbm>> -> memref<5120xf32, #tpu.memory_space<hbm>>
      %dma_wait3A_285 = arith.constant 0 : i32
      %dma_wait3A_286 = tpu.memref_slice %arg7[%run_scoped3A_80, %dma_wait3A_285] : memref<8x5120xf32, #tpu.memory_space<vmem>> -> memref<1x5120xf32, #tpu.memory_space<vmem>>
      %dma_wait3A_287 = tpu.memref_squeeze %dma_wait3A_286 : memref<1x5120xf32, #tpu.memory_space<vmem>> -> memref<5120xf32, #tpu.memory_space<vmem>>
      tpu.wait_dma2 semaphore(%run_scoped3A_268 : memref<!tpu.dma_semaphore, #tpu.memory_space<semaphore_mem>>) src(%dma_wait3A_287 : memref<5120xf32, #tpu.memory_space<vmem>>) dst(%dma_wait3A_284 : memref<5120xf32, #tpu.memory_space<hbm>>)
      tpu.yield
    }) : () -> ()
    %mul3A_82 = arith.constant 128 : i32
    %mul3A_83 = arith.muli %add3A_55, %mul3A_82 : i32
    %run_scoped3A_84 = arith.constant 2 : i32
    %run_scoped3A_85 = arith.constant 2 : i32
    "tpu.region"() ({
      %run_scoped3A_268 = tpu.sem_alloc : memref<!tpu.dma_semaphore, #tpu.memory_space<semaphore_mem>>
      %dma_start3A = arith.constant 0 : i32
      %dma_start3A_269 = tpu.memref_slice %arg7[%run_scoped3A_84, %dma_start3A] : memref<8x5120xf32, #tpu.memory_space<vmem>> -> memref<1x5120xf32, #tpu.memory_space<vmem>>
      %dma_start3A_270 = tpu.memref_squeeze %dma_start3A_269 : memref<1x5120xf32, #tpu.memory_space<vmem>> -> memref<5120xf32, #tpu.memory_space<vmem>>
      %dma_start3A_271 = tpu.memref_slice %arg4[%run_scoped3A_85, %mul3A_83] : memref<8x819200xf32, #tpu.memory_space<hbm>> -> memref<1x5120xf32, #tpu.memory_space<hbm>>
      %dma_start3A_272 = tpu.memref_squeeze %dma_start3A_271 : memref<1x5120xf32, #tpu.memory_space<hbm>> -> memref<5120xf32, #tpu.memory_space<hbm>>
      %dma_start3A_273 = tpu.memref_slice %arg4[%run_scoped3A_85, %mul3A_83] : memref<8x819200xf32, #tpu.memory_space<hbm>> -> memref<1x5120xf32, #tpu.memory_space<hbm>>
      %dma_start3A_274 = tpu.memref_squeeze %dma_start3A_273 : memref<1x5120xf32, #tpu.memory_space<hbm>> -> memref<5120xf32, #tpu.memory_space<hbm>>
      %dma_start3A_275 = arith.constant 0 : i32
      %dma_start3A_276 = tpu.memref_slice %arg7[%run_scoped3A_84, %dma_start3A_275] : memref<8x5120xf32, #tpu.memory_space<vmem>> -> memref<1x5120xf32, #tpu.memory_space<vmem>>
      %dma_start3A_277 = tpu.memref_squeeze %dma_start3A_276 : memref<1x5120xf32, #tpu.memory_space<vmem>> -> memref<5120xf32, #tpu.memory_space<vmem>>
      tpu.enqueue_dma source(%dma_start3A_277 : memref<5120xf32, #tpu.memory_space<vmem>>) target(%dma_start3A_274 : memref<5120xf32, #tpu.memory_space<hbm>>) target_semaphore(%run_scoped3A_268 : memref<!tpu.dma_semaphore, #tpu.memory_space<semaphore_mem>>)
      %dma_wait3A_278 = arith.constant 0 : i32
      %dma_wait3A_279 = tpu.memref_slice %arg7[%run_scoped3A_84, %dma_wait3A_278] : memref<8x5120xf32, #tpu.memory_space<vmem>> -> memref<1x5120xf32, #tpu.memory_space<vmem>>
      %dma_wait3A_280 = tpu.memref_squeeze %dma_wait3A_279 : memref<1x5120xf32, #tpu.memory_space<vmem>> -> memref<5120xf32, #tpu.memory_space<vmem>>
      %dma_wait3A_281 = tpu.memref_slice %arg4[%run_scoped3A_85, %mul3A_83] : memref<8x819200xf32, #tpu.memory_space<hbm>> -> memref<1x5120xf32, #tpu.memory_space<hbm>>
      %dma_wait3A_282 = tpu.memref_squeeze %dma_wait3A_281 : memref<1x5120xf32, #tpu.memory_space<hbm>> -> memref<5120xf32, #tpu.memory_space<hbm>>
      %dma_wait3A_283 = tpu.memref_slice %arg4[%run_scoped3A_85, %mul3A_83] : memref<8x819200xf32, #tpu.memory_space<hbm>> -> memref<1x5120xf32, #tpu.memory_space<hbm>>
      %dma_wait3A_284 = tpu.memref_squeeze %dma_wait3A_283 : memref<1x5120xf32, #tpu.memory_space<hbm>> -> memref<5120xf32, #tpu.memory_space<hbm>>
      %dma_wait3A_285 = arith.constant 0 : i32
      %dma_wait3A_286 = tpu.memref_slice %arg7[%run_scoped3A_84, %dma_wait3A_285] : memref<8x5120xf32, #tpu.memory_space<vmem>> -> memref<1x5120xf32, #tpu.memory_space<vmem>>
      %dma_wait3A_287 = tpu.memref_squeeze %dma_wait3A_286 : memref<1x5120xf32, #tpu.memory_space<vmem>> -> memref<5120xf32, #tpu.memory_space<vmem>>
      tpu.wait_dma2 semaphore(%run_scoped3A_268 : memref<!tpu.dma_semaphore, #tpu.memory_space<semaphore_mem>>) src(%dma_wait3A_287 : memref<5120xf32, #tpu.memory_space<vmem>>) dst(%dma_wait3A_284 : memref<5120xf32, #tpu.memory_space<hbm>>)
      tpu.yield
    }) : () -> ()
    %mul3A_86 = arith.constant 128 : i32
    %mul3A_87 = arith.muli %add3A_55, %mul3A_86 : i32
    %run_scoped3A_88 = arith.constant 3 : i32
    %run_scoped3A_89 = arith.constant 3 : i32
    "tpu.region"() ({
      %run_scoped3A_268 = tpu.sem_alloc : memref<!tpu.dma_semaphore, #tpu.memory_space<semaphore_mem>>
      %dma_start3A = arith.constant 0 : i32
      %dma_start3A_269 = tpu.memref_slice %arg7[%run_scoped3A_88, %dma_start3A] : memref<8x5120xf32, #tpu.memory_space<vmem>> -> memref<1x5120xf32, #tpu.memory_space<vmem>>
      %dma_start3A_270 = tpu.memref_squeeze %dma_start3A_269 : memref<1x5120xf32, #tpu.memory_space<vmem>> -> memref<5120xf32, #tpu.memory_space<vmem>>
      %dma_start3A_271 = tpu.memref_slice %arg4[%run_scoped3A_89, %mul3A_87] : memref<8x819200xf32, #tpu.memory_space<hbm>> -> memref<1x5120xf32, #tpu.memory_space<hbm>>
      %dma_start3A_272 = tpu.memref_squeeze %dma_start3A_271 : memref<1x5120xf32, #tpu.memory_space<hbm>> -> memref<5120xf32, #tpu.memory_space<hbm>>
      %dma_start3A_273 = tpu.memref_slice %arg4[%run_scoped3A_89, %mul3A_87] : memref<8x819200xf32, #tpu.memory_space<hbm>> -> memref<1x5120xf32, #tpu.memory_space<hbm>>
      %dma_start3A_274 = tpu.memref_squeeze %dma_start3A_273 : memref<1x5120xf32, #tpu.memory_space<hbm>> -> memref<5120xf32, #tpu.memory_space<hbm>>
      %dma_start3A_275 = arith.constant 0 : i32
      %dma_start3A_276 = tpu.memref_slice %arg7[%run_scoped3A_88, %dma_start3A_275] : memref<8x5120xf32, #tpu.memory_space<vmem>> -> memref<1x5120xf32, #tpu.memory_space<vmem>>
      %dma_start3A_277 = tpu.memref_squeeze %dma_start3A_276 : memref<1x5120xf32, #tpu.memory_space<vmem>> -> memref<5120xf32, #tpu.memory_space<vmem>>
      tpu.enqueue_dma source(%dma_start3A_277 : memref<5120xf32, #tpu.memory_space<vmem>>) target(%dma_start3A_274 : memref<5120xf32, #tpu.memory_space<hbm>>) target_semaphore(%run_scoped3A_268 : memref<!tpu.dma_semaphore, #tpu.memory_space<semaphore_mem>>)
      %dma_wait3A_278 = arith.constant 0 : i32
      %dma_wait3A_279 = tpu.memref_slice %arg7[%run_scoped3A_88, %dma_wait3A_278] : memref<8x5120xf32, #tpu.memory_space<vmem>> -> memref<1x5120xf32, #tpu.memory_space<vmem>>
      %dma_wait3A_280 = tpu.memref_squeeze %dma_wait3A_279 : memref<1x5120xf32, #tpu.memory_space<vmem>> -> memref<5120xf32, #tpu.memory_space<vmem>>
      %dma_wait3A_281 = tpu.memref_slice %arg4[%run_scoped3A_89, %mul3A_87] : memref<8x819200xf32, #tpu.memory_space<hbm>> -> memref<1x5120xf32, #tpu.memory_space<hbm>>
      %dma_wait3A_282 = tpu.memref_squeeze %dma_wait3A_281 : memref<1x5120xf32, #tpu.memory_space<hbm>> -> memref<5120xf32, #tpu.memory_space<hbm>>
      %dma_wait3A_283 = tpu.memref_slice %arg4[%run_scoped3A_89, %mul3A_87] : memref<8x819200xf32, #tpu.memory_space<hbm>> -> memref<1x5120xf32, #tpu.memory_space<hbm>>
      %dma_wait3A_284 = tpu.memref_squeeze %dma_wait3A_283 : memref<1x5120xf32, #tpu.memory_space<hbm>> -> memref<5120xf32, #tpu.memory_space<hbm>>
      %dma_wait3A_285 = arith.constant 0 : i32
      %dma_wait3A_286 = tpu.memref_slice %arg7[%run_scoped3A_88, %dma_wait3A_285] : memref<8x5120xf32, #tpu.memory_space<vmem>> -> memref<1x5120xf32, #tpu.memory_space<vmem>>
      %dma_wait3A_287 = tpu.memref_squeeze %dma_wait3A_286 : memref<1x5120xf32, #tpu.memory_space<vmem>> -> memref<5120xf32, #tpu.memory_space<vmem>>
      tpu.wait_dma2 semaphore(%run_scoped3A_268 : memref<!tpu.dma_semaphore, #tpu.memory_space<semaphore_mem>>) src(%dma_wait3A_287 : memref<5120xf32, #tpu.memory_space<vmem>>) dst(%dma_wait3A_284 : memref<5120xf32, #tpu.memory_space<hbm>>)
      tpu.yield
    }) : () -> ()
    %mul3A_90 = arith.constant 128 : i32
    %mul3A_91 = arith.muli %add3A_55, %mul3A_90 : i32
    %run_scoped3A_92 = arith.constant 4 : i32
    %run_scoped3A_93 = arith.constant 4 : i32
    "tpu.region"() ({
      %run_scoped3A_268 = tpu.sem_alloc : memref<!tpu.dma_semaphore, #tpu.memory_space<semaphore_mem>>
      %dma_start3A = arith.constant 0 : i32
      %dma_start3A_269 = tpu.memref_slice %arg7[%run_scoped3A_92, %dma_start3A] : memref<8x5120xf32, #tpu.memory_space<vmem>> -> memref<1x5120xf32, #tpu.memory_space<vmem>>
      %dma_start3A_270 = tpu.memref_squeeze %dma_start3A_269 : memref<1x5120xf32, #tpu.memory_space<vmem>> -> memref<5120xf32, #tpu.memory_space<vmem>>
      %dma_start3A_271 = tpu.memref_slice %arg4[%run_scoped3A_93, %mul3A_91] : memref<8x819200xf32, #tpu.memory_space<hbm>> -> memref<1x5120xf32, #tpu.memory_space<hbm>>
      %dma_start3A_272 = tpu.memref_squeeze %dma_start3A_271 : memref<1x5120xf32, #tpu.memory_space<hbm>> -> memref<5120xf32, #tpu.memory_space<hbm>>
      %dma_start3A_273 = tpu.memref_slice %arg4[%run_scoped3A_93, %mul3A_91] : memref<8x819200xf32, #tpu.memory_space<hbm>> -> memref<1x5120xf32, #tpu.memory_space<hbm>>
      %dma_start3A_274 = tpu.memref_squeeze %dma_start3A_273 : memref<1x5120xf32, #tpu.memory_space<hbm>> -> memref<5120xf32, #tpu.memory_space<hbm>>
      %dma_start3A_275 = arith.constant 0 : i32
      %dma_start3A_276 = tpu.memref_slice %arg7[%run_scoped3A_92, %dma_start3A_275] : memref<8x5120xf32, #tpu.memory_space<vmem>> -> memref<1x5120xf32, #tpu.memory_space<vmem>>
      %dma_start3A_277 = tpu.memref_squeeze %dma_start3A_276 : memref<1x5120xf32, #tpu.memory_space<vmem>> -> memref<5120xf32, #tpu.memory_space<vmem>>
      tpu.enqueue_dma source(%dma_start3A_277 : memref<5120xf32, #tpu.memory_space<vmem>>) target(%dma_start3A_274 : memref<5120xf32, #tpu.memory_space<hbm>>) target_semaphore(%run_scoped3A_268 : memref<!tpu.dma_semaphore, #tpu.memory_space<semaphore_mem>>)
      %dma_wait3A_278 = arith.constant 0 : i32
      %dma_wait3A_279 = tpu.memref_slice %arg7[%run_scoped3A_92, %dma_wait3A_278] : memref<8x5120xf32, #tpu.memory_space<vmem>> -> memref<1x5120xf32, #tpu.memory_space<vmem>>
      %dma_wait3A_280 = tpu.memref_squeeze %dma_wait3A_279 : memref<1x5120xf32, #tpu.memory_space<vmem>> -> memref<5120xf32, #tpu.memory_space<vmem>>
      %dma_wait3A_281 = tpu.memref_slice %arg4[%run_scoped3A_93, %mul3A_91] : memref<8x819200xf32, #tpu.memory_space<hbm>> -> memref<1x5120xf32, #tpu.memory_space<hbm>>
      %dma_wait3A_282 = tpu.memref_squeeze %dma_wait3A_281 : memref<1x5120xf32, #tpu.memory_space<hbm>> -> memref<5120xf32, #tpu.memory_space<hbm>>
      %dma_wait3A_283 = tpu.memref_slice %arg4[%run_scoped3A_93, %mul3A_91] : memref<8x819200xf32, #tpu.memory_space<hbm>> -> memref<1x5120xf32, #tpu.memory_space<hbm>>
      %dma_wait3A_284 = tpu.memref_squeeze %dma_wait3A_283 : memref<1x5120xf32, #tpu.memory_space<hbm>> -> memref<5120xf32, #tpu.memory_space<hbm>>
      %dma_wait3A_285 = arith.constant 0 : i32
      %dma_wait3A_286 = tpu.memref_slice %arg7[%run_scoped3A_92, %dma_wait3A_285] : memref<8x5120xf32, #tpu.memory_space<vmem>> -> memref<1x5120xf32, #tpu.memory_space<vmem>>
      %dma_wait3A_287 = tpu.memref_squeeze %dma_wait3A_286 : memref<1x5120xf32, #tpu.memory_space<vmem>> -> memref<5120xf32, #tpu.memory_space<vmem>>
      tpu.wait_dma2 semaphore(%run_scoped3A_268 : memref<!tpu.dma_semaphore, #tpu.memory_space<semaphore_mem>>) src(%dma_wait3A_287 : memref<5120xf32, #tpu.memory_space<vmem>>) dst(%dma_wait3A_284 : memref<5120xf32, #tpu.memory_space<hbm>>)
      tpu.yield
    }) : () -> ()
    %mul3A_94 = arith.constant 128 : i32
    %mul3A_95 = arith.muli %add3A_55, %mul3A_94 : i32
    %run_scoped3A_96 = arith.constant 5 : i32
    %run_scoped3A_97 = arith.constant 5 : i32
    "tpu.region"() ({
      %run_scoped3A_268 = tpu.sem_alloc : memref<!tpu.dma_semaphore, #tpu.memory_space<semaphore_mem>>
      %dma_start3A = arith.constant 0 : i32
      %dma_start3A_269 = tpu.memref_slice %arg7[%run_scoped3A_96, %dma_start3A] : memref<8x5120xf32, #tpu.memory_space<vmem>> -> memref<1x5120xf32, #tpu.memory_space<vmem>>
      %dma_start3A_270 = tpu.memref_squeeze %dma_start3A_269 : memref<1x5120xf32, #tpu.memory_space<vmem>> -> memref<5120xf32, #tpu.memory_space<vmem>>
      %dma_start3A_271 = tpu.memref_slice %arg4[%run_scoped3A_97, %mul3A_95] : memref<8x819200xf32, #tpu.memory_space<hbm>> -> memref<1x5120xf32, #tpu.memory_space<hbm>>
      %dma_start3A_272 = tpu.memref_squeeze %dma_start3A_271 : memref<1x5120xf32, #tpu.memory_space<hbm>> -> memref<5120xf32, #tpu.memory_space<hbm>>
      %dma_start3A_273 = tpu.memref_slice %arg4[%run_scoped3A_97, %mul3A_95] : memref<8x819200xf32, #tpu.memory_space<hbm>> -> memref<1x5120xf32, #tpu.memory_space<hbm>>
      %dma_start3A_274 = tpu.memref_squeeze %dma_start3A_273 : memref<1x5120xf32, #tpu.memory_space<hbm>> -> memref<5120xf32, #tpu.memory_space<hbm>>
      %dma_start3A_275 = arith.constant 0 : i32
      %dma_start3A_276 = tpu.memref_slice %arg7[%run_scoped3A_96, %dma_start3A_275] : memref<8x5120xf32, #tpu.memory_space<vmem>> -> memref<1x5120xf32, #tpu.memory_space<vmem>>
      %dma_start3A_277 = tpu.memref_squeeze %dma_start3A_276 : memref<1x5120xf32, #tpu.memory_space<vmem>> -> memref<5120xf32, #tpu.memory_space<vmem>>
      tpu.enqueue_dma source(%dma_start3A_277 : memref<5120xf32, #tpu.memory_space<vmem>>) target(%dma_start3A_274 : memref<5120xf32, #tpu.memory_space<hbm>>) target_semaphore(%run_scoped3A_268 : memref<!tpu.dma_semaphore, #tpu.memory_space<semaphore_mem>>)
      %dma_wait3A_278 = arith.constant 0 : i32
      %dma_wait3A_279 = tpu.memref_slice %arg7[%run_scoped3A_96, %dma_wait3A_278] : memref<8x5120xf32, #tpu.memory_space<vmem>> -> memref<1x5120xf32, #tpu.memory_space<vmem>>
      %dma_wait3A_280 = tpu.memref_squeeze %dma_wait3A_279 : memref<1x5120xf32, #tpu.memory_space<vmem>> -> memref<5120xf32, #tpu.memory_space<vmem>>
      %dma_wait3A_281 = tpu.memref_slice %arg4[%run_scoped3A_97, %mul3A_95] : memref<8x819200xf32, #tpu.memory_space<hbm>> -> memref<1x5120xf32, #tpu.memory_space<hbm>>
      %dma_wait3A_282 = tpu.memref_squeeze %dma_wait3A_281 : memref<1x5120xf32, #tpu.memory_space<hbm>> -> memref<5120xf32, #tpu.memory_space<hbm>>
      %dma_wait3A_283 = tpu.memref_slice %arg4[%run_scoped3A_97, %mul3A_95] : memref<8x819200xf32, #tpu.memory_space<hbm>> -> memref<1x5120xf32, #tpu.memory_space<hbm>>
      %dma_wait3A_284 = tpu.memref_squeeze %dma_wait3A_283 : memref<1x5120xf32, #tpu.memory_space<hbm>> -> memref<5120xf32, #tpu.memory_space<hbm>>
      %dma_wait3A_285 = arith.constant 0 : i32
      %dma_wait3A_286 = tpu.memref_slice %arg7[%run_scoped3A_96, %dma_wait3A_285] : memref<8x5120xf32, #tpu.memory_space<vmem>> -> memref<1x5120xf32, #tpu.memory_space<vmem>>
      %dma_wait3A_287 = tpu.memref_squeeze %dma_wait3A_286 : memref<1x5120xf32, #tpu.memory_space<vmem>> -> memref<5120xf32, #tpu.memory_space<vmem>>
      tpu.wait_dma2 semaphore(%run_scoped3A_268 : memref<!tpu.dma_semaphore, #tpu.memory_space<semaphore_mem>>) src(%dma_wait3A_287 : memref<5120xf32, #tpu.memory_space<vmem>>) dst(%dma_wait3A_284 : memref<5120xf32, #tpu.memory_space<hbm>>)
      tpu.yield
    }) : () -> ()
    %mul3A_98 = arith.constant 128 : i32
    %mul3A_99 = arith.muli %add3A_55, %mul3A_98 : i32
    %run_scoped3A_100 = arith.constant 6 : i32
    %run_scoped3A_101 = arith.constant 6 : i32
    "tpu.region"() ({
      %run_scoped3A_268 = tpu.sem_alloc : memref<!tpu.dma_semaphore, #tpu.memory_space<semaphore_mem>>
      %dma_start3A = arith.constant 0 : i32
      %dma_start3A_269 = tpu.memref_slice %arg7[%run_scoped3A_100, %dma_start3A] : memref<8x5120xf32, #tpu.memory_space<vmem>> -> memref<1x5120xf32, #tpu.memory_space<vmem>>
      %dma_start3A_270 = tpu.memref_squeeze %dma_start3A_269 : memref<1x5120xf32, #tpu.memory_space<vmem>> -> memref<5120xf32, #tpu.memory_space<vmem>>
      %dma_start3A_271 = tpu.memref_slice %arg4[%run_scoped3A_101, %mul3A_99] : memref<8x819200xf32, #tpu.memory_space<hbm>> -> memref<1x5120xf32, #tpu.memory_space<hbm>>
      %dma_start3A_272 = tpu.memref_squeeze %dma_start3A_271 : memref<1x5120xf32, #tpu.memory_space<hbm>> -> memref<5120xf32, #tpu.memory_space<hbm>>
      %dma_start3A_273 = tpu.memref_slice %arg4[%run_scoped3A_101, %mul3A_99] : memref<8x819200xf32, #tpu.memory_space<hbm>> -> memref<1x5120xf32, #tpu.memory_space<hbm>>
      %dma_start3A_274 = tpu.memref_squeeze %dma_start3A_273 : memref<1x5120xf32, #tpu.memory_space<hbm>> -> memref<5120xf32, #tpu.memory_space<hbm>>
      %dma_start3A_275 = arith.constant 0 : i32
      %dma_start3A_276 = tpu.memref_slice %arg7[%run_scoped3A_100, %dma_start3A_275] : memref<8x5120xf32, #tpu.memory_space<vmem>> -> memref<1x5120xf32, #tpu.memory_space<vmem>>
      %dma_start3A_277 = tpu.memref_squeeze %dma_start3A_276 : memref<1x5120xf32, #tpu.memory_space<vmem>> -> memref<5120xf32, #tpu.memory_space<vmem>>
      tpu.enqueue_dma source(%dma_start3A_277 : memref<5120xf32, #tpu.memory_space<vmem>>) target(%dma_start3A_274 : memref<5120xf32, #tpu.memory_space<hbm>>) target_semaphore(%run_scoped3A_268 : memref<!tpu.dma_semaphore, #tpu.memory_space<semaphore_mem>>)
      %dma_wait3A_278 = arith.constant 0 : i32
      %dma_wait3A_279 = tpu.memref_slice %arg7[%run_scoped3A_100, %dma_wait3A_278] : memref<8x5120xf32, #tpu.memory_space<vmem>> -> memref<1x5120xf32, #tpu.memory_space<vmem>>
      %dma_wait3A_280 = tpu.memref_squeeze %dma_wait3A_279 : memref<1x5120xf32, #tpu.memory_space<vmem>> -> memref<5120xf32, #tpu.memory_space<vmem>>
      %dma_wait3A_281 = tpu.memref_slice %arg4[%run_scoped3A_101, %mul3A_99] : memref<8x819200xf32, #tpu.memory_space<hbm>> -> memref<1x5120xf32, #tpu.memory_space<hbm>>
      %dma_wait3A_282 = tpu.memref_squeeze %dma_wait3A_281 : memref<1x5120xf32, #tpu.memory_space<hbm>> -> memref<5120xf32, #tpu.memory_space<hbm>>
      %dma_wait3A_283 = tpu.memref_slice %arg4[%run_scoped3A_101, %mul3A_99] : memref<8x819200xf32, #tpu.memory_space<hbm>> -> memref<1x5120xf32, #tpu.memory_space<hbm>>
      %dma_wait3A_284 = tpu.memref_squeeze %dma_wait3A_283 : memref<1x5120xf32, #tpu.memory_space<hbm>> -> memref<5120xf32, #tpu.memory_space<hbm>>
      %dma_wait3A_285 = arith.constant 0 : i32
      %dma_wait3A_286 = tpu.memref_slice %arg7[%run_scoped3A_100, %dma_wait3A_285] : memref<8x5120xf32, #tpu.memory_space<vmem>> -> memref<1x5120xf32, #tpu.memory_space<vmem>>
      %dma_wait3A_287 = tpu.memref_squeeze %dma_wait3A_286 : memref<1x5120xf32, #tpu.memory_space<vmem>> -> memref<5120xf32, #tpu.memory_space<vmem>>
      tpu.wait_dma2 semaphore(%run_scoped3A_268 : memref<!tpu.dma_semaphore, #tpu.memory_space<semaphore_mem>>) src(%dma_wait3A_287 : memref<5120xf32, #tpu.memory_space<vmem>>) dst(%dma_wait3A_284 : memref<5120xf32, #tpu.memory_space<hbm>>)
      tpu.yield
    }) : () -> ()
    %mul3A_102 = arith.constant 128 : i32
    %mul3A_103 = arith.muli %add3A_55, %mul3A_102 : i32
    %run_scoped3A_104 = arith.constant 7 : i32
    %run_scoped3A_105 = arith.constant 7 : i32
    "tpu.region"() ({
      %run_scoped3A_268 = tpu.sem_alloc : memref<!tpu.dma_semaphore, #tpu.memory_space<semaphore_mem>>
      %dma_start3A = arith.constant 0 : i32
      %dma_start3A_269 = tpu.memref_slice %arg7[%run_scoped3A_104, %dma_start3A] : memref<8x5120xf32, #tpu.memory_space<vmem>> -> memref<1x5120xf32, #tpu.memory_space<vmem>>
      %dma_start3A_270 = tpu.memref_squeeze %dma_start3A_269 : memref<1x5120xf32, #tpu.memory_space<vmem>> -> memref<5120xf32, #tpu.memory_space<vmem>>
      %dma_start3A_271 = tpu.memref_slice %arg4[%run_scoped3A_105, %mul3A_103] : memref<8x819200xf32, #tpu.memory_space<hbm>> -> memref<1x5120xf32, #tpu.memory_space<hbm>>
      %dma_start3A_272 = tpu.memref_squeeze %dma_start3A_271 : memref<1x5120xf32, #tpu.memory_space<hbm>> -> memref<5120xf32, #tpu.memory_space<hbm>>
      %dma_start3A_273 = tpu.memref_slice %arg4[%run_scoped3A_105, %mul3A_103] : memref<8x819200xf32, #tpu.memory_space<hbm>> -> memref<1x5120xf32, #tpu.memory_space<hbm>>
      %dma_start3A_274 = tpu.memref_squeeze %dma_start3A_273 : memref<1x5120xf32, #tpu.memory_space<hbm>> -> memref<5120xf32, #tpu.memory_space<hbm>>
      %dma_start3A_275 = arith.constant 0 : i32
      %dma_start3A_276 = tpu.memref_slice %arg7[%run_scoped3A_104, %dma_start3A_275] : memref<8x5120xf32, #tpu.memory_space<vmem>> -> memref<1x5120xf32, #tpu.memory_space<vmem>>
      %dma_start3A_277 = tpu.memref_squeeze %dma_start3A_276 : memref<1x5120xf32, #tpu.memory_space<vmem>> -> memref<5120xf32, #tpu.memory_space<vmem>>
      tpu.enqueue_dma source(%dma_start3A_277 : memref<5120xf32, #tpu.memory_space<vmem>>) target(%dma_start3A_274 : memref<5120xf32, #tpu.memory_space<hbm>>) target_semaphore(%run_scoped3A_268 : memref<!tpu.dma_semaphore, #tpu.memory_space<semaphore_mem>>)
      %dma_wait3A_278 = arith.constant 0 : i32
      %dma_wait3A_279 = tpu.memref_slice %arg7[%run_scoped3A_104, %dma_wait3A_278] : memref<8x5120xf32, #tpu.memory_space<vmem>> -> memref<1x5120xf32, #tpu.memory_space<vmem>>
      %dma_wait3A_280 = tpu.memref_squeeze %dma_wait3A_279 : memref<1x5120xf32, #tpu.memory_space<vmem>> -> memref<5120xf32, #tpu.memory_space<vmem>>
      %dma_wait3A_281 = tpu.memref_slice %arg4[%run_scoped3A_105, %mul3A_103] : memref<8x819200xf32, #tpu.memory_space<hbm>> -> memref<1x5120xf32, #tpu.memory_space<hbm>>
      %dma_wait3A_282 = tpu.memref_squeeze %dma_wait3A_281 : memref<1x5120xf32, #tpu.memory_space<hbm>> -> memref<5120xf32, #tpu.memory_space<hbm>>
      %dma_wait3A_283 = tpu.memref_slice %arg4[%run_scoped3A_105, %mul3A_103] : memref<8x819200xf32, #tpu.memory_space<hbm>> -> memref<1x5120xf32, #tpu.memory_space<hbm>>
      %dma_wait3A_284 = tpu.memref_squeeze %dma_wait3A_283 : memref<1x5120xf32, #tpu.memory_space<hbm>> -> memref<5120xf32, #tpu.memory_space<hbm>>
      %dma_wait3A_285 = arith.constant 0 : i32
      %dma_wait3A_286 = tpu.memref_slice %arg7[%run_scoped3A_104, %dma_wait3A_285] : memref<8x5120xf32, #tpu.memory_space<vmem>> -> memref<1x5120xf32, #tpu.memory_space<vmem>>
      %dma_wait3A_287 = tpu.memref_squeeze %dma_wait3A_286 : memref<1x5120xf32, #tpu.memory_space<vmem>> -> memref<5120xf32, #tpu.memory_space<vmem>>
      tpu.wait_dma2 semaphore(%run_scoped3A_268 : memref<!tpu.dma_semaphore, #tpu.memory_space<semaphore_mem>>) src(%dma_wait3A_287 : memref<5120xf32, #tpu.memory_space<vmem>>) dst(%dma_wait3A_284 : memref<5120xf32, #tpu.memory_space<hbm>>)
      tpu.yield
    }) : () -> ()
    %mul3A_106 = arith.constant 200 : i32
    %mul3A_107 = arith.muli %add3A, %mul3A_106 : i32
    %add3A_108 = arith.constant 80 : i32
    %add3A_109 = arith.addi %mul3A_107, %add3A_108 : i32
    "tpu.region"() ({
      %run_scoped3A_268 = tpu.sem_alloc : memref<!tpu.dma_semaphore, #tpu.memory_space<semaphore_mem>>
      %dma_start3A = arith.constant 0 : i32
      %dma_start3A_269 = tpu.memref_slice %arg2[%add3A_109, %dma_start3A] : memref<6400x128xi32, #tpu.memory_space<hbm>> -> memref<40x128xi32, #tpu.memory_space<hbm>>
      %dma_start3A_270 = arith.constant 0 : i32
      %dma_start3A_271 = tpu.memref_slice %arg2[%add3A_109, %dma_start3A_270] : memref<6400x128xi32, #tpu.memory_space<hbm>> -> memref<40x128xi32, #tpu.memory_space<hbm>>
      tpu.enqueue_dma source(%dma_start3A_271 : memref<40x128xi32, #tpu.memory_space<hbm>>) target(%arg5 : memref<40x128xi32, #tpu.memory_space<vmem>>) target_semaphore(%run_scoped3A_268 : memref<!tpu.dma_semaphore, #tpu.memory_space<semaphore_mem>>)
      %dma_wait3A_272 = arith.constant 0 : i32
      %dma_wait3A_273 = tpu.memref_slice %arg2[%add3A_109, %dma_wait3A_272] : memref<6400x128xi32, #tpu.memory_space<hbm>> -> memref<40x128xi32, #tpu.memory_space<hbm>>
      %dma_wait3A_274 = arith.constant 0 : i32
      %dma_wait3A_275 = tpu.memref_slice %arg2[%add3A_109, %dma_wait3A_274] : memref<6400x128xi32, #tpu.memory_space<hbm>> -> memref<40x128xi32, #tpu.memory_space<hbm>>
      tpu.wait_dma2 semaphore(%run_scoped3A_268 : memref<!tpu.dma_semaphore, #tpu.memory_space<semaphore_mem>>) src(%dma_wait3A_275 : memref<40x128xi32, #tpu.memory_space<hbm>>) dst(%arg5 : memref<40x128xi32, #tpu.memory_space<vmem>>)
      tpu.yield
    }) : () -> ()
    %scan3A_110 = arith.constant 0 : i32
    %scan3A_111 = arith.constant 0 : i32
    %scan3A_112 = arith.constant 40 : i32
    %scan3A_113 = arith.addi %scan3A_111, %scan3A_112 : i32
    %scan3A_114 = arith.constant 1 : i32
    scf.for %scan3A_268 = %scan3A_111 to %scan3A_113 step %scan3A_114  : i32 {
      %mul3A_269 = arith.constant 128 : i32
      %mul3A_270 = arith.muli %scan3A_268, %mul3A_269 : i32
      %dma_start3A = arith.constant 0 : i32
      %dma_start3A_271 = tpu.memref_slice %arg6[%mul3A_270, %dma_start3A] : memref<5120x8xf32, #tpu.memory_space<vmem>> -> memref<128x8xf32, #tpu.memory_space<vmem>>
      %dma_start3A_272 = arith.constant 0 : i32
      %dma_start3A_273 = tpu.memref_slice %arg5[%scan3A_268, %dma_start3A_272] : memref<40x128xi32, #tpu.memory_space<vmem>> -> memref<1x128xi32, #tpu.memory_space<vmem>>
      %dma_start3A_274 = tpu.memref_squeeze %dma_start3A_273 : memref<1x128xi32, #tpu.memory_space<vmem>> -> memref<128xi32, #tpu.memory_space<vmem>>
      %dma_start3A_275 = arith.constant 0 : i32
      %dma_start3A_276 = arith.constant 0 : i32
      %dma_start3A_277 = tpu.memref_slice %arg3[%dma_start3A_275, %dma_start3A_276] : memref<1000000x8xf32, #tpu.memory_space<hbm>> -> memref<1000000x8xf32, #tpu.memory_space<hbm>>
      tpu.enqueue_indirect_dma source(%dma_start3A_277 : memref<1000000x8xf32, #tpu.memory_space<hbm>>) target(%dma_start3A_271 : memref<128x8xf32, #tpu.memory_space<vmem>>) offsets(%dma_start3A_274 : memref<128xi32, #tpu.memory_space<vmem>>) semaphore(%arg8 : memref<!tpu.dma_semaphore, #tpu.memory_space<semaphore_mem>>)
    }
    %scan3A_115 = arith.constant 40 : i32
    %dma_wait3A_116 = arith.constant 0 : i32
    %dma_wait3A_117 = arith.constant 0 : i32
    %dma_wait3A_118 = tpu.memref_slice %arg3[%dma_wait3A_116, %dma_wait3A_117] : memref<1000000x8xf32, #tpu.memory_space<hbm>> -> memref<5120x8xf32, #tpu.memory_space<hbm>>
    %dma_wait3A_119 = arith.constant 0 : i32
    %dma_wait3A_120 = arith.constant 0 : i32
    %dma_wait3A_121 = tpu.memref_slice %arg3[%dma_wait3A_119, %dma_wait3A_120] : memref<1000000x8xf32, #tpu.memory_space<hbm>> -> memref<5120x8xf32, #tpu.memory_space<hbm>>
    tpu.wait_dma2 semaphore(%arg8 : memref<!tpu.dma_semaphore, #tpu.memory_space<semaphore_mem>>) src(%dma_wait3A_121 : memref<5120x8xf32, #tpu.memory_space<hbm>>) dst(%arg6 : memref<5120x8xf32, #tpu.memory_space<vmem>>)
    %scan3A_122 = arith.constant 0 : i32
    %scan3A_123 = arith.constant 0 : i32
    %scan3A_124 = arith.constant 320 : i32
    %scan3A_125 = arith.addi %scan3A_123, %scan3A_124 : i32
    %scan3A_126 = arith.constant 1 : i32
    scf.for %scan3A_268 = %scan3A_123 to %scan3A_125 step %scan3A_126  : i32 {
      %mul3A_269 = arith.constant 16 : i32
      %mul3A_270 = arith.muli %scan3A_268, %mul3A_269 : i32
      %add3A_271 = vector.broadcast %mul3A_270 : i32 to vector<16xi32>
      %add3A_272 = arith.addi %add3A_271, %iota3A : vector<16xi32>
      %broadcast_in_dim3A = arith.constant 0 : i32
      %broadcast_in_dim3A_273 = vector.broadcast %broadcast_in_dim3A : i32 to vector<16xi32>
      %gather3A = tpu.vector_load_idx %arg6[%add3A_272, %broadcast_in_dim3A_273] : memref<5120x8xf32, #tpu.memory_space<vmem>>[vector<16xi32>, vector<16xi32>], vector<16xf32>,
      %mul3A_274 = arith.constant 16 : i32
      %mul3A_275 = arith.muli %scan3A_268, %mul3A_274 : i32
      %swap3A = arith.constant 0 : i32
      %swap3A_276 = arith.index_cast %swap3A : i32 to index
      %swap3A_277 = arith.index_cast %mul3A_275 : i32 to index
      %swap3A_278 = tpu.vector_load %arg7[%swap3A_276, %swap3A_277] {strides = array<i32>} : memref<8x5120xf32, #tpu.memory_space<vmem>>, vector<16xf32>,
      tpu.vector_store %arg7[%swap3A_276, %swap3A_277], %gather3A {strides = array<i32>} : memref<8x5120xf32, #tpu.memory_space<vmem>>, vector<16xf32>,
      %broadcast_in_dim3A_279 = arith.constant 1 : i32
      %broadcast_in_dim3A_280 = vector.broadcast %broadcast_in_dim3A_279 : i32 to vector<16xi32>
      %gather3A_281 = tpu.vector_load_idx %arg6[%add3A_272, %broadcast_in_dim3A_280] : memref<5120x8xf32, #tpu.memory_space<vmem>>[vector<16xi32>, vector<16xi32>], vector<16xf32>,
      %mul3A_282 = arith.constant 16 : i32
      %mul3A_283 = arith.muli %scan3A_268, %mul3A_282 : i32
      %swap3A_284 = arith.constant 1 : i32
      %swap3A_285 = arith.index_cast %swap3A_284 : i32 to index
      %swap3A_286 = arith.index_cast %mul3A_283 : i32 to index
      %swap3A_287 = tpu.vector_load %arg7[%swap3A_285, %swap3A_286] {strides = array<i32>} : memref<8x5120xf32, #tpu.memory_space<vmem>>, vector<16xf32>,
      tpu.vector_store %arg7[%swap3A_285, %swap3A_286], %gather3A_281 {strides = array<i32>} : memref<8x5120xf32, #tpu.memory_space<vmem>>, vector<16xf32>,
      %broadcast_in_dim3A_288 = arith.constant 2 : i32
      %broadcast_in_dim3A_289 = vector.broadcast %broadcast_in_dim3A_288 : i32 to vector<16xi32>
      %gather3A_290 = tpu.vector_load_idx %arg6[%add3A_272, %broadcast_in_dim3A_289] : memref<5120x8xf32, #tpu.memory_space<vmem>>[vector<16xi32>, vector<16xi32>], vector<16xf32>,
      %mul3A_291 = arith.constant 16 : i32
      %mul3A_292 = arith.muli %scan3A_268, %mul3A_291 : i32
      %swap3A_293 = arith.constant 2 : i32
      %swap3A_294 = arith.index_cast %swap3A_293 : i32 to index
      %swap3A_295 = arith.index_cast %mul3A_292 : i32 to index
      %swap3A_296 = tpu.vector_load %arg7[%swap3A_294, %swap3A_295] {strides = array<i32>} : memref<8x5120xf32, #tpu.memory_space<vmem>>, vector<16xf32>,
      tpu.vector_store %arg7[%swap3A_294, %swap3A_295], %gather3A_290 {strides = array<i32>} : memref<8x5120xf32, #tpu.memory_space<vmem>>, vector<16xf32>,
      %broadcast_in_dim3A_297 = arith.constant 3 : i32
      %broadcast_in_dim3A_298 = vector.broadcast %broadcast_in_dim3A_297 : i32 to vector<16xi32>
      %gather3A_299 = tpu.vector_load_idx %arg6[%add3A_272, %broadcast_in_dim3A_298] : memref<5120x8xf32, #tpu.memory_space<vmem>>[vector<16xi32>, vector<16xi32>], vector<16xf32>,
      %mul3A_300 = arith.constant 16 : i32
      %mul3A_301 = arith.muli %scan3A_268, %mul3A_300 : i32
      %swap3A_302 = arith.constant 3 : i32
      %swap3A_303 = arith.index_cast %swap3A_302 : i32 to index
      %swap3A_304 = arith.index_cast %mul3A_301 : i32 to index
      %swap3A_305 = tpu.vector_load %arg7[%swap3A_303, %swap3A_304] {strides = array<i32>} : memref<8x5120xf32, #tpu.memory_space<vmem>>, vector<16xf32>,
      tpu.vector_store %arg7[%swap3A_303, %swap3A_304], %gather3A_299 {strides = array<i32>} : memref<8x5120xf32, #tpu.memory_space<vmem>>, vector<16xf32>,
      %broadcast_in_dim3A_306 = arith.constant 4 : i32
      %broadcast_in_dim3A_307 = vector.broadcast %broadcast_in_dim3A_306 : i32 to vector<16xi32>
      %gather3A_308 = tpu.vector_load_idx %arg6[%add3A_272, %broadcast_in_dim3A_307] : memref<5120x8xf32, #tpu.memory_space<vmem>>[vector<16xi32>, vector<16xi32>], vector<16xf32>,
      %mul3A_309 = arith.constant 16 : i32
      %mul3A_310 = arith.muli %scan3A_268, %mul3A_309 : i32
      %swap3A_311 = arith.constant 4 : i32
      %swap3A_312 = arith.index_cast %swap3A_311 : i32 to index
      %swap3A_313 = arith.index_cast %mul3A_310 : i32 to index
      %swap3A_314 = tpu.vector_load %arg7[%swap3A_312, %swap3A_313] {strides = array<i32>} : memref<8x5120xf32, #tpu.memory_space<vmem>>, vector<16xf32>,
      tpu.vector_store %arg7[%swap3A_312, %swap3A_313], %gather3A_308 {strides = array<i32>} : memref<8x5120xf32, #tpu.memory_space<vmem>>, vector<16xf32>,
      %broadcast_in_dim3A_315 = arith.constant 5 : i32
      %broadcast_in_dim3A_316 = vector.broadcast %broadcast_in_dim3A_315 : i32 to vector<16xi32>
      %gather3A_317 = tpu.vector_load_idx %arg6[%add3A_272, %broadcast_in_dim3A_316] : memref<5120x8xf32, #tpu.memory_space<vmem>>[vector<16xi32>, vector<16xi32>], vector<16xf32>,
      %mul3A_318 = arith.constant 16 : i32
      %mul3A_319 = arith.muli %scan3A_268, %mul3A_318 : i32
      %swap3A_320 = arith.constant 5 : i32
      %swap3A_321 = arith.index_cast %swap3A_320 : i32 to index
      %swap3A_322 = arith.index_cast %mul3A_319 : i32 to index
      %swap3A_323 = tpu.vector_load %arg7[%swap3A_321, %swap3A_322] {strides = array<i32>} : memref<8x5120xf32, #tpu.memory_space<vmem>>, vector<16xf32>,
      tpu.vector_store %arg7[%swap3A_321, %swap3A_322], %gather3A_317 {strides = array<i32>} : memref<8x5120xf32, #tpu.memory_space<vmem>>, vector<16xf32>,
      %broadcast_in_dim3A_324 = arith.constant 6 : i32
      %broadcast_in_dim3A_325 = vector.broadcast %broadcast_in_dim3A_324 : i32 to vector<16xi32>
      %gather3A_326 = tpu.vector_load_idx %arg6[%add3A_272, %broadcast_in_dim3A_325] : memref<5120x8xf32, #tpu.memory_space<vmem>>[vector<16xi32>, vector<16xi32>], vector<16xf32>,
      %mul3A_327 = arith.constant 16 : i32
      %mul3A_328 = arith.muli %scan3A_268, %mul3A_327 : i32
      %swap3A_329 = arith.constant 6 : i32
      %swap3A_330 = arith.index_cast %swap3A_329 : i32 to index
      %swap3A_331 = arith.index_cast %mul3A_328 : i32 to index
      %swap3A_332 = tpu.vector_load %arg7[%swap3A_330, %swap3A_331] {strides = array<i32>} : memref<8x5120xf32, #tpu.memory_space<vmem>>, vector<16xf32>,
      tpu.vector_store %arg7[%swap3A_330, %swap3A_331], %gather3A_326 {strides = array<i32>} : memref<8x5120xf32, #tpu.memory_space<vmem>>, vector<16xf32>,
      %broadcast_in_dim3A_333 = arith.constant 7 : i32
      %broadcast_in_dim3A_334 = vector.broadcast %broadcast_in_dim3A_333 : i32 to vector<16xi32>
      %gather3A_335 = tpu.vector_load_idx %arg6[%add3A_272, %broadcast_in_dim3A_334] : memref<5120x8xf32, #tpu.memory_space<vmem>>[vector<16xi32>, vector<16xi32>], vector<16xf32>,
      %mul3A_336 = arith.constant 16 : i32
      %mul3A_337 = arith.muli %scan3A_268, %mul3A_336 : i32
      %swap3A_338 = arith.constant 7 : i32
      %swap3A_339 = arith.index_cast %swap3A_338 : i32 to index
      %swap3A_340 = arith.index_cast %mul3A_337 : i32 to index
      %swap3A_341 = tpu.vector_load %arg7[%swap3A_339, %swap3A_340] {strides = array<i32>} : memref<8x5120xf32, #tpu.memory_space<vmem>>, vector<16xf32>,
      tpu.vector_store %arg7[%swap3A_339, %swap3A_340], %gather3A_335 {strides = array<i32>} : memref<8x5120xf32, #tpu.memory_space<vmem>>, vector<16xf32>,
    }
    %scan3A_127 = arith.constant 320 : i32
    %mul3A_128 = arith.constant 128 : i32
    %mul3A_129 = arith.muli %add3A_109, %mul3A_128 : i32
    %run_scoped3A_130 = arith.constant 0 : i32
    %run_scoped3A_131 = arith.constant 0 : i32
    "tpu.region"() ({
      %run_scoped3A_268 = tpu.sem_alloc : memref<!tpu.dma_semaphore, #tpu.memory_space<semaphore_mem>>
      %dma_start3A = arith.constant 0 : i32
      %dma_start3A_269 = tpu.memref_slice %arg7[%run_scoped3A_130, %dma_start3A] : memref<8x5120xf32, #tpu.memory_space<vmem>> -> memref<1x5120xf32, #tpu.memory_space<vmem>>
      %dma_start3A_270 = tpu.memref_squeeze %dma_start3A_269 : memref<1x5120xf32, #tpu.memory_space<vmem>> -> memref<5120xf32, #tpu.memory_space<vmem>>
      %dma_start3A_271 = tpu.memref_slice %arg4[%run_scoped3A_131, %mul3A_129] : memref<8x819200xf32, #tpu.memory_space<hbm>> -> memref<1x5120xf32, #tpu.memory_space<hbm>>
      %dma_start3A_272 = tpu.memref_squeeze %dma_start3A_271 : memref<1x5120xf32, #tpu.memory_space<hbm>> -> memref<5120xf32, #tpu.memory_space<hbm>>
      %dma_start3A_273 = tpu.memref_slice %arg4[%run_scoped3A_131, %mul3A_129] : memref<8x819200xf32, #tpu.memory_space<hbm>> -> memref<1x5120xf32, #tpu.memory_space<hbm>>
      %dma_start3A_274 = tpu.memref_squeeze %dma_start3A_273 : memref<1x5120xf32, #tpu.memory_space<hbm>> -> memref<5120xf32, #tpu.memory_space<hbm>>
      %dma_start3A_275 = arith.constant 0 : i32
      %dma_start3A_276 = tpu.memref_slice %arg7[%run_scoped3A_130, %dma_start3A_275] : memref<8x5120xf32, #tpu.memory_space<vmem>> -> memref<1x5120xf32, #tpu.memory_space<vmem>>
      %dma_start3A_277 = tpu.memref_squeeze %dma_start3A_276 : memref<1x5120xf32, #tpu.memory_space<vmem>> -> memref<5120xf32, #tpu.memory_space<vmem>>
      tpu.enqueue_dma source(%dma_start3A_277 : memref<5120xf32, #tpu.memory_space<vmem>>) target(%dma_start3A_274 : memref<5120xf32, #tpu.memory_space<hbm>>) target_semaphore(%run_scoped3A_268 : memref<!tpu.dma_semaphore, #tpu.memory_space<semaphore_mem>>)
      %dma_wait3A_278 = arith.constant 0 : i32
      %dma_wait3A_279 = tpu.memref_slice %arg7[%run_scoped3A_130, %dma_wait3A_278] : memref<8x5120xf32, #tpu.memory_space<vmem>> -> memref<1x5120xf32, #tpu.memory_space<vmem>>
      %dma_wait3A_280 = tpu.memref_squeeze %dma_wait3A_279 : memref<1x5120xf32, #tpu.memory_space<vmem>> -> memref<5120xf32, #tpu.memory_space<vmem>>
      %dma_wait3A_281 = tpu.memref_slice %arg4[%run_scoped3A_131, %mul3A_129] : memref<8x819200xf32, #tpu.memory_space<hbm>> -> memref<1x5120xf32, #tpu.memory_space<hbm>>
      %dma_wait3A_282 = tpu.memref_squeeze %dma_wait3A_281 : memref<1x5120xf32, #tpu.memory_space<hbm>> -> memref<5120xf32, #tpu.memory_space<hbm>>
      %dma_wait3A_283 = tpu.memref_slice %arg4[%run_scoped3A_131, %mul3A_129] : memref<8x819200xf32, #tpu.memory_space<hbm>> -> memref<1x5120xf32, #tpu.memory_space<hbm>>
      %dma_wait3A_284 = tpu.memref_squeeze %dma_wait3A_283 : memref<1x5120xf32, #tpu.memory_space<hbm>> -> memref<5120xf32, #tpu.memory_space<hbm>>
      %dma_wait3A_285 = arith.constant 0 : i32
      %dma_wait3A_286 = tpu.memref_slice %arg7[%run_scoped3A_130, %dma_wait3A_285] : memref<8x5120xf32, #tpu.memory_space<vmem>> -> memref<1x5120xf32, #tpu.memory_space<vmem>>
      %dma_wait3A_287 = tpu.memref_squeeze %dma_wait3A_286 : memref<1x5120xf32, #tpu.memory_space<vmem>> -> memref<5120xf32, #tpu.memory_space<vmem>>
      tpu.wait_dma2 semaphore(%run_scoped3A_268 : memref<!tpu.dma_semaphore, #tpu.memory_space<semaphore_mem>>) src(%dma_wait3A_287 : memref<5120xf32, #tpu.memory_space<vmem>>) dst(%dma_wait3A_284 : memref<5120xf32, #tpu.memory_space<hbm>>)
      tpu.yield
    }) : () -> ()
    %mul3A_132 = arith.constant 128 : i32
    %mul3A_133 = arith.muli %add3A_109, %mul3A_132 : i32
    %run_scoped3A_134 = arith.constant 1 : i32
    %run_scoped3A_135 = arith.constant 1 : i32
    "tpu.region"() ({
      %run_scoped3A_268 = tpu.sem_alloc : memref<!tpu.dma_semaphore, #tpu.memory_space<semaphore_mem>>
      %dma_start3A = arith.constant 0 : i32
      %dma_start3A_269 = tpu.memref_slice %arg7[%run_scoped3A_134, %dma_start3A] : memref<8x5120xf32, #tpu.memory_space<vmem>> -> memref<1x5120xf32, #tpu.memory_space<vmem>>
      %dma_start3A_270 = tpu.memref_squeeze %dma_start3A_269 : memref<1x5120xf32, #tpu.memory_space<vmem>> -> memref<5120xf32, #tpu.memory_space<vmem>>
      %dma_start3A_271 = tpu.memref_slice %arg4[%run_scoped3A_135, %mul3A_133] : memref<8x819200xf32, #tpu.memory_space<hbm>> -> memref<1x5120xf32, #tpu.memory_space<hbm>>
      %dma_start3A_272 = tpu.memref_squeeze %dma_start3A_271 : memref<1x5120xf32, #tpu.memory_space<hbm>> -> memref<5120xf32, #tpu.memory_space<hbm>>
      %dma_start3A_273 = tpu.memref_slice %arg4[%run_scoped3A_135, %mul3A_133] : memref<8x819200xf32, #tpu.memory_space<hbm>> -> memref<1x5120xf32, #tpu.memory_space<hbm>>
      %dma_start3A_274 = tpu.memref_squeeze %dma_start3A_273 : memref<1x5120xf32, #tpu.memory_space<hbm>> -> memref<5120xf32, #tpu.memory_space<hbm>>
      %dma_start3A_275 = arith.constant 0 : i32
      %dma_start3A_276 = tpu.memref_slice %arg7[%run_scoped3A_134, %dma_start3A_275] : memref<8x5120xf32, #tpu.memory_space<vmem>> -> memref<1x5120xf32, #tpu.memory_space<vmem>>
      %dma_start3A_277 = tpu.memref_squeeze %dma_start3A_276 : memref<1x5120xf32, #tpu.memory_space<vmem>> -> memref<5120xf32, #tpu.memory_space<vmem>>
      tpu.enqueue_dma source(%dma_start3A_277 : memref<5120xf32, #tpu.memory_space<vmem>>) target(%dma_start3A_274 : memref<5120xf32, #tpu.memory_space<hbm>>) target_semaphore(%run_scoped3A_268 : memref<!tpu.dma_semaphore, #tpu.memory_space<semaphore_mem>>)
      %dma_wait3A_278 = arith.constant 0 : i32
      %dma_wait3A_279 = tpu.memref_slice %arg7[%run_scoped3A_134, %dma_wait3A_278] : memref<8x5120xf32, #tpu.memory_space<vmem>> -> memref<1x5120xf32, #tpu.memory_space<vmem>>
      %dma_wait3A_280 = tpu.memref_squeeze %dma_wait3A_279 : memref<1x5120xf32, #tpu.memory_space<vmem>> -> memref<5120xf32, #tpu.memory_space<vmem>>
      %dma_wait3A_281 = tpu.memref_slice %arg4[%run_scoped3A_135, %mul3A_133] : memref<8x819200xf32, #tpu.memory_space<hbm>> -> memref<1x5120xf32, #tpu.memory_space<hbm>>
      %dma_wait3A_282 = tpu.memref_squeeze %dma_wait3A_281 : memref<1x5120xf32, #tpu.memory_space<hbm>> -> memref<5120xf32, #tpu.memory_space<hbm>>
      %dma_wait3A_283 = tpu.memref_slice %arg4[%run_scoped3A_135, %mul3A_133] : memref<8x819200xf32, #tpu.memory_space<hbm>> -> memref<1x5120xf32, #tpu.memory_space<hbm>>
      %dma_wait3A_284 = tpu.memref_squeeze %dma_wait3A_283 : memref<1x5120xf32, #tpu.memory_space<hbm>> -> memref<5120xf32, #tpu.memory_space<hbm>>
      %dma_wait3A_285 = arith.constant 0 : i32
      %dma_wait3A_286 = tpu.memref_slice %arg7[%run_scoped3A_134, %dma_wait3A_285] : memref<8x5120xf32, #tpu.memory_space<vmem>> -> memref<1x5120xf32, #tpu.memory_space<vmem>>
      %dma_wait3A_287 = tpu.memref_squeeze %dma_wait3A_286 : memref<1x5120xf32, #tpu.memory_space<vmem>> -> memref<5120xf32, #tpu.memory_space<vmem>>
      tpu.wait_dma2 semaphore(%run_scoped3A_268 : memref<!tpu.dma_semaphore, #tpu.memory_space<semaphore_mem>>) src(%dma_wait3A_287 : memref<5120xf32, #tpu.memory_space<vmem>>) dst(%dma_wait3A_284 : memref<5120xf32, #tpu.memory_space<hbm>>)
      tpu.yield
    }) : () -> ()
    %mul3A_136 = arith.constant 128 : i32
    %mul3A_137 = arith.muli %add3A_109, %mul3A_136 : i32
    %run_scoped3A_138 = arith.constant 2 : i32
    %run_scoped3A_139 = arith.constant 2 : i32
    "tpu.region"() ({
      %run_scoped3A_268 = tpu.sem_alloc : memref<!tpu.dma_semaphore, #tpu.memory_space<semaphore_mem>>
      %dma_start3A = arith.constant 0 : i32
      %dma_start3A_269 = tpu.memref_slice %arg7[%run_scoped3A_138, %dma_start3A] : memref<8x5120xf32, #tpu.memory_space<vmem>> -> memref<1x5120xf32, #tpu.memory_space<vmem>>
      %dma_start3A_270 = tpu.memref_squeeze %dma_start3A_269 : memref<1x5120xf32, #tpu.memory_space<vmem>> -> memref<5120xf32, #tpu.memory_space<vmem>>
      %dma_start3A_271 = tpu.memref_slice %arg4[%run_scoped3A_139, %mul3A_137] : memref<8x819200xf32, #tpu.memory_space<hbm>> -> memref<1x5120xf32, #tpu.memory_space<hbm>>
      %dma_start3A_272 = tpu.memref_squeeze %dma_start3A_271 : memref<1x5120xf32, #tpu.memory_space<hbm>> -> memref<5120xf32, #tpu.memory_space<hbm>>
      %dma_start3A_273 = tpu.memref_slice %arg4[%run_scoped3A_139, %mul3A_137] : memref<8x819200xf32, #tpu.memory_space<hbm>> -> memref<1x5120xf32, #tpu.memory_space<hbm>>
      %dma_start3A_274 = tpu.memref_squeeze %dma_start3A_273 : memref<1x5120xf32, #tpu.memory_space<hbm>> -> memref<5120xf32, #tpu.memory_space<hbm>>
      %dma_start3A_275 = arith.constant 0 : i32
      %dma_start3A_276 = tpu.memref_slice %arg7[%run_scoped3A_138, %dma_start3A_275] : memref<8x5120xf32, #tpu.memory_space<vmem>> -> memref<1x5120xf32, #tpu.memory_space<vmem>>
      %dma_start3A_277 = tpu.memref_squeeze %dma_start3A_276 : memref<1x5120xf32, #tpu.memory_space<vmem>> -> memref<5120xf32, #tpu.memory_space<vmem>>
      tpu.enqueue_dma source(%dma_start3A_277 : memref<5120xf32, #tpu.memory_space<vmem>>) target(%dma_start3A_274 : memref<5120xf32, #tpu.memory_space<hbm>>) target_semaphore(%run_scoped3A_268 : memref<!tpu.dma_semaphore, #tpu.memory_space<semaphore_mem>>)
      %dma_wait3A_278 = arith.constant 0 : i32
      %dma_wait3A_279 = tpu.memref_slice %arg7[%run_scoped3A_138, %dma_wait3A_278] : memref<8x5120xf32, #tpu.memory_space<vmem>> -> memref<1x5120xf32, #tpu.memory_space<vmem>>
      %dma_wait3A_280 = tpu.memref_squeeze %dma_wait3A_279 : memref<1x5120xf32, #tpu.memory_space<vmem>> -> memref<5120xf32, #tpu.memory_space<vmem>>
      %dma_wait3A_281 = tpu.memref_slice %arg4[%run_scoped3A_139, %mul3A_137] : memref<8x819200xf32, #tpu.memory_space<hbm>> -> memref<1x5120xf32, #tpu.memory_space<hbm>>
      %dma_wait3A_282 = tpu.memref_squeeze %dma_wait3A_281 : memref<1x5120xf32, #tpu.memory_space<hbm>> -> memref<5120xf32, #tpu.memory_space<hbm>>
      %dma_wait3A_283 = tpu.memref_slice %arg4[%run_scoped3A_139, %mul3A_137] : memref<8x819200xf32, #tpu.memory_space<hbm>> -> memref<1x5120xf32, #tpu.memory_space<hbm>>
      %dma_wait3A_284 = tpu.memref_squeeze %dma_wait3A_283 : memref<1x5120xf32, #tpu.memory_space<hbm>> -> memref<5120xf32, #tpu.memory_space<hbm>>
      %dma_wait3A_285 = arith.constant 0 : i32
      %dma_wait3A_286 = tpu.memref_slice %arg7[%run_scoped3A_138, %dma_wait3A_285] : memref<8x5120xf32, #tpu.memory_space<vmem>> -> memref<1x5120xf32, #tpu.memory_space<vmem>>
      %dma_wait3A_287 = tpu.memref_squeeze %dma_wait3A_286 : memref<1x5120xf32, #tpu.memory_space<vmem>> -> memref<5120xf32, #tpu.memory_space<vmem>>
      tpu.wait_dma2 semaphore(%run_scoped3A_268 : memref<!tpu.dma_semaphore, #tpu.memory_space<semaphore_mem>>) src(%dma_wait3A_287 : memref<5120xf32, #tpu.memory_space<vmem>>) dst(%dma_wait3A_284 : memref<5120xf32, #tpu.memory_space<hbm>>)
      tpu.yield
    }) : () -> ()
    %mul3A_140 = arith.constant 128 : i32
    %mul3A_141 = arith.muli %add3A_109, %mul3A_140 : i32
    %run_scoped3A_142 = arith.constant 3 : i32
    %run_scoped3A_143 = arith.constant 3 : i32
    "tpu.region"() ({
      %run_scoped3A_268 = tpu.sem_alloc : memref<!tpu.dma_semaphore, #tpu.memory_space<semaphore_mem>>
      %dma_start3A = arith.constant 0 : i32
      %dma_start3A_269 = tpu.memref_slice %arg7[%run_scoped3A_142, %dma_start3A] : memref<8x5120xf32, #tpu.memory_space<vmem>> -> memref<1x5120xf32, #tpu.memory_space<vmem>>
      %dma_start3A_270 = tpu.memref_squeeze %dma_start3A_269 : memref<1x5120xf32, #tpu.memory_space<vmem>> -> memref<5120xf32, #tpu.memory_space<vmem>>
      %dma_start3A_271 = tpu.memref_slice %arg4[%run_scoped3A_143, %mul3A_141] : memref<8x819200xf32, #tpu.memory_space<hbm>> -> memref<1x5120xf32, #tpu.memory_space<hbm>>
      %dma_start3A_272 = tpu.memref_squeeze %dma_start3A_271 : memref<1x5120xf32, #tpu.memory_space<hbm>> -> memref<5120xf32, #tpu.memory_space<hbm>>
      %dma_start3A_273 = tpu.memref_slice %arg4[%run_scoped3A_143, %mul3A_141] : memref<8x819200xf32, #tpu.memory_space<hbm>> -> memref<1x5120xf32, #tpu.memory_space<hbm>>
      %dma_start3A_274 = tpu.memref_squeeze %dma_start3A_273 : memref<1x5120xf32, #tpu.memory_space<hbm>> -> memref<5120xf32, #tpu.memory_space<hbm>>
      %dma_start3A_275 = arith.constant 0 : i32
      %dma_start3A_276 = tpu.memref_slice %arg7[%run_scoped3A_142, %dma_start3A_275] : memref<8x5120xf32, #tpu.memory_space<vmem>> -> memref<1x5120xf32, #tpu.memory_space<vmem>>
      %dma_start3A_277 = tpu.memref_squeeze %dma_start3A_276 : memref<1x5120xf32, #tpu.memory_space<vmem>> -> memref<5120xf32, #tpu.memory_space<vmem>>
      tpu.enqueue_dma source(%dma_start3A_277 : memref<5120xf32, #tpu.memory_space<vmem>>) target(%dma_start3A_274 : memref<5120xf32, #tpu.memory_space<hbm>>) target_semaphore(%run_scoped3A_268 : memref<!tpu.dma_semaphore, #tpu.memory_space<semaphore_mem>>)
      %dma_wait3A_278 = arith.constant 0 : i32
      %dma_wait3A_279 = tpu.memref_slice %arg7[%run_scoped3A_142, %dma_wait3A_278] : memref<8x5120xf32, #tpu.memory_space<vmem>> -> memref<1x5120xf32, #tpu.memory_space<vmem>>
      %dma_wait3A_280 = tpu.memref_squeeze %dma_wait3A_279 : memref<1x5120xf32, #tpu.memory_space<vmem>> -> memref<5120xf32, #tpu.memory_space<vmem>>
      %dma_wait3A_281 = tpu.memref_slice %arg4[%run_scoped3A_143, %mul3A_141] : memref<8x819200xf32, #tpu.memory_space<hbm>> -> memref<1x5120xf32, #tpu.memory_space<hbm>>
      %dma_wait3A_282 = tpu.memref_squeeze %dma_wait3A_281 : memref<1x5120xf32, #tpu.memory_space<hbm>> -> memref<5120xf32, #tpu.memory_space<hbm>>
      %dma_wait3A_283 = tpu.memref_slice %arg4[%run_scoped3A_143, %mul3A_141] : memref<8x819200xf32, #tpu.memory_space<hbm>> -> memref<1x5120xf32, #tpu.memory_space<hbm>>
      %dma_wait3A_284 = tpu.memref_squeeze %dma_wait3A_283 : memref<1x5120xf32, #tpu.memory_space<hbm>> -> memref<5120xf32, #tpu.memory_space<hbm>>
      %dma_wait3A_285 = arith.constant 0 : i32
      %dma_wait3A_286 = tpu.memref_slice %arg7[%run_scoped3A_142, %dma_wait3A_285] : memref<8x5120xf32, #tpu.memory_space<vmem>> -> memref<1x5120xf32, #tpu.memory_space<vmem>>
      %dma_wait3A_287 = tpu.memref_squeeze %dma_wait3A_286 : memref<1x5120xf32, #tpu.memory_space<vmem>> -> memref<5120xf32, #tpu.memory_space<vmem>>
      tpu.wait_dma2 semaphore(%run_scoped3A_268 : memref<!tpu.dma_semaphore, #tpu.memory_space<semaphore_mem>>) src(%dma_wait3A_287 : memref<5120xf32, #tpu.memory_space<vmem>>) dst(%dma_wait3A_284 : memref<5120xf32, #tpu.memory_space<hbm>>)
      tpu.yield
    }) : () -> ()
    %mul3A_144 = arith.constant 128 : i32
    %mul3A_145 = arith.muli %add3A_109, %mul3A_144 : i32
    %run_scoped3A_146 = arith.constant 4 : i32
    %run_scoped3A_147 = arith.constant 4 : i32
    "tpu.region"() ({
      %run_scoped3A_268 = tpu.sem_alloc : memref<!tpu.dma_semaphore, #tpu.memory_space<semaphore_mem>>
      %dma_start3A = arith.constant 0 : i32
      %dma_start3A_269 = tpu.memref_slice %arg7[%run_scoped3A_146, %dma_start3A] : memref<8x5120xf32, #tpu.memory_space<vmem>> -> memref<1x5120xf32, #tpu.memory_space<vmem>>
      %dma_start3A_270 = tpu.memref_squeeze %dma_start3A_269 : memref<1x5120xf32, #tpu.memory_space<vmem>> -> memref<5120xf32, #tpu.memory_space<vmem>>
      %dma_start3A_271 = tpu.memref_slice %arg4[%run_scoped3A_147, %mul3A_145] : memref<8x819200xf32, #tpu.memory_space<hbm>> -> memref<1x5120xf32, #tpu.memory_space<hbm>>
      %dma_start3A_272 = tpu.memref_squeeze %dma_start3A_271 : memref<1x5120xf32, #tpu.memory_space<hbm>> -> memref<5120xf32, #tpu.memory_space<hbm>>
      %dma_start3A_273 = tpu.memref_slice %arg4[%run_scoped3A_147, %mul3A_145] : memref<8x819200xf32, #tpu.memory_space<hbm>> -> memref<1x5120xf32, #tpu.memory_space<hbm>>
      %dma_start3A_274 = tpu.memref_squeeze %dma_start3A_273 : memref<1x5120xf32, #tpu.memory_space<hbm>> -> memref<5120xf32, #tpu.memory_space<hbm>>
      %dma_start3A_275 = arith.constant 0 : i32
      %dma_start3A_276 = tpu.memref_slice %arg7[%run_scoped3A_146, %dma_start3A_275] : memref<8x5120xf32, #tpu.memory_space<vmem>> -> memref<1x5120xf32, #tpu.memory_space<vmem>>
      %dma_start3A_277 = tpu.memref_squeeze %dma_start3A_276 : memref<1x5120xf32, #tpu.memory_space<vmem>> -> memref<5120xf32, #tpu.memory_space<vmem>>
      tpu.enqueue_dma source(%dma_start3A_277 : memref<5120xf32, #tpu.memory_space<vmem>>) target(%dma_start3A_274 : memref<5120xf32, #tpu.memory_space<hbm>>) target_semaphore(%run_scoped3A_268 : memref<!tpu.dma_semaphore, #tpu.memory_space<semaphore_mem>>)
      %dma_wait3A_278 = arith.constant 0 : i32
      %dma_wait3A_279 = tpu.memref_slice %arg7[%run_scoped3A_146, %dma_wait3A_278] : memref<8x5120xf32, #tpu.memory_space<vmem>> -> memref<1x5120xf32, #tpu.memory_space<vmem>>
      %dma_wait3A_280 = tpu.memref_squeeze %dma_wait3A_279 : memref<1x5120xf32, #tpu.memory_space<vmem>> -> memref<5120xf32, #tpu.memory_space<vmem>>
      %dma_wait3A_281 = tpu.memref_slice %arg4[%run_scoped3A_147, %mul3A_145] : memref<8x819200xf32, #tpu.memory_space<hbm>> -> memref<1x5120xf32, #tpu.memory_space<hbm>>
      %dma_wait3A_282 = tpu.memref_squeeze %dma_wait3A_281 : memref<1x5120xf32, #tpu.memory_space<hbm>> -> memref<5120xf32, #tpu.memory_space<hbm>>
      %dma_wait3A_283 = tpu.memref_slice %arg4[%run_scoped3A_147, %mul3A_145] : memref<8x819200xf32, #tpu.memory_space<hbm>> -> memref<1x5120xf32, #tpu.memory_space<hbm>>
      %dma_wait3A_284 = tpu.memref_squeeze %dma_wait3A_283 : memref<1x5120xf32, #tpu.memory_space<hbm>> -> memref<5120xf32, #tpu.memory_space<hbm>>
      %dma_wait3A_285 = arith.constant 0 : i32
      %dma_wait3A_286 = tpu.memref_slice %arg7[%run_scoped3A_146, %dma_wait3A_285] : memref<8x5120xf32, #tpu.memory_space<vmem>> -> memref<1x5120xf32, #tpu.memory_space<vmem>>
      %dma_wait3A_287 = tpu.memref_squeeze %dma_wait3A_286 : memref<1x5120xf32, #tpu.memory_space<vmem>> -> memref<5120xf32, #tpu.memory_space<vmem>>
      tpu.wait_dma2 semaphore(%run_scoped3A_268 : memref<!tpu.dma_semaphore, #tpu.memory_space<semaphore_mem>>) src(%dma_wait3A_287 : memref<5120xf32, #tpu.memory_space<vmem>>) dst(%dma_wait3A_284 : memref<5120xf32, #tpu.memory_space<hbm>>)
      tpu.yield
    }) : () -> ()
    %mul3A_148 = arith.constant 128 : i32
    %mul3A_149 = arith.muli %add3A_109, %mul3A_148 : i32
    %run_scoped3A_150 = arith.constant 5 : i32
    %run_scoped3A_151 = arith.constant 5 : i32
    "tpu.region"() ({
      %run_scoped3A_268 = tpu.sem_alloc : memref<!tpu.dma_semaphore, #tpu.memory_space<semaphore_mem>>
      %dma_start3A = arith.constant 0 : i32
      %dma_start3A_269 = tpu.memref_slice %arg7[%run_scoped3A_150, %dma_start3A] : memref<8x5120xf32, #tpu.memory_space<vmem>> -> memref<1x5120xf32, #tpu.memory_space<vmem>>
      %dma_start3A_270 = tpu.memref_squeeze %dma_start3A_269 : memref<1x5120xf32, #tpu.memory_space<vmem>> -> memref<5120xf32, #tpu.memory_space<vmem>>
      %dma_start3A_271 = tpu.memref_slice %arg4[%run_scoped3A_151, %mul3A_149] : memref<8x819200xf32, #tpu.memory_space<hbm>> -> memref<1x5120xf32, #tpu.memory_space<hbm>>
      %dma_start3A_272 = tpu.memref_squeeze %dma_start3A_271 : memref<1x5120xf32, #tpu.memory_space<hbm>> -> memref<5120xf32, #tpu.memory_space<hbm>>
      %dma_start3A_273 = tpu.memref_slice %arg4[%run_scoped3A_151, %mul3A_149] : memref<8x819200xf32, #tpu.memory_space<hbm>> -> memref<1x5120xf32, #tpu.memory_space<hbm>>
      %dma_start3A_274 = tpu.memref_squeeze %dma_start3A_273 : memref<1x5120xf32, #tpu.memory_space<hbm>> -> memref<5120xf32, #tpu.memory_space<hbm>>
      %dma_start3A_275 = arith.constant 0 : i32
      %dma_start3A_276 = tpu.memref_slice %arg7[%run_scoped3A_150, %dma_start3A_275] : memref<8x5120xf32, #tpu.memory_space<vmem>> -> memref<1x5120xf32, #tpu.memory_space<vmem>>
      %dma_start3A_277 = tpu.memref_squeeze %dma_start3A_276 : memref<1x5120xf32, #tpu.memory_space<vmem>> -> memref<5120xf32, #tpu.memory_space<vmem>>
      tpu.enqueue_dma source(%dma_start3A_277 : memref<5120xf32, #tpu.memory_space<vmem>>) target(%dma_start3A_274 : memref<5120xf32, #tpu.memory_space<hbm>>) target_semaphore(%run_scoped3A_268 : memref<!tpu.dma_semaphore, #tpu.memory_space<semaphore_mem>>)
      %dma_wait3A_278 = arith.constant 0 : i32
      %dma_wait3A_279 = tpu.memref_slice %arg7[%run_scoped3A_150, %dma_wait3A_278] : memref<8x5120xf32, #tpu.memory_space<vmem>> -> memref<1x5120xf32, #tpu.memory_space<vmem>>
      %dma_wait3A_280 = tpu.memref_squeeze %dma_wait3A_279 : memref<1x5120xf32, #tpu.memory_space<vmem>> -> memref<5120xf32, #tpu.memory_space<vmem>>
      %dma_wait3A_281 = tpu.memref_slice %arg4[%run_scoped3A_151, %mul3A_149] : memref<8x819200xf32, #tpu.memory_space<hbm>> -> memref<1x5120xf32, #tpu.memory_space<hbm>>
      %dma_wait3A_282 = tpu.memref_squeeze %dma_wait3A_281 : memref<1x5120xf32, #tpu.memory_space<hbm>> -> memref<5120xf32, #tpu.memory_space<hbm>>
      %dma_wait3A_283 = tpu.memref_slice %arg4[%run_scoped3A_151, %mul3A_149] : memref<8x819200xf32, #tpu.memory_space<hbm>> -> memref<1x5120xf32, #tpu.memory_space<hbm>>
      %dma_wait3A_284 = tpu.memref_squeeze %dma_wait3A_283 : memref<1x5120xf32, #tpu.memory_space<hbm>> -> memref<5120xf32, #tpu.memory_space<hbm>>
      %dma_wait3A_285 = arith.constant 0 : i32
      %dma_wait3A_286 = tpu.memref_slice %arg7[%run_scoped3A_150, %dma_wait3A_285] : memref<8x5120xf32, #tpu.memory_space<vmem>> -> memref<1x5120xf32, #tpu.memory_space<vmem>>
      %dma_wait3A_287 = tpu.memref_squeeze %dma_wait3A_286 : memref<1x5120xf32, #tpu.memory_space<vmem>> -> memref<5120xf32, #tpu.memory_space<vmem>>
      tpu.wait_dma2 semaphore(%run_scoped3A_268 : memref<!tpu.dma_semaphore, #tpu.memory_space<semaphore_mem>>) src(%dma_wait3A_287 : memref<5120xf32, #tpu.memory_space<vmem>>) dst(%dma_wait3A_284 : memref<5120xf32, #tpu.memory_space<hbm>>)
      tpu.yield
    }) : () -> ()
    %mul3A_152 = arith.constant 128 : i32
    %mul3A_153 = arith.muli %add3A_109, %mul3A_152 : i32
    %run_scoped3A_154 = arith.constant 6 : i32
    %run_scoped3A_155 = arith.constant 6 : i32
    "tpu.region"() ({
      %run_scoped3A_268 = tpu.sem_alloc : memref<!tpu.dma_semaphore, #tpu.memory_space<semaphore_mem>>
      %dma_start3A = arith.constant 0 : i32
      %dma_start3A_269 = tpu.memref_slice %arg7[%run_scoped3A_154, %dma_start3A] : memref<8x5120xf32, #tpu.memory_space<vmem>> -> memref<1x5120xf32, #tpu.memory_space<vmem>>
      %dma_start3A_270 = tpu.memref_squeeze %dma_start3A_269 : memref<1x5120xf32, #tpu.memory_space<vmem>> -> memref<5120xf32, #tpu.memory_space<vmem>>
      %dma_start3A_271 = tpu.memref_slice %arg4[%run_scoped3A_155, %mul3A_153] : memref<8x819200xf32, #tpu.memory_space<hbm>> -> memref<1x5120xf32, #tpu.memory_space<hbm>>
      %dma_start3A_272 = tpu.memref_squeeze %dma_start3A_271 : memref<1x5120xf32, #tpu.memory_space<hbm>> -> memref<5120xf32, #tpu.memory_space<hbm>>
      %dma_start3A_273 = tpu.memref_slice %arg4[%run_scoped3A_155, %mul3A_153] : memref<8x819200xf32, #tpu.memory_space<hbm>> -> memref<1x5120xf32, #tpu.memory_space<hbm>>
      %dma_start3A_274 = tpu.memref_squeeze %dma_start3A_273 : memref<1x5120xf32, #tpu.memory_space<hbm>> -> memref<5120xf32, #tpu.memory_space<hbm>>
      %dma_start3A_275 = arith.constant 0 : i32
      %dma_start3A_276 = tpu.memref_slice %arg7[%run_scoped3A_154, %dma_start3A_275] : memref<8x5120xf32, #tpu.memory_space<vmem>> -> memref<1x5120xf32, #tpu.memory_space<vmem>>
      %dma_start3A_277 = tpu.memref_squeeze %dma_start3A_276 : memref<1x5120xf32, #tpu.memory_space<vmem>> -> memref<5120xf32, #tpu.memory_space<vmem>>
      tpu.enqueue_dma source(%dma_start3A_277 : memref<5120xf32, #tpu.memory_space<vmem>>) target(%dma_start3A_274 : memref<5120xf32, #tpu.memory_space<hbm>>) target_semaphore(%run_scoped3A_268 : memref<!tpu.dma_semaphore, #tpu.memory_space<semaphore_mem>>)
      %dma_wait3A_278 = arith.constant 0 : i32
      %dma_wait3A_279 = tpu.memref_slice %arg7[%run_scoped3A_154, %dma_wait3A_278] : memref<8x5120xf32, #tpu.memory_space<vmem>> -> memref<1x5120xf32, #tpu.memory_space<vmem>>
      %dma_wait3A_280 = tpu.memref_squeeze %dma_wait3A_279 : memref<1x5120xf32, #tpu.memory_space<vmem>> -> memref<5120xf32, #tpu.memory_space<vmem>>
      %dma_wait3A_281 = tpu.memref_slice %arg4[%run_scoped3A_155, %mul3A_153] : memref<8x819200xf32, #tpu.memory_space<hbm>> -> memref<1x5120xf32, #tpu.memory_space<hbm>>
      %dma_wait3A_282 = tpu.memref_squeeze %dma_wait3A_281 : memref<1x5120xf32, #tpu.memory_space<hbm>> -> memref<5120xf32, #tpu.memory_space<hbm>>
      %dma_wait3A_283 = tpu.memref_slice %arg4[%run_scoped3A_155, %mul3A_153] : memref<8x819200xf32, #tpu.memory_space<hbm>> -> memref<1x5120xf32, #tpu.memory_space<hbm>>
      %dma_wait3A_284 = tpu.memref_squeeze %dma_wait3A_283 : memref<1x5120xf32, #tpu.memory_space<hbm>> -> memref<5120xf32, #tpu.memory_space<hbm>>
      %dma_wait3A_285 = arith.constant 0 : i32
      %dma_wait3A_286 = tpu.memref_slice %arg7[%run_scoped3A_154, %dma_wait3A_285] : memref<8x5120xf32, #tpu.memory_space<vmem>> -> memref<1x5120xf32, #tpu.memory_space<vmem>>
      %dma_wait3A_287 = tpu.memref_squeeze %dma_wait3A_286 : memref<1x5120xf32, #tpu.memory_space<vmem>> -> memref<5120xf32, #tpu.memory_space<vmem>>
      tpu.wait_dma2 semaphore(%run_scoped3A_268 : memref<!tpu.dma_semaphore, #tpu.memory_space<semaphore_mem>>) src(%dma_wait3A_287 : memref<5120xf32, #tpu.memory_space<vmem>>) dst(%dma_wait3A_284 : memref<5120xf32, #tpu.memory_space<hbm>>)
      tpu.yield
    }) : () -> ()
    %mul3A_156 = arith.constant 128 : i32
    %mul3A_157 = arith.muli %add3A_109, %mul3A_156 : i32
    %run_scoped3A_158 = arith.constant 7 : i32
    %run_scoped3A_159 = arith.constant 7 : i32
    "tpu.region"() ({
      %run_scoped3A_268 = tpu.sem_alloc : memref<!tpu.dma_semaphore, #tpu.memory_space<semaphore_mem>>
      %dma_start3A = arith.constant 0 : i32
      %dma_start3A_269 = tpu.memref_slice %arg7[%run_scoped3A_158, %dma_start3A] : memref<8x5120xf32, #tpu.memory_space<vmem>> -> memref<1x5120xf32, #tpu.memory_space<vmem>>
      %dma_start3A_270 = tpu.memref_squeeze %dma_start3A_269 : memref<1x5120xf32, #tpu.memory_space<vmem>> -> memref<5120xf32, #tpu.memory_space<vmem>>
      %dma_start3A_271 = tpu.memref_slice %arg4[%run_scoped3A_159, %mul3A_157] : memref<8x819200xf32, #tpu.memory_space<hbm>> -> memref<1x5120xf32, #tpu.memory_space<hbm>>
      %dma_start3A_272 = tpu.memref_squeeze %dma_start3A_271 : memref<1x5120xf32, #tpu.memory_space<hbm>> -> memref<5120xf32, #tpu.memory_space<hbm>>
      %dma_start3A_273 = tpu.memref_slice %arg4[%run_scoped3A_159, %mul3A_157] : memref<8x819200xf32, #tpu.memory_space<hbm>> -> memref<1x5120xf32, #tpu.memory_space<hbm>>
      %dma_start3A_274 = tpu.memref_squeeze %dma_start3A_273 : memref<1x5120xf32, #tpu.memory_space<hbm>> -> memref<5120xf32, #tpu.memory_space<hbm>>
      %dma_start3A_275 = arith.constant 0 : i32
      %dma_start3A_276 = tpu.memref_slice %arg7[%run_scoped3A_158, %dma_start3A_275] : memref<8x5120xf32, #tpu.memory_space<vmem>> -> memref<1x5120xf32, #tpu.memory_space<vmem>>
      %dma_start3A_277 = tpu.memref_squeeze %dma_start3A_276 : memref<1x5120xf32, #tpu.memory_space<vmem>> -> memref<5120xf32, #tpu.memory_space<vmem>>
      tpu.enqueue_dma source(%dma_start3A_277 : memref<5120xf32, #tpu.memory_space<vmem>>) target(%dma_start3A_274 : memref<5120xf32, #tpu.memory_space<hbm>>) target_semaphore(%run_scoped3A_268 : memref<!tpu.dma_semaphore, #tpu.memory_space<semaphore_mem>>)
      %dma_wait3A_278 = arith.constant 0 : i32
      %dma_wait3A_279 = tpu.memref_slice %arg7[%run_scoped3A_158, %dma_wait3A_278] : memref<8x5120xf32, #tpu.memory_space<vmem>> -> memref<1x5120xf32, #tpu.memory_space<vmem>>
      %dma_wait3A_280 = tpu.memref_squeeze %dma_wait3A_279 : memref<1x5120xf32, #tpu.memory_space<vmem>> -> memref<5120xf32, #tpu.memory_space<vmem>>
      %dma_wait3A_281 = tpu.memref_slice %arg4[%run_scoped3A_159, %mul3A_157] : memref<8x819200xf32, #tpu.memory_space<hbm>> -> memref<1x5120xf32, #tpu.memory_space<hbm>>
      %dma_wait3A_282 = tpu.memref_squeeze %dma_wait3A_281 : memref<1x5120xf32, #tpu.memory_space<hbm>> -> memref<5120xf32, #tpu.memory_space<hbm>>
      %dma_wait3A_283 = tpu.memref_slice %arg4[%run_scoped3A_159, %mul3A_157] : memref<8x819200xf32, #tpu.memory_space<hbm>> -> memref<1x5120xf32, #tpu.memory_space<hbm>>
      %dma_wait3A_284 = tpu.memref_squeeze %dma_wait3A_283 : memref<1x5120xf32, #tpu.memory_space<hbm>> -> memref<5120xf32, #tpu.memory_space<hbm>>
      %dma_wait3A_285 = arith.constant 0 : i32
      %dma_wait3A_286 = tpu.memref_slice %arg7[%run_scoped3A_158, %dma_wait3A_285] : memref<8x5120xf32, #tpu.memory_space<vmem>> -> memref<1x5120xf32, #tpu.memory_space<vmem>>
      %dma_wait3A_287 = tpu.memref_squeeze %dma_wait3A_286 : memref<1x5120xf32, #tpu.memory_space<vmem>> -> memref<5120xf32, #tpu.memory_space<vmem>>
      tpu.wait_dma2 semaphore(%run_scoped3A_268 : memref<!tpu.dma_semaphore, #tpu.memory_space<semaphore_mem>>) src(%dma_wait3A_287 : memref<5120xf32, #tpu.memory_space<vmem>>) dst(%dma_wait3A_284 : memref<5120xf32, #tpu.memory_space<hbm>>)
      tpu.yield
    }) : () -> ()
    %mul3A_160 = arith.constant 200 : i32
    %mul3A_161 = arith.muli %add3A, %mul3A_160 : i32
    %add3A_162 = arith.constant 120 : i32
    %add3A_163 = arith.addi %mul3A_161, %add3A_162 : i32
    "tpu.region"() ({
      %run_scoped3A_268 = tpu.sem_alloc : memref<!tpu.dma_semaphore, #tpu.memory_space<semaphore_mem>>
      %dma_start3A = arith.constant 0 : i32
      %dma_start3A_269 = tpu.memref_slice %arg2[%add3A_163, %dma_start3A] : memref<6400x128xi32, #tpu.memory_space<hbm>> -> memref<40x128xi32, #tpu.memory_space<hbm>>
      %dma_start3A_270 = arith.constant 0 : i32
      %dma_start3A_271 = tpu.memref_slice %arg2[%add3A_163, %dma_start3A_270] : memref<6400x128xi32, #tpu.memory_space<hbm>> -> memref<40x128xi32, #tpu.memory_space<hbm>>
      tpu.enqueue_dma source(%dma_start3A_271 : memref<40x128xi32, #tpu.memory_space<hbm>>) target(%arg5 : memref<40x128xi32, #tpu.memory_space<vmem>>) target_semaphore(%run_scoped3A_268 : memref<!tpu.dma_semaphore, #tpu.memory_space<semaphore_mem>>)
      %dma_wait3A_272 = arith.constant 0 : i32
      %dma_wait3A_273 = tpu.memref_slice %arg2[%add3A_163, %dma_wait3A_272] : memref<6400x128xi32, #tpu.memory_space<hbm>> -> memref<40x128xi32, #tpu.memory_space<hbm>>
      %dma_wait3A_274 = arith.constant 0 : i32
      %dma_wait3A_275 = tpu.memref_slice %arg2[%add3A_163, %dma_wait3A_274] : memref<6400x128xi32, #tpu.memory_space<hbm>> -> memref<40x128xi32, #tpu.memory_space<hbm>>
      tpu.wait_dma2 semaphore(%run_scoped3A_268 : memref<!tpu.dma_semaphore, #tpu.memory_space<semaphore_mem>>) src(%dma_wait3A_275 : memref<40x128xi32, #tpu.memory_space<hbm>>) dst(%arg5 : memref<40x128xi32, #tpu.memory_space<vmem>>)
      tpu.yield
    }) : () -> ()
    %scan3A_164 = arith.constant 0 : i32
    %scan3A_165 = arith.constant 0 : i32
    %scan3A_166 = arith.constant 40 : i32
    %scan3A_167 = arith.addi %scan3A_165, %scan3A_166 : i32
    %scan3A_168 = arith.constant 1 : i32
    scf.for %scan3A_268 = %scan3A_165 to %scan3A_167 step %scan3A_168  : i32 {
      %mul3A_269 = arith.constant 128 : i32
      %mul3A_270 = arith.muli %scan3A_268, %mul3A_269 : i32
      %dma_start3A = arith.constant 0 : i32
      %dma_start3A_271 = tpu.memref_slice %arg6[%mul3A_270, %dma_start3A] : memref<5120x8xf32, #tpu.memory_space<vmem>> -> memref<128x8xf32, #tpu.memory_space<vmem>>
      %dma_start3A_272 = arith.constant 0 : i32
      %dma_start3A_273 = tpu.memref_slice %arg5[%scan3A_268, %dma_start3A_272] : memref<40x128xi32, #tpu.memory_space<vmem>> -> memref<1x128xi32, #tpu.memory_space<vmem>>
      %dma_start3A_274 = tpu.memref_squeeze %dma_start3A_273 : memref<1x128xi32, #tpu.memory_space<vmem>> -> memref<128xi32, #tpu.memory_space<vmem>>
      %dma_start3A_275 = arith.constant 0 : i32
      %dma_start3A_276 = arith.constant 0 : i32
      %dma_start3A_277 = tpu.memref_slice %arg3[%dma_start3A_275, %dma_start3A_276] : memref<1000000x8xf32, #tpu.memory_space<hbm>> -> memref<1000000x8xf32, #tpu.memory_space<hbm>>
      tpu.enqueue_indirect_dma source(%dma_start3A_277 : memref<1000000x8xf32, #tpu.memory_space<hbm>>) target(%dma_start3A_271 : memref<128x8xf32, #tpu.memory_space<vmem>>) offsets(%dma_start3A_274 : memref<128xi32, #tpu.memory_space<vmem>>) semaphore(%arg8 : memref<!tpu.dma_semaphore, #tpu.memory_space<semaphore_mem>>)
    }
    %scan3A_169 = arith.constant 40 : i32
    %dma_wait3A_170 = arith.constant 0 : i32
    %dma_wait3A_171 = arith.constant 0 : i32
    %dma_wait3A_172 = tpu.memref_slice %arg3[%dma_wait3A_170, %dma_wait3A_171] : memref<1000000x8xf32, #tpu.memory_space<hbm>> -> memref<5120x8xf32, #tpu.memory_space<hbm>>
    %dma_wait3A_173 = arith.constant 0 : i32
    %dma_wait3A_174 = arith.constant 0 : i32
    %dma_wait3A_175 = tpu.memref_slice %arg3[%dma_wait3A_173, %dma_wait3A_174] : memref<1000000x8xf32, #tpu.memory_space<hbm>> -> memref<5120x8xf32, #tpu.memory_space<hbm>>
    tpu.wait_dma2 semaphore(%arg8 : memref<!tpu.dma_semaphore, #tpu.memory_space<semaphore_mem>>) src(%dma_wait3A_175 : memref<5120x8xf32, #tpu.memory_space<hbm>>) dst(%arg6 : memref<5120x8xf32, #tpu.memory_space<vmem>>)
    %scan3A_176 = arith.constant 0 : i32
    %scan3A_177 = arith.constant 0 : i32
    %scan3A_178 = arith.constant 320 : i32
    %scan3A_179 = arith.addi %scan3A_177, %scan3A_178 : i32
    %scan3A_180 = arith.constant 1 : i32
    scf.for %scan3A_268 = %scan3A_177 to %scan3A_179 step %scan3A_180  : i32 {
      %mul3A_269 = arith.constant 16 : i32
      %mul3A_270 = arith.muli %scan3A_268, %mul3A_269 : i32
      %add3A_271 = vector.broadcast %mul3A_270 : i32 to vector<16xi32>
      %add3A_272 = arith.addi %add3A_271, %iota3A : vector<16xi32>
      %broadcast_in_dim3A = arith.constant 0 : i32
      %broadcast_in_dim3A_273 = vector.broadcast %broadcast_in_dim3A : i32 to vector<16xi32>
      %gather3A = tpu.vector_load_idx %arg6[%add3A_272, %broadcast_in_dim3A_273] : memref<5120x8xf32, #tpu.memory_space<vmem>>[vector<16xi32>, vector<16xi32>], vector<16xf32>,
      %mul3A_274 = arith.constant 16 : i32
      %mul3A_275 = arith.muli %scan3A_268, %mul3A_274 : i32
      %swap3A = arith.constant 0 : i32
      %swap3A_276 = arith.index_cast %swap3A : i32 to index
      %swap3A_277 = arith.index_cast %mul3A_275 : i32 to index
      %swap3A_278 = tpu.vector_load %arg7[%swap3A_276, %swap3A_277] {strides = array<i32>} : memref<8x5120xf32, #tpu.memory_space<vmem>>, vector<16xf32>,
      tpu.vector_store %arg7[%swap3A_276, %swap3A_277], %gather3A {strides = array<i32>} : memref<8x5120xf32, #tpu.memory_space<vmem>>, vector<16xf32>,
      %broadcast_in_dim3A_279 = arith.constant 1 : i32
      %broadcast_in_dim3A_280 = vector.broadcast %broadcast_in_dim3A_279 : i32 to vector<16xi32>
      %gather3A_281 = tpu.vector_load_idx %arg6[%add3A_272, %broadcast_in_dim3A_280] : memref<5120x8xf32, #tpu.memory_space<vmem>>[vector<16xi32>, vector<16xi32>], vector<16xf32>,
      %mul3A_282 = arith.constant 16 : i32
      %mul3A_283 = arith.muli %scan3A_268, %mul3A_282 : i32
      %swap3A_284 = arith.constant 1 : i32
      %swap3A_285 = arith.index_cast %swap3A_284 : i32 to index
      %swap3A_286 = arith.index_cast %mul3A_283 : i32 to index
      %swap3A_287 = tpu.vector_load %arg7[%swap3A_285, %swap3A_286] {strides = array<i32>} : memref<8x5120xf32, #tpu.memory_space<vmem>>, vector<16xf32>,
      tpu.vector_store %arg7[%swap3A_285, %swap3A_286], %gather3A_281 {strides = array<i32>} : memref<8x5120xf32, #tpu.memory_space<vmem>>, vector<16xf32>,
      %broadcast_in_dim3A_288 = arith.constant 2 : i32
      %broadcast_in_dim3A_289 = vector.broadcast %broadcast_in_dim3A_288 : i32 to vector<16xi32>
      %gather3A_290 = tpu.vector_load_idx %arg6[%add3A_272, %broadcast_in_dim3A_289] : memref<5120x8xf32, #tpu.memory_space<vmem>>[vector<16xi32>, vector<16xi32>], vector<16xf32>,
      %mul3A_291 = arith.constant 16 : i32
      %mul3A_292 = arith.muli %scan3A_268, %mul3A_291 : i32
      %swap3A_293 = arith.constant 2 : i32
      %swap3A_294 = arith.index_cast %swap3A_293 : i32 to index
      %swap3A_295 = arith.index_cast %mul3A_292 : i32 to index
      %swap3A_296 = tpu.vector_load %arg7[%swap3A_294, %swap3A_295] {strides = array<i32>} : memref<8x5120xf32, #tpu.memory_space<vmem>>, vector<16xf32>,
      tpu.vector_store %arg7[%swap3A_294, %swap3A_295], %gather3A_290 {strides = array<i32>} : memref<8x5120xf32, #tpu.memory_space<vmem>>, vector<16xf32>,
      %broadcast_in_dim3A_297 = arith.constant 3 : i32
      %broadcast_in_dim3A_298 = vector.broadcast %broadcast_in_dim3A_297 : i32 to vector<16xi32>
      %gather3A_299 = tpu.vector_load_idx %arg6[%add3A_272, %broadcast_in_dim3A_298] : memref<5120x8xf32, #tpu.memory_space<vmem>>[vector<16xi32>, vector<16xi32>], vector<16xf32>,
      %mul3A_300 = arith.constant 16 : i32
      %mul3A_301 = arith.muli %scan3A_268, %mul3A_300 : i32
      %swap3A_302 = arith.constant 3 : i32
      %swap3A_303 = arith.index_cast %swap3A_302 : i32 to index
      %swap3A_304 = arith.index_cast %mul3A_301 : i32 to index
      %swap3A_305 = tpu.vector_load %arg7[%swap3A_303, %swap3A_304] {strides = array<i32>} : memref<8x5120xf32, #tpu.memory_space<vmem>>, vector<16xf32>,
      tpu.vector_store %arg7[%swap3A_303, %swap3A_304], %gather3A_299 {strides = array<i32>} : memref<8x5120xf32, #tpu.memory_space<vmem>>, vector<16xf32>,
      %broadcast_in_dim3A_306 = arith.constant 4 : i32
      %broadcast_in_dim3A_307 = vector.broadcast %broadcast_in_dim3A_306 : i32 to vector<16xi32>
      %gather3A_308 = tpu.vector_load_idx %arg6[%add3A_272, %broadcast_in_dim3A_307] : memref<5120x8xf32, #tpu.memory_space<vmem>>[vector<16xi32>, vector<16xi32>], vector<16xf32>,
      %mul3A_309 = arith.constant 16 : i32
      %mul3A_310 = arith.muli %scan3A_268, %mul3A_309 : i32
      %swap3A_311 = arith.constant 4 : i32
      %swap3A_312 = arith.index_cast %swap3A_311 : i32 to index
      %swap3A_313 = arith.index_cast %mul3A_310 : i32 to index
      %swap3A_314 = tpu.vector_load %arg7[%swap3A_312, %swap3A_313] {strides = array<i32>} : memref<8x5120xf32, #tpu.memory_space<vmem>>, vector<16xf32>,
      tpu.vector_store %arg7[%swap3A_312, %swap3A_313], %gather3A_308 {strides = array<i32>} : memref<8x5120xf32, #tpu.memory_space<vmem>>, vector<16xf32>,
      %broadcast_in_dim3A_315 = arith.constant 5 : i32
      %broadcast_in_dim3A_316 = vector.broadcast %broadcast_in_dim3A_315 : i32 to vector<16xi32>
      %gather3A_317 = tpu.vector_load_idx %arg6[%add3A_272, %broadcast_in_dim3A_316] : memref<5120x8xf32, #tpu.memory_space<vmem>>[vector<16xi32>, vector<16xi32>], vector<16xf32>,
      %mul3A_318 = arith.constant 16 : i32
      %mul3A_319 = arith.muli %scan3A_268, %mul3A_318 : i32
      %swap3A_320 = arith.constant 5 : i32
      %swap3A_321 = arith.index_cast %swap3A_320 : i32 to index
      %swap3A_322 = arith.index_cast %mul3A_319 : i32 to index
      %swap3A_323 = tpu.vector_load %arg7[%swap3A_321, %swap3A_322] {strides = array<i32>} : memref<8x5120xf32, #tpu.memory_space<vmem>>, vector<16xf32>,
      tpu.vector_store %arg7[%swap3A_321, %swap3A_322], %gather3A_317 {strides = array<i32>} : memref<8x5120xf32, #tpu.memory_space<vmem>>, vector<16xf32>,
      %broadcast_in_dim3A_324 = arith.constant 6 : i32
      %broadcast_in_dim3A_325 = vector.broadcast %broadcast_in_dim3A_324 : i32 to vector<16xi32>
      %gather3A_326 = tpu.vector_load_idx %arg6[%add3A_272, %broadcast_in_dim3A_325] : memref<5120x8xf32, #tpu.memory_space<vmem>>[vector<16xi32>, vector<16xi32>], vector<16xf32>,
      %mul3A_327 = arith.constant 16 : i32
      %mul3A_328 = arith.muli %scan3A_268, %mul3A_327 : i32
      %swap3A_329 = arith.constant 6 : i32
      %swap3A_330 = arith.index_cast %swap3A_329 : i32 to index
      %swap3A_331 = arith.index_cast %mul3A_328 : i32 to index
      %swap3A_332 = tpu.vector_load %arg7[%swap3A_330, %swap3A_331] {strides = array<i32>} : memref<8x5120xf32, #tpu.memory_space<vmem>>, vector<16xf32>,
      tpu.vector_store %arg7[%swap3A_330, %swap3A_331], %gather3A_326 {strides = array<i32>} : memref<8x5120xf32, #tpu.memory_space<vmem>>, vector<16xf32>,
      %broadcast_in_dim3A_333 = arith.constant 7 : i32
      %broadcast_in_dim3A_334 = vector.broadcast %broadcast_in_dim3A_333 : i32 to vector<16xi32>
      %gather3A_335 = tpu.vector_load_idx %arg6[%add3A_272, %broadcast_in_dim3A_334] : memref<5120x8xf32, #tpu.memory_space<vmem>>[vector<16xi32>, vector<16xi32>], vector<16xf32>,
      %mul3A_336 = arith.constant 16 : i32
      %mul3A_337 = arith.muli %scan3A_268, %mul3A_336 : i32
      %swap3A_338 = arith.constant 7 : i32
      %swap3A_339 = arith.index_cast %swap3A_338 : i32 to index
      %swap3A_340 = arith.index_cast %mul3A_337 : i32 to index
      %swap3A_341 = tpu.vector_load %arg7[%swap3A_339, %swap3A_340] {strides = array<i32>} : memref<8x5120xf32, #tpu.memory_space<vmem>>, vector<16xf32>,
      tpu.vector_store %arg7[%swap3A_339, %swap3A_340], %gather3A_335 {strides = array<i32>} : memref<8x5120xf32, #tpu.memory_space<vmem>>, vector<16xf32>,
    }
    %scan3A_181 = arith.constant 320 : i32
    %mul3A_182 = arith.constant 128 : i32
    %mul3A_183 = arith.muli %add3A_163, %mul3A_182 : i32
    %run_scoped3A_184 = arith.constant 0 : i32
    %run_scoped3A_185 = arith.constant 0 : i32
    "tpu.region"() ({
      %run_scoped3A_268 = tpu.sem_alloc : memref<!tpu.dma_semaphore, #tpu.memory_space<semaphore_mem>>
      %dma_start3A = arith.constant 0 : i32
      %dma_start3A_269 = tpu.memref_slice %arg7[%run_scoped3A_184, %dma_start3A] : memref<8x5120xf32, #tpu.memory_space<vmem>> -> memref<1x5120xf32, #tpu.memory_space<vmem>>
      %dma_start3A_270 = tpu.memref_squeeze %dma_start3A_269 : memref<1x5120xf32, #tpu.memory_space<vmem>> -> memref<5120xf32, #tpu.memory_space<vmem>>
      %dma_start3A_271 = tpu.memref_slice %arg4[%run_scoped3A_185, %mul3A_183] : memref<8x819200xf32, #tpu.memory_space<hbm>> -> memref<1x5120xf32, #tpu.memory_space<hbm>>
      %dma_start3A_272 = tpu.memref_squeeze %dma_start3A_271 : memref<1x5120xf32, #tpu.memory_space<hbm>> -> memref<5120xf32, #tpu.memory_space<hbm>>
      %dma_start3A_273 = tpu.memref_slice %arg4[%run_scoped3A_185, %mul3A_183] : memref<8x819200xf32, #tpu.memory_space<hbm>> -> memref<1x5120xf32, #tpu.memory_space<hbm>>
      %dma_start3A_274 = tpu.memref_squeeze %dma_start3A_273 : memref<1x5120xf32, #tpu.memory_space<hbm>> -> memref<5120xf32, #tpu.memory_space<hbm>>
      %dma_start3A_275 = arith.constant 0 : i32
      %dma_start3A_276 = tpu.memref_slice %arg7[%run_scoped3A_184, %dma_start3A_275] : memref<8x5120xf32, #tpu.memory_space<vmem>> -> memref<1x5120xf32, #tpu.memory_space<vmem>>
      %dma_start3A_277 = tpu.memref_squeeze %dma_start3A_276 : memref<1x5120xf32, #tpu.memory_space<vmem>> -> memref<5120xf32, #tpu.memory_space<vmem>>
      tpu.enqueue_dma source(%dma_start3A_277 : memref<5120xf32, #tpu.memory_space<vmem>>) target(%dma_start3A_274 : memref<5120xf32, #tpu.memory_space<hbm>>) target_semaphore(%run_scoped3A_268 : memref<!tpu.dma_semaphore, #tpu.memory_space<semaphore_mem>>)
      %dma_wait3A_278 = arith.constant 0 : i32
      %dma_wait3A_279 = tpu.memref_slice %arg7[%run_scoped3A_184, %dma_wait3A_278] : memref<8x5120xf32, #tpu.memory_space<vmem>> -> memref<1x5120xf32, #tpu.memory_space<vmem>>
      %dma_wait3A_280 = tpu.memref_squeeze %dma_wait3A_279 : memref<1x5120xf32, #tpu.memory_space<vmem>> -> memref<5120xf32, #tpu.memory_space<vmem>>
      %dma_wait3A_281 = tpu.memref_slice %arg4[%run_scoped3A_185, %mul3A_183] : memref<8x819200xf32, #tpu.memory_space<hbm>> -> memref<1x5120xf32, #tpu.memory_space<hbm>>
      %dma_wait3A_282 = tpu.memref_squeeze %dma_wait3A_281 : memref<1x5120xf32, #tpu.memory_space<hbm>> -> memref<5120xf32, #tpu.memory_space<hbm>>
      %dma_wait3A_283 = tpu.memref_slice %arg4[%run_scoped3A_185, %mul3A_183] : memref<8x819200xf32, #tpu.memory_space<hbm>> -> memref<1x5120xf32, #tpu.memory_space<hbm>>
      %dma_wait3A_284 = tpu.memref_squeeze %dma_wait3A_283 : memref<1x5120xf32, #tpu.memory_space<hbm>> -> memref<5120xf32, #tpu.memory_space<hbm>>
      %dma_wait3A_285 = arith.constant 0 : i32
      %dma_wait3A_286 = tpu.memref_slice %arg7[%run_scoped3A_184, %dma_wait3A_285] : memref<8x5120xf32, #tpu.memory_space<vmem>> -> memref<1x5120xf32, #tpu.memory_space<vmem>>
      %dma_wait3A_287 = tpu.memref_squeeze %dma_wait3A_286 : memref<1x5120xf32, #tpu.memory_space<vmem>> -> memref<5120xf32, #tpu.memory_space<vmem>>
      tpu.wait_dma2 semaphore(%run_scoped3A_268 : memref<!tpu.dma_semaphore, #tpu.memory_space<semaphore_mem>>) src(%dma_wait3A_287 : memref<5120xf32, #tpu.memory_space<vmem>>) dst(%dma_wait3A_284 : memref<5120xf32, #tpu.memory_space<hbm>>)
      tpu.yield
    }) : () -> ()
    %mul3A_186 = arith.constant 128 : i32
    %mul3A_187 = arith.muli %add3A_163, %mul3A_186 : i32
    %run_scoped3A_188 = arith.constant 1 : i32
    %run_scoped3A_189 = arith.constant 1 : i32
    "tpu.region"() ({
      %run_scoped3A_268 = tpu.sem_alloc : memref<!tpu.dma_semaphore, #tpu.memory_space<semaphore_mem>>
      %dma_start3A = arith.constant 0 : i32
      %dma_start3A_269 = tpu.memref_slice %arg7[%run_scoped3A_188, %dma_start3A] : memref<8x5120xf32, #tpu.memory_space<vmem>> -> memref<1x5120xf32, #tpu.memory_space<vmem>>
      %dma_start3A_270 = tpu.memref_squeeze %dma_start3A_269 : memref<1x5120xf32, #tpu.memory_space<vmem>> -> memref<5120xf32, #tpu.memory_space<vmem>>
      %dma_start3A_271 = tpu.memref_slice %arg4[%run_scoped3A_189, %mul3A_187] : memref<8x819200xf32, #tpu.memory_space<hbm>> -> memref<1x5120xf32, #tpu.memory_space<hbm>>
      %dma_start3A_272 = tpu.memref_squeeze %dma_start3A_271 : memref<1x5120xf32, #tpu.memory_space<hbm>> -> memref<5120xf32, #tpu.memory_space<hbm>>
      %dma_start3A_273 = tpu.memref_slice %arg4[%run_scoped3A_189, %mul3A_187] : memref<8x819200xf32, #tpu.memory_space<hbm>> -> memref<1x5120xf32, #tpu.memory_space<hbm>>
      %dma_start3A_274 = tpu.memref_squeeze %dma_start3A_273 : memref<1x5120xf32, #tpu.memory_space<hbm>> -> memref<5120xf32, #tpu.memory_space<hbm>>
      %dma_start3A_275 = arith.constant 0 : i32
      %dma_start3A_276 = tpu.memref_slice %arg7[%run_scoped3A_188, %dma_start3A_275] : memref<8x5120xf32, #tpu.memory_space<vmem>> -> memref<1x5120xf32, #tpu.memory_space<vmem>>
      %dma_start3A_277 = tpu.memref_squeeze %dma_start3A_276 : memref<1x5120xf32, #tpu.memory_space<vmem>> -> memref<5120xf32, #tpu.memory_space<vmem>>
      tpu.enqueue_dma source(%dma_start3A_277 : memref<5120xf32, #tpu.memory_space<vmem>>) target(%dma_start3A_274 : memref<5120xf32, #tpu.memory_space<hbm>>) target_semaphore(%run_scoped3A_268 : memref<!tpu.dma_semaphore, #tpu.memory_space<semaphore_mem>>)
      %dma_wait3A_278 = arith.constant 0 : i32
      %dma_wait3A_279 = tpu.memref_slice %arg7[%run_scoped3A_188, %dma_wait3A_278] : memref<8x5120xf32, #tpu.memory_space<vmem>> -> memref<1x5120xf32, #tpu.memory_space<vmem>>
      %dma_wait3A_280 = tpu.memref_squeeze %dma_wait3A_279 : memref<1x5120xf32, #tpu.memory_space<vmem>> -> memref<5120xf32, #tpu.memory_space<vmem>>
      %dma_wait3A_281 = tpu.memref_slice %arg4[%run_scoped3A_189, %mul3A_187] : memref<8x819200xf32, #tpu.memory_space<hbm>> -> memref<1x5120xf32, #tpu.memory_space<hbm>>
      %dma_wait3A_282 = tpu.memref_squeeze %dma_wait3A_281 : memref<1x5120xf32, #tpu.memory_space<hbm>> -> memref<5120xf32, #tpu.memory_space<hbm>>
      %dma_wait3A_283 = tpu.memref_slice %arg4[%run_scoped3A_189, %mul3A_187] : memref<8x819200xf32, #tpu.memory_space<hbm>> -> memref<1x5120xf32, #tpu.memory_space<hbm>>
      %dma_wait3A_284 = tpu.memref_squeeze %dma_wait3A_283 : memref<1x5120xf32, #tpu.memory_space<hbm>> -> memref<5120xf32, #tpu.memory_space<hbm>>
      %dma_wait3A_285 = arith.constant 0 : i32
      %dma_wait3A_286 = tpu.memref_slice %arg7[%run_scoped3A_188, %dma_wait3A_285] : memref<8x5120xf32, #tpu.memory_space<vmem>> -> memref<1x5120xf32, #tpu.memory_space<vmem>>
      %dma_wait3A_287 = tpu.memref_squeeze %dma_wait3A_286 : memref<1x5120xf32, #tpu.memory_space<vmem>> -> memref<5120xf32, #tpu.memory_space<vmem>>
      tpu.wait_dma2 semaphore(%run_scoped3A_268 : memref<!tpu.dma_semaphore, #tpu.memory_space<semaphore_mem>>) src(%dma_wait3A_287 : memref<5120xf32, #tpu.memory_space<vmem>>) dst(%dma_wait3A_284 : memref<5120xf32, #tpu.memory_space<hbm>>)
      tpu.yield
    }) : () -> ()
    %mul3A_190 = arith.constant 128 : i32
    %mul3A_191 = arith.muli %add3A_163, %mul3A_190 : i32
    %run_scoped3A_192 = arith.constant 2 : i32
    %run_scoped3A_193 = arith.constant 2 : i32
    "tpu.region"() ({
      %run_scoped3A_268 = tpu.sem_alloc : memref<!tpu.dma_semaphore, #tpu.memory_space<semaphore_mem>>
      %dma_start3A = arith.constant 0 : i32
      %dma_start3A_269 = tpu.memref_slice %arg7[%run_scoped3A_192, %dma_start3A] : memref<8x5120xf32, #tpu.memory_space<vmem>> -> memref<1x5120xf32, #tpu.memory_space<vmem>>
      %dma_start3A_270 = tpu.memref_squeeze %dma_start3A_269 : memref<1x5120xf32, #tpu.memory_space<vmem>> -> memref<5120xf32, #tpu.memory_space<vmem>>
      %dma_start3A_271 = tpu.memref_slice %arg4[%run_scoped3A_193, %mul3A_191] : memref<8x819200xf32, #tpu.memory_space<hbm>> -> memref<1x5120xf32, #tpu.memory_space<hbm>>
      %dma_start3A_272 = tpu.memref_squeeze %dma_start3A_271 : memref<1x5120xf32, #tpu.memory_space<hbm>> -> memref<5120xf32, #tpu.memory_space<hbm>>
      %dma_start3A_273 = tpu.memref_slice %arg4[%run_scoped3A_193, %mul3A_191] : memref<8x819200xf32, #tpu.memory_space<hbm>> -> memref<1x5120xf32, #tpu.memory_space<hbm>>
      %dma_start3A_274 = tpu.memref_squeeze %dma_start3A_273 : memref<1x5120xf32, #tpu.memory_space<hbm>> -> memref<5120xf32, #tpu.memory_space<hbm>>
      %dma_start3A_275 = arith.constant 0 : i32
      %dma_start3A_276 = tpu.memref_slice %arg7[%run_scoped3A_192, %dma_start3A_275] : memref<8x5120xf32, #tpu.memory_space<vmem>> -> memref<1x5120xf32, #tpu.memory_space<vmem>>
      %dma_start3A_277 = tpu.memref_squeeze %dma_start3A_276 : memref<1x5120xf32, #tpu.memory_space<vmem>> -> memref<5120xf32, #tpu.memory_space<vmem>>
      tpu.enqueue_dma source(%dma_start3A_277 : memref<5120xf32, #tpu.memory_space<vmem>>) target(%dma_start3A_274 : memref<5120xf32, #tpu.memory_space<hbm>>) target_semaphore(%run_scoped3A_268 : memref<!tpu.dma_semaphore, #tpu.memory_space<semaphore_mem>>)
      %dma_wait3A_278 = arith.constant 0 : i32
      %dma_wait3A_279 = tpu.memref_slice %arg7[%run_scoped3A_192, %dma_wait3A_278] : memref<8x5120xf32, #tpu.memory_space<vmem>> -> memref<1x5120xf32, #tpu.memory_space<vmem>>
      %dma_wait3A_280 = tpu.memref_squeeze %dma_wait3A_279 : memref<1x5120xf32, #tpu.memory_space<vmem>> -> memref<5120xf32, #tpu.memory_space<vmem>>
      %dma_wait3A_281 = tpu.memref_slice %arg4[%run_scoped3A_193, %mul3A_191] : memref<8x819200xf32, #tpu.memory_space<hbm>> -> memref<1x5120xf32, #tpu.memory_space<hbm>>
      %dma_wait3A_282 = tpu.memref_squeeze %dma_wait3A_281 : memref<1x5120xf32, #tpu.memory_space<hbm>> -> memref<5120xf32, #tpu.memory_space<hbm>>
      %dma_wait3A_283 = tpu.memref_slice %arg4[%run_scoped3A_193, %mul3A_191] : memref<8x819200xf32, #tpu.memory_space<hbm>> -> memref<1x5120xf32, #tpu.memory_space<hbm>>
      %dma_wait3A_284 = tpu.memref_squeeze %dma_wait3A_283 : memref<1x5120xf32, #tpu.memory_space<hbm>> -> memref<5120xf32, #tpu.memory_space<hbm>>
      %dma_wait3A_285 = arith.constant 0 : i32
      %dma_wait3A_286 = tpu.memref_slice %arg7[%run_scoped3A_192, %dma_wait3A_285] : memref<8x5120xf32, #tpu.memory_space<vmem>> -> memref<1x5120xf32, #tpu.memory_space<vmem>>
      %dma_wait3A_287 = tpu.memref_squeeze %dma_wait3A_286 : memref<1x5120xf32, #tpu.memory_space<vmem>> -> memref<5120xf32, #tpu.memory_space<vmem>>
      tpu.wait_dma2 semaphore(%run_scoped3A_268 : memref<!tpu.dma_semaphore, #tpu.memory_space<semaphore_mem>>) src(%dma_wait3A_287 : memref<5120xf32, #tpu.memory_space<vmem>>) dst(%dma_wait3A_284 : memref<5120xf32, #tpu.memory_space<hbm>>)
      tpu.yield
    }) : () -> ()
    %mul3A_194 = arith.constant 128 : i32
    %mul3A_195 = arith.muli %add3A_163, %mul3A_194 : i32
    %run_scoped3A_196 = arith.constant 3 : i32
    %run_scoped3A_197 = arith.constant 3 : i32
    "tpu.region"() ({
      %run_scoped3A_268 = tpu.sem_alloc : memref<!tpu.dma_semaphore, #tpu.memory_space<semaphore_mem>>
      %dma_start3A = arith.constant 0 : i32
      %dma_start3A_269 = tpu.memref_slice %arg7[%run_scoped3A_196, %dma_start3A] : memref<8x5120xf32, #tpu.memory_space<vmem>> -> memref<1x5120xf32, #tpu.memory_space<vmem>>
      %dma_start3A_270 = tpu.memref_squeeze %dma_start3A_269 : memref<1x5120xf32, #tpu.memory_space<vmem>> -> memref<5120xf32, #tpu.memory_space<vmem>>
      %dma_start3A_271 = tpu.memref_slice %arg4[%run_scoped3A_197, %mul3A_195] : memref<8x819200xf32, #tpu.memory_space<hbm>> -> memref<1x5120xf32, #tpu.memory_space<hbm>>
      %dma_start3A_272 = tpu.memref_squeeze %dma_start3A_271 : memref<1x5120xf32, #tpu.memory_space<hbm>> -> memref<5120xf32, #tpu.memory_space<hbm>>
      %dma_start3A_273 = tpu.memref_slice %arg4[%run_scoped3A_197, %mul3A_195] : memref<8x819200xf32, #tpu.memory_space<hbm>> -> memref<1x5120xf32, #tpu.memory_space<hbm>>
      %dma_start3A_274 = tpu.memref_squeeze %dma_start3A_273 : memref<1x5120xf32, #tpu.memory_space<hbm>> -> memref<5120xf32, #tpu.memory_space<hbm>>
      %dma_start3A_275 = arith.constant 0 : i32
      %dma_start3A_276 = tpu.memref_slice %arg7[%run_scoped3A_196, %dma_start3A_275] : memref<8x5120xf32, #tpu.memory_space<vmem>> -> memref<1x5120xf32, #tpu.memory_space<vmem>>
      %dma_start3A_277 = tpu.memref_squeeze %dma_start3A_276 : memref<1x5120xf32, #tpu.memory_space<vmem>> -> memref<5120xf32, #tpu.memory_space<vmem>>
      tpu.enqueue_dma source(%dma_start3A_277 : memref<5120xf32, #tpu.memory_space<vmem>>) target(%dma_start3A_274 : memref<5120xf32, #tpu.memory_space<hbm>>) target_semaphore(%run_scoped3A_268 : memref<!tpu.dma_semaphore, #tpu.memory_space<semaphore_mem>>)
      %dma_wait3A_278 = arith.constant 0 : i32
      %dma_wait3A_279 = tpu.memref_slice %arg7[%run_scoped3A_196, %dma_wait3A_278] : memref<8x5120xf32, #tpu.memory_space<vmem>> -> memref<1x5120xf32, #tpu.memory_space<vmem>>
      %dma_wait3A_280 = tpu.memref_squeeze %dma_wait3A_279 : memref<1x5120xf32, #tpu.memory_space<vmem>> -> memref<5120xf32, #tpu.memory_space<vmem>>
      %dma_wait3A_281 = tpu.memref_slice %arg4[%run_scoped3A_197, %mul3A_195] : memref<8x819200xf32, #tpu.memory_space<hbm>> -> memref<1x5120xf32, #tpu.memory_space<hbm>>
      %dma_wait3A_282 = tpu.memref_squeeze %dma_wait3A_281 : memref<1x5120xf32, #tpu.memory_space<hbm>> -> memref<5120xf32, #tpu.memory_space<hbm>>
      %dma_wait3A_283 = tpu.memref_slice %arg4[%run_scoped3A_197, %mul3A_195] : memref<8x819200xf32, #tpu.memory_space<hbm>> -> memref<1x5120xf32, #tpu.memory_space<hbm>>
      %dma_wait3A_284 = tpu.memref_squeeze %dma_wait3A_283 : memref<1x5120xf32, #tpu.memory_space<hbm>> -> memref<5120xf32, #tpu.memory_space<hbm>>
      %dma_wait3A_285 = arith.constant 0 : i32
      %dma_wait3A_286 = tpu.memref_slice %arg7[%run_scoped3A_196, %dma_wait3A_285] : memref<8x5120xf32, #tpu.memory_space<vmem>> -> memref<1x5120xf32, #tpu.memory_space<vmem>>
      %dma_wait3A_287 = tpu.memref_squeeze %dma_wait3A_286 : memref<1x5120xf32, #tpu.memory_space<vmem>> -> memref<5120xf32, #tpu.memory_space<vmem>>
      tpu.wait_dma2 semaphore(%run_scoped3A_268 : memref<!tpu.dma_semaphore, #tpu.memory_space<semaphore_mem>>) src(%dma_wait3A_287 : memref<5120xf32, #tpu.memory_space<vmem>>) dst(%dma_wait3A_284 : memref<5120xf32, #tpu.memory_space<hbm>>)
      tpu.yield
    }) : () -> ()
    %mul3A_198 = arith.constant 128 : i32
    %mul3A_199 = arith.muli %add3A_163, %mul3A_198 : i32
    %run_scoped3A_200 = arith.constant 4 : i32
    %run_scoped3A_201 = arith.constant 4 : i32
    "tpu.region"() ({
      %run_scoped3A_268 = tpu.sem_alloc : memref<!tpu.dma_semaphore, #tpu.memory_space<semaphore_mem>>
      %dma_start3A = arith.constant 0 : i32
      %dma_start3A_269 = tpu.memref_slice %arg7[%run_scoped3A_200, %dma_start3A] : memref<8x5120xf32, #tpu.memory_space<vmem>> -> memref<1x5120xf32, #tpu.memory_space<vmem>>
      %dma_start3A_270 = tpu.memref_squeeze %dma_start3A_269 : memref<1x5120xf32, #tpu.memory_space<vmem>> -> memref<5120xf32, #tpu.memory_space<vmem>>
      %dma_start3A_271 = tpu.memref_slice %arg4[%run_scoped3A_201, %mul3A_199] : memref<8x819200xf32, #tpu.memory_space<hbm>> -> memref<1x5120xf32, #tpu.memory_space<hbm>>
      %dma_start3A_272 = tpu.memref_squeeze %dma_start3A_271 : memref<1x5120xf32, #tpu.memory_space<hbm>> -> memref<5120xf32, #tpu.memory_space<hbm>>
      %dma_start3A_273 = tpu.memref_slice %arg4[%run_scoped3A_201, %mul3A_199] : memref<8x819200xf32, #tpu.memory_space<hbm>> -> memref<1x5120xf32, #tpu.memory_space<hbm>>
      %dma_start3A_274 = tpu.memref_squeeze %dma_start3A_273 : memref<1x5120xf32, #tpu.memory_space<hbm>> -> memref<5120xf32, #tpu.memory_space<hbm>>
      %dma_start3A_275 = arith.constant 0 : i32
      %dma_start3A_276 = tpu.memref_slice %arg7[%run_scoped3A_200, %dma_start3A_275] : memref<8x5120xf32, #tpu.memory_space<vmem>> -> memref<1x5120xf32, #tpu.memory_space<vmem>>
      %dma_start3A_277 = tpu.memref_squeeze %dma_start3A_276 : memref<1x5120xf32, #tpu.memory_space<vmem>> -> memref<5120xf32, #tpu.memory_space<vmem>>
      tpu.enqueue_dma source(%dma_start3A_277 : memref<5120xf32, #tpu.memory_space<vmem>>) target(%dma_start3A_274 : memref<5120xf32, #tpu.memory_space<hbm>>) target_semaphore(%run_scoped3A_268 : memref<!tpu.dma_semaphore, #tpu.memory_space<semaphore_mem>>)
      %dma_wait3A_278 = arith.constant 0 : i32
      %dma_wait3A_279 = tpu.memref_slice %arg7[%run_scoped3A_200, %dma_wait3A_278] : memref<8x5120xf32, #tpu.memory_space<vmem>> -> memref<1x5120xf32, #tpu.memory_space<vmem>>
      %dma_wait3A_280 = tpu.memref_squeeze %dma_wait3A_279 : memref<1x5120xf32, #tpu.memory_space<vmem>> -> memref<5120xf32, #tpu.memory_space<vmem>>
      %dma_wait3A_281 = tpu.memref_slice %arg4[%run_scoped3A_201, %mul3A_199] : memref<8x819200xf32, #tpu.memory_space<hbm>> -> memref<1x5120xf32, #tpu.memory_space<hbm>>
      %dma_wait3A_282 = tpu.memref_squeeze %dma_wait3A_281 : memref<1x5120xf32, #tpu.memory_space<hbm>> -> memref<5120xf32, #tpu.memory_space<hbm>>
      %dma_wait3A_283 = tpu.memref_slice %arg4[%run_scoped3A_201, %mul3A_199] : memref<8x819200xf32, #tpu.memory_space<hbm>> -> memref<1x5120xf32, #tpu.memory_space<hbm>>
      %dma_wait3A_284 = tpu.memref_squeeze %dma_wait3A_283 : memref<1x5120xf32, #tpu.memory_space<hbm>> -> memref<5120xf32, #tpu.memory_space<hbm>>
      %dma_wait3A_285 = arith.constant 0 : i32
      %dma_wait3A_286 = tpu.memref_slice %arg7[%run_scoped3A_200, %dma_wait3A_285] : memref<8x5120xf32, #tpu.memory_space<vmem>> -> memref<1x5120xf32, #tpu.memory_space<vmem>>
      %dma_wait3A_287 = tpu.memref_squeeze %dma_wait3A_286 : memref<1x5120xf32, #tpu.memory_space<vmem>> -> memref<5120xf32, #tpu.memory_space<vmem>>
      tpu.wait_dma2 semaphore(%run_scoped3A_268 : memref<!tpu.dma_semaphore, #tpu.memory_space<semaphore_mem>>) src(%dma_wait3A_287 : memref<5120xf32, #tpu.memory_space<vmem>>) dst(%dma_wait3A_284 : memref<5120xf32, #tpu.memory_space<hbm>>)
      tpu.yield
    }) : () -> ()
    %mul3A_202 = arith.constant 128 : i32
    %mul3A_203 = arith.muli %add3A_163, %mul3A_202 : i32
    %run_scoped3A_204 = arith.constant 5 : i32
    %run_scoped3A_205 = arith.constant 5 : i32
    "tpu.region"() ({
      %run_scoped3A_268 = tpu.sem_alloc : memref<!tpu.dma_semaphore, #tpu.memory_space<semaphore_mem>>
      %dma_start3A = arith.constant 0 : i32
      %dma_start3A_269 = tpu.memref_slice %arg7[%run_scoped3A_204, %dma_start3A] : memref<8x5120xf32, #tpu.memory_space<vmem>> -> memref<1x5120xf32, #tpu.memory_space<vmem>>
      %dma_start3A_270 = tpu.memref_squeeze %dma_start3A_269 : memref<1x5120xf32, #tpu.memory_space<vmem>> -> memref<5120xf32, #tpu.memory_space<vmem>>
      %dma_start3A_271 = tpu.memref_slice %arg4[%run_scoped3A_205, %mul3A_203] : memref<8x819200xf32, #tpu.memory_space<hbm>> -> memref<1x5120xf32, #tpu.memory_space<hbm>>
      %dma_start3A_272 = tpu.memref_squeeze %dma_start3A_271 : memref<1x5120xf32, #tpu.memory_space<hbm>> -> memref<5120xf32, #tpu.memory_space<hbm>>
      %dma_start3A_273 = tpu.memref_slice %arg4[%run_scoped3A_205, %mul3A_203] : memref<8x819200xf32, #tpu.memory_space<hbm>> -> memref<1x5120xf32, #tpu.memory_space<hbm>>
      %dma_start3A_274 = tpu.memref_squeeze %dma_start3A_273 : memref<1x5120xf32, #tpu.memory_space<hbm>> -> memref<5120xf32, #tpu.memory_space<hbm>>
      %dma_start3A_275 = arith.constant 0 : i32
      %dma_start3A_276 = tpu.memref_slice %arg7[%run_scoped3A_204, %dma_start3A_275] : memref<8x5120xf32, #tpu.memory_space<vmem>> -> memref<1x5120xf32, #tpu.memory_space<vmem>>
      %dma_start3A_277 = tpu.memref_squeeze %dma_start3A_276 : memref<1x5120xf32, #tpu.memory_space<vmem>> -> memref<5120xf32, #tpu.memory_space<vmem>>
      tpu.enqueue_dma source(%dma_start3A_277 : memref<5120xf32, #tpu.memory_space<vmem>>) target(%dma_start3A_274 : memref<5120xf32, #tpu.memory_space<hbm>>) target_semaphore(%run_scoped3A_268 : memref<!tpu.dma_semaphore, #tpu.memory_space<semaphore_mem>>)
      %dma_wait3A_278 = arith.constant 0 : i32
      %dma_wait3A_279 = tpu.memref_slice %arg7[%run_scoped3A_204, %dma_wait3A_278] : memref<8x5120xf32, #tpu.memory_space<vmem>> -> memref<1x5120xf32, #tpu.memory_space<vmem>>
      %dma_wait3A_280 = tpu.memref_squeeze %dma_wait3A_279 : memref<1x5120xf32, #tpu.memory_space<vmem>> -> memref<5120xf32, #tpu.memory_space<vmem>>
      %dma_wait3A_281 = tpu.memref_slice %arg4[%run_scoped3A_205, %mul3A_203] : memref<8x819200xf32, #tpu.memory_space<hbm>> -> memref<1x5120xf32, #tpu.memory_space<hbm>>
      %dma_wait3A_282 = tpu.memref_squeeze %dma_wait3A_281 : memref<1x5120xf32, #tpu.memory_space<hbm>> -> memref<5120xf32, #tpu.memory_space<hbm>>
      %dma_wait3A_283 = tpu.memref_slice %arg4[%run_scoped3A_205, %mul3A_203] : memref<8x819200xf32, #tpu.memory_space<hbm>> -> memref<1x5120xf32, #tpu.memory_space<hbm>>
      %dma_wait3A_284 = tpu.memref_squeeze %dma_wait3A_283 : memref<1x5120xf32, #tpu.memory_space<hbm>> -> memref<5120xf32, #tpu.memory_space<hbm>>
      %dma_wait3A_285 = arith.constant 0 : i32
      %dma_wait3A_286 = tpu.memref_slice %arg7[%run_scoped3A_204, %dma_wait3A_285] : memref<8x5120xf32, #tpu.memory_space<vmem>> -> memref<1x5120xf32, #tpu.memory_space<vmem>>
      %dma_wait3A_287 = tpu.memref_squeeze %dma_wait3A_286 : memref<1x5120xf32, #tpu.memory_space<vmem>> -> memref<5120xf32, #tpu.memory_space<vmem>>
      tpu.wait_dma2 semaphore(%run_scoped3A_268 : memref<!tpu.dma_semaphore, #tpu.memory_space<semaphore_mem>>) src(%dma_wait3A_287 : memref<5120xf32, #tpu.memory_space<vmem>>) dst(%dma_wait3A_284 : memref<5120xf32, #tpu.memory_space<hbm>>)
      tpu.yield
    }) : () -> ()
    %mul3A_206 = arith.constant 128 : i32
    %mul3A_207 = arith.muli %add3A_163, %mul3A_206 : i32
    %run_scoped3A_208 = arith.constant 6 : i32
    %run_scoped3A_209 = arith.constant 6 : i32
    "tpu.region"() ({
      %run_scoped3A_268 = tpu.sem_alloc : memref<!tpu.dma_semaphore, #tpu.memory_space<semaphore_mem>>
      %dma_start3A = arith.constant 0 : i32
      %dma_start3A_269 = tpu.memref_slice %arg7[%run_scoped3A_208, %dma_start3A] : memref<8x5120xf32, #tpu.memory_space<vmem>> -> memref<1x5120xf32, #tpu.memory_space<vmem>>
      %dma_start3A_270 = tpu.memref_squeeze %dma_start3A_269 : memref<1x5120xf32, #tpu.memory_space<vmem>> -> memref<5120xf32, #tpu.memory_space<vmem>>
      %dma_start3A_271 = tpu.memref_slice %arg4[%run_scoped3A_209, %mul3A_207] : memref<8x819200xf32, #tpu.memory_space<hbm>> -> memref<1x5120xf32, #tpu.memory_space<hbm>>
      %dma_start3A_272 = tpu.memref_squeeze %dma_start3A_271 : memref<1x5120xf32, #tpu.memory_space<hbm>> -> memref<5120xf32, #tpu.memory_space<hbm>>
      %dma_start3A_273 = tpu.memref_slice %arg4[%run_scoped3A_209, %mul3A_207] : memref<8x819200xf32, #tpu.memory_space<hbm>> -> memref<1x5120xf32, #tpu.memory_space<hbm>>
      %dma_start3A_274 = tpu.memref_squeeze %dma_start3A_273 : memref<1x5120xf32, #tpu.memory_space<hbm>> -> memref<5120xf32, #tpu.memory_space<hbm>>
      %dma_start3A_275 = arith.constant 0 : i32
      %dma_start3A_276 = tpu.memref_slice %arg7[%run_scoped3A_208, %dma_start3A_275] : memref<8x5120xf32, #tpu.memory_space<vmem>> -> memref<1x5120xf32, #tpu.memory_space<vmem>>
      %dma_start3A_277 = tpu.memref_squeeze %dma_start3A_276 : memref<1x5120xf32, #tpu.memory_space<vmem>> -> memref<5120xf32, #tpu.memory_space<vmem>>
      tpu.enqueue_dma source(%dma_start3A_277 : memref<5120xf32, #tpu.memory_space<vmem>>) target(%dma_start3A_274 : memref<5120xf32, #tpu.memory_space<hbm>>) target_semaphore(%run_scoped3A_268 : memref<!tpu.dma_semaphore, #tpu.memory_space<semaphore_mem>>)
      %dma_wait3A_278 = arith.constant 0 : i32
      %dma_wait3A_279 = tpu.memref_slice %arg7[%run_scoped3A_208, %dma_wait3A_278] : memref<8x5120xf32, #tpu.memory_space<vmem>> -> memref<1x5120xf32, #tpu.memory_space<vmem>>
      %dma_wait3A_280 = tpu.memref_squeeze %dma_wait3A_279 : memref<1x5120xf32, #tpu.memory_space<vmem>> -> memref<5120xf32, #tpu.memory_space<vmem>>
      %dma_wait3A_281 = tpu.memref_slice %arg4[%run_scoped3A_209, %mul3A_207] : memref<8x819200xf32, #tpu.memory_space<hbm>> -> memref<1x5120xf32, #tpu.memory_space<hbm>>
      %dma_wait3A_282 = tpu.memref_squeeze %dma_wait3A_281 : memref<1x5120xf32, #tpu.memory_space<hbm>> -> memref<5120xf32, #tpu.memory_space<hbm>>
      %dma_wait3A_283 = tpu.memref_slice %arg4[%run_scoped3A_209, %mul3A_207] : memref<8x819200xf32, #tpu.memory_space<hbm>> -> memref<1x5120xf32, #tpu.memory_space<hbm>>
      %dma_wait3A_284 = tpu.memref_squeeze %dma_wait3A_283 : memref<1x5120xf32, #tpu.memory_space<hbm>> -> memref<5120xf32, #tpu.memory_space<hbm>>
      %dma_wait3A_285 = arith.constant 0 : i32
      %dma_wait3A_286 = tpu.memref_slice %arg7[%run_scoped3A_208, %dma_wait3A_285] : memref<8x5120xf32, #tpu.memory_space<vmem>> -> memref<1x5120xf32, #tpu.memory_space<vmem>>
      %dma_wait3A_287 = tpu.memref_squeeze %dma_wait3A_286 : memref<1x5120xf32, #tpu.memory_space<vmem>> -> memref<5120xf32, #tpu.memory_space<vmem>>
      tpu.wait_dma2 semaphore(%run_scoped3A_268 : memref<!tpu.dma_semaphore, #tpu.memory_space<semaphore_mem>>) src(%dma_wait3A_287 : memref<5120xf32, #tpu.memory_space<vmem>>) dst(%dma_wait3A_284 : memref<5120xf32, #tpu.memory_space<hbm>>)
      tpu.yield
    }) : () -> ()
    %mul3A_210 = arith.constant 128 : i32
    %mul3A_211 = arith.muli %add3A_163, %mul3A_210 : i32
    %run_scoped3A_212 = arith.constant 7 : i32
    %run_scoped3A_213 = arith.constant 7 : i32
    "tpu.region"() ({
      %run_scoped3A_268 = tpu.sem_alloc : memref<!tpu.dma_semaphore, #tpu.memory_space<semaphore_mem>>
      %dma_start3A = arith.constant 0 : i32
      %dma_start3A_269 = tpu.memref_slice %arg7[%run_scoped3A_212, %dma_start3A] : memref<8x5120xf32, #tpu.memory_space<vmem>> -> memref<1x5120xf32, #tpu.memory_space<vmem>>
      %dma_start3A_270 = tpu.memref_squeeze %dma_start3A_269 : memref<1x5120xf32, #tpu.memory_space<vmem>> -> memref<5120xf32, #tpu.memory_space<vmem>>
      %dma_start3A_271 = tpu.memref_slice %arg4[%run_scoped3A_213, %mul3A_211] : memref<8x819200xf32, #tpu.memory_space<hbm>> -> memref<1x5120xf32, #tpu.memory_space<hbm>>
      %dma_start3A_272 = tpu.memref_squeeze %dma_start3A_271 : memref<1x5120xf32, #tpu.memory_space<hbm>> -> memref<5120xf32, #tpu.memory_space<hbm>>
      %dma_start3A_273 = tpu.memref_slice %arg4[%run_scoped3A_213, %mul3A_211] : memref<8x819200xf32, #tpu.memory_space<hbm>> -> memref<1x5120xf32, #tpu.memory_space<hbm>>
      %dma_start3A_274 = tpu.memref_squeeze %dma_start3A_273 : memref<1x5120xf32, #tpu.memory_space<hbm>> -> memref<5120xf32, #tpu.memory_space<hbm>>
      %dma_start3A_275 = arith.constant 0 : i32
      %dma_start3A_276 = tpu.memref_slice %arg7[%run_scoped3A_212, %dma_start3A_275] : memref<8x5120xf32, #tpu.memory_space<vmem>> -> memref<1x5120xf32, #tpu.memory_space<vmem>>
      %dma_start3A_277 = tpu.memref_squeeze %dma_start3A_276 : memref<1x5120xf32, #tpu.memory_space<vmem>> -> memref<5120xf32, #tpu.memory_space<vmem>>
      tpu.enqueue_dma source(%dma_start3A_277 : memref<5120xf32, #tpu.memory_space<vmem>>) target(%dma_start3A_274 : memref<5120xf32, #tpu.memory_space<hbm>>) target_semaphore(%run_scoped3A_268 : memref<!tpu.dma_semaphore, #tpu.memory_space<semaphore_mem>>)
      %dma_wait3A_278 = arith.constant 0 : i32
      %dma_wait3A_279 = tpu.memref_slice %arg7[%run_scoped3A_212, %dma_wait3A_278] : memref<8x5120xf32, #tpu.memory_space<vmem>> -> memref<1x5120xf32, #tpu.memory_space<vmem>>
      %dma_wait3A_280 = tpu.memref_squeeze %dma_wait3A_279 : memref<1x5120xf32, #tpu.memory_space<vmem>> -> memref<5120xf32, #tpu.memory_space<vmem>>
      %dma_wait3A_281 = tpu.memref_slice %arg4[%run_scoped3A_213, %mul3A_211] : memref<8x819200xf32, #tpu.memory_space<hbm>> -> memref<1x5120xf32, #tpu.memory_space<hbm>>
      %dma_wait3A_282 = tpu.memref_squeeze %dma_wait3A_281 : memref<1x5120xf32, #tpu.memory_space<hbm>> -> memref<5120xf32, #tpu.memory_space<hbm>>
      %dma_wait3A_283 = tpu.memref_slice %arg4[%run_scoped3A_213, %mul3A_211] : memref<8x819200xf32, #tpu.memory_space<hbm>> -> memref<1x5120xf32, #tpu.memory_space<hbm>>
      %dma_wait3A_284 = tpu.memref_squeeze %dma_wait3A_283 : memref<1x5120xf32, #tpu.memory_space<hbm>> -> memref<5120xf32, #tpu.memory_space<hbm>>
      %dma_wait3A_285 = arith.constant 0 : i32
      %dma_wait3A_286 = tpu.memref_slice %arg7[%run_scoped3A_212, %dma_wait3A_285] : memref<8x5120xf32, #tpu.memory_space<vmem>> -> memref<1x5120xf32, #tpu.memory_space<vmem>>
      %dma_wait3A_287 = tpu.memref_squeeze %dma_wait3A_286 : memref<1x5120xf32, #tpu.memory_space<vmem>> -> memref<5120xf32, #tpu.memory_space<vmem>>
      tpu.wait_dma2 semaphore(%run_scoped3A_268 : memref<!tpu.dma_semaphore, #tpu.memory_space<semaphore_mem>>) src(%dma_wait3A_287 : memref<5120xf32, #tpu.memory_space<vmem>>) dst(%dma_wait3A_284 : memref<5120xf32, #tpu.memory_space<hbm>>)
      tpu.yield
    }) : () -> ()
    %mul3A_214 = arith.constant 200 : i32
    %mul3A_215 = arith.muli %add3A, %mul3A_214 : i32
    %add3A_216 = arith.constant 160 : i32
    %add3A_217 = arith.addi %mul3A_215, %add3A_216 : i32
    "tpu.region"() ({
      %run_scoped3A_268 = tpu.sem_alloc : memref<!tpu.dma_semaphore, #tpu.memory_space<semaphore_mem>>
      %dma_start3A = arith.constant 0 : i32
      %dma_start3A_269 = tpu.memref_slice %arg2[%add3A_217, %dma_start3A] : memref<6400x128xi32, #tpu.memory_space<hbm>> -> memref<40x128xi32, #tpu.memory_space<hbm>>
      %dma_start3A_270 = arith.constant 0 : i32
      %dma_start3A_271 = tpu.memref_slice %arg2[%add3A_217, %dma_start3A_270] : memref<6400x128xi32, #tpu.memory_space<hbm>> -> memref<40x128xi32, #tpu.memory_space<hbm>>
      tpu.enqueue_dma source(%dma_start3A_271 : memref<40x128xi32, #tpu.memory_space<hbm>>) target(%arg5 : memref<40x128xi32, #tpu.memory_space<vmem>>) target_semaphore(%run_scoped3A_268 : memref<!tpu.dma_semaphore, #tpu.memory_space<semaphore_mem>>)
      %dma_wait3A_272 = arith.constant 0 : i32
      %dma_wait3A_273 = tpu.memref_slice %arg2[%add3A_217, %dma_wait3A_272] : memref<6400x128xi32, #tpu.memory_space<hbm>> -> memref<40x128xi32, #tpu.memory_space<hbm>>
      %dma_wait3A_274 = arith.constant 0 : i32
      %dma_wait3A_275 = tpu.memref_slice %arg2[%add3A_217, %dma_wait3A_274] : memref<6400x128xi32, #tpu.memory_space<hbm>> -> memref<40x128xi32, #tpu.memory_space<hbm>>
      tpu.wait_dma2 semaphore(%run_scoped3A_268 : memref<!tpu.dma_semaphore, #tpu.memory_space<semaphore_mem>>) src(%dma_wait3A_275 : memref<40x128xi32, #tpu.memory_space<hbm>>) dst(%arg5 : memref<40x128xi32, #tpu.memory_space<vmem>>)
      tpu.yield
    }) : () -> ()
    %scan3A_218 = arith.constant 0 : i32
    %scan3A_219 = arith.constant 0 : i32
    %scan3A_220 = arith.constant 40 : i32
    %scan3A_221 = arith.addi %scan3A_219, %scan3A_220 : i32
    %scan3A_222 = arith.constant 1 : i32
    scf.for %scan3A_268 = %scan3A_219 to %scan3A_221 step %scan3A_222  : i32 {
      %mul3A_269 = arith.constant 128 : i32
      %mul3A_270 = arith.muli %scan3A_268, %mul3A_269 : i32
      %dma_start3A = arith.constant 0 : i32
      %dma_start3A_271 = tpu.memref_slice %arg6[%mul3A_270, %dma_start3A] : memref<5120x8xf32, #tpu.memory_space<vmem>> -> memref<128x8xf32, #tpu.memory_space<vmem>>
      %dma_start3A_272 = arith.constant 0 : i32
      %dma_start3A_273 = tpu.memref_slice %arg5[%scan3A_268, %dma_start3A_272] : memref<40x128xi32, #tpu.memory_space<vmem>> -> memref<1x128xi32, #tpu.memory_space<vmem>>
      %dma_start3A_274 = tpu.memref_squeeze %dma_start3A_273 : memref<1x128xi32, #tpu.memory_space<vmem>> -> memref<128xi32, #tpu.memory_space<vmem>>
      %dma_start3A_275 = arith.constant 0 : i32
      %dma_start3A_276 = arith.constant 0 : i32
      %dma_start3A_277 = tpu.memref_slice %arg3[%dma_start3A_275, %dma_start3A_276] : memref<1000000x8xf32, #tpu.memory_space<hbm>> -> memref<1000000x8xf32, #tpu.memory_space<hbm>>
      tpu.enqueue_indirect_dma source(%dma_start3A_277 : memref<1000000x8xf32, #tpu.memory_space<hbm>>) target(%dma_start3A_271 : memref<128x8xf32, #tpu.memory_space<vmem>>) offsets(%dma_start3A_274 : memref<128xi32, #tpu.memory_space<vmem>>) semaphore(%arg8 : memref<!tpu.dma_semaphore, #tpu.memory_space<semaphore_mem>>)
    }
    %scan3A_223 = arith.constant 40 : i32
    %dma_wait3A_224 = arith.constant 0 : i32
    %dma_wait3A_225 = arith.constant 0 : i32
    %dma_wait3A_226 = tpu.memref_slice %arg3[%dma_wait3A_224, %dma_wait3A_225] : memref<1000000x8xf32, #tpu.memory_space<hbm>> -> memref<5120x8xf32, #tpu.memory_space<hbm>>
    %dma_wait3A_227 = arith.constant 0 : i32
    %dma_wait3A_228 = arith.constant 0 : i32
    %dma_wait3A_229 = tpu.memref_slice %arg3[%dma_wait3A_227, %dma_wait3A_228] : memref<1000000x8xf32, #tpu.memory_space<hbm>> -> memref<5120x8xf32, #tpu.memory_space<hbm>>
    tpu.wait_dma2 semaphore(%arg8 : memref<!tpu.dma_semaphore, #tpu.memory_space<semaphore_mem>>) src(%dma_wait3A_229 : memref<5120x8xf32, #tpu.memory_space<hbm>>) dst(%arg6 : memref<5120x8xf32, #tpu.memory_space<vmem>>)
    %scan3A_230 = arith.constant 0 : i32
    %scan3A_231 = arith.constant 0 : i32
    %scan3A_232 = arith.constant 320 : i32
    %scan3A_233 = arith.addi %scan3A_231, %scan3A_232 : i32
    %scan3A_234 = arith.constant 1 : i32
    scf.for %scan3A_268 = %scan3A_231 to %scan3A_233 step %scan3A_234  : i32 {
      %mul3A_269 = arith.constant 16 : i32
      %mul3A_270 = arith.muli %scan3A_268, %mul3A_269 : i32
      %add3A_271 = vector.broadcast %mul3A_270 : i32 to vector<16xi32>
      %add3A_272 = arith.addi %add3A_271, %iota3A : vector<16xi32>
      %broadcast_in_dim3A = arith.constant 0 : i32
      %broadcast_in_dim3A_273 = vector.broadcast %broadcast_in_dim3A : i32 to vector<16xi32>
      %gather3A = tpu.vector_load_idx %arg6[%add3A_272, %broadcast_in_dim3A_273] : memref<5120x8xf32, #tpu.memory_space<vmem>>[vector<16xi32>, vector<16xi32>], vector<16xf32>,
      %mul3A_274 = arith.constant 16 : i32
      %mul3A_275 = arith.muli %scan3A_268, %mul3A_274 : i32
      %swap3A = arith.constant 0 : i32
      %swap3A_276 = arith.index_cast %swap3A : i32 to index
      %swap3A_277 = arith.index_cast %mul3A_275 : i32 to index
      %swap3A_278 = tpu.vector_load %arg7[%swap3A_276, %swap3A_277] {strides = array<i32>} : memref<8x5120xf32, #tpu.memory_space<vmem>>, vector<16xf32>,
      tpu.vector_store %arg7[%swap3A_276, %swap3A_277], %gather3A {strides = array<i32>} : memref<8x5120xf32, #tpu.memory_space<vmem>>, vector<16xf32>,
      %broadcast_in_dim3A_279 = arith.constant 1 : i32
      %broadcast_in_dim3A_280 = vector.broadcast %broadcast_in_dim3A_279 : i32 to vector<16xi32>
      %gather3A_281 = tpu.vector_load_idx %arg6[%add3A_272, %broadcast_in_dim3A_280] : memref<5120x8xf32, #tpu.memory_space<vmem>>[vector<16xi32>, vector<16xi32>], vector<16xf32>,
      %mul3A_282 = arith.constant 16 : i32
      %mul3A_283 = arith.muli %scan3A_268, %mul3A_282 : i32
      %swap3A_284 = arith.constant 1 : i32
      %swap3A_285 = arith.index_cast %swap3A_284 : i32 to index
      %swap3A_286 = arith.index_cast %mul3A_283 : i32 to index
      %swap3A_287 = tpu.vector_load %arg7[%swap3A_285, %swap3A_286] {strides = array<i32>} : memref<8x5120xf32, #tpu.memory_space<vmem>>, vector<16xf32>,
      tpu.vector_store %arg7[%swap3A_285, %swap3A_286], %gather3A_281 {strides = array<i32>} : memref<8x5120xf32, #tpu.memory_space<vmem>>, vector<16xf32>,
      %broadcast_in_dim3A_288 = arith.constant 2 : i32
      %broadcast_in_dim3A_289 = vector.broadcast %broadcast_in_dim3A_288 : i32 to vector<16xi32>
      %gather3A_290 = tpu.vector_load_idx %arg6[%add3A_272, %broadcast_in_dim3A_289] : memref<5120x8xf32, #tpu.memory_space<vmem>>[vector<16xi32>, vector<16xi32>], vector<16xf32>,
      %mul3A_291 = arith.constant 16 : i32
      %mul3A_292 = arith.muli %scan3A_268, %mul3A_291 : i32
      %swap3A_293 = arith.constant 2 : i32
      %swap3A_294 = arith.index_cast %swap3A_293 : i32 to index
      %swap3A_295 = arith.index_cast %mul3A_292 : i32 to index
      %swap3A_296 = tpu.vector_load %arg7[%swap3A_294, %swap3A_295] {strides = array<i32>} : memref<8x5120xf32, #tpu.memory_space<vmem>>, vector<16xf32>,
      tpu.vector_store %arg7[%swap3A_294, %swap3A_295], %gather3A_290 {strides = array<i32>} : memref<8x5120xf32, #tpu.memory_space<vmem>>, vector<16xf32>,
      %broadcast_in_dim3A_297 = arith.constant 3 : i32
      %broadcast_in_dim3A_298 = vector.broadcast %broadcast_in_dim3A_297 : i32 to vector<16xi32>
      %gather3A_299 = tpu.vector_load_idx %arg6[%add3A_272, %broadcast_in_dim3A_298] : memref<5120x8xf32, #tpu.memory_space<vmem>>[vector<16xi32>, vector<16xi32>], vector<16xf32>,
      %mul3A_300 = arith.constant 16 : i32
      %mul3A_301 = arith.muli %scan3A_268, %mul3A_300 : i32
      %swap3A_302 = arith.constant 3 : i32
      %swap3A_303 = arith.index_cast %swap3A_302 : i32 to index
      %swap3A_304 = arith.index_cast %mul3A_301 : i32 to index
      %swap3A_305 = tpu.vector_load %arg7[%swap3A_303, %swap3A_304] {strides = array<i32>} : memref<8x5120xf32, #tpu.memory_space<vmem>>, vector<16xf32>,
      tpu.vector_store %arg7[%swap3A_303, %swap3A_304], %gather3A_299 {strides = array<i32>} : memref<8x5120xf32, #tpu.memory_space<vmem>>, vector<16xf32>,
      %broadcast_in_dim3A_306 = arith.constant 4 : i32
      %broadcast_in_dim3A_307 = vector.broadcast %broadcast_in_dim3A_306 : i32 to vector<16xi32>
      %gather3A_308 = tpu.vector_load_idx %arg6[%add3A_272, %broadcast_in_dim3A_307] : memref<5120x8xf32, #tpu.memory_space<vmem>>[vector<16xi32>, vector<16xi32>], vector<16xf32>,
      %mul3A_309 = arith.constant 16 : i32
      %mul3A_310 = arith.muli %scan3A_268, %mul3A_309 : i32
      %swap3A_311 = arith.constant 4 : i32
      %swap3A_312 = arith.index_cast %swap3A_311 : i32 to index
      %swap3A_313 = arith.index_cast %mul3A_310 : i32 to index
      %swap3A_314 = tpu.vector_load %arg7[%swap3A_312, %swap3A_313] {strides = array<i32>} : memref<8x5120xf32, #tpu.memory_space<vmem>>, vector<16xf32>,
      tpu.vector_store %arg7[%swap3A_312, %swap3A_313], %gather3A_308 {strides = array<i32>} : memref<8x5120xf32, #tpu.memory_space<vmem>>, vector<16xf32>,
      %broadcast_in_dim3A_315 = arith.constant 5 : i32
      %broadcast_in_dim3A_316 = vector.broadcast %broadcast_in_dim3A_315 : i32 to vector<16xi32>
      %gather3A_317 = tpu.vector_load_idx %arg6[%add3A_272, %broadcast_in_dim3A_316] : memref<5120x8xf32, #tpu.memory_space<vmem>>[vector<16xi32>, vector<16xi32>], vector<16xf32>,
      %mul3A_318 = arith.constant 16 : i32
      %mul3A_319 = arith.muli %scan3A_268, %mul3A_318 : i32
      %swap3A_320 = arith.constant 5 : i32
      %swap3A_321 = arith.index_cast %swap3A_320 : i32 to index
      %swap3A_322 = arith.index_cast %mul3A_319 : i32 to index
      %swap3A_323 = tpu.vector_load %arg7[%swap3A_321, %swap3A_322] {strides = array<i32>} : memref<8x5120xf32, #tpu.memory_space<vmem>>, vector<16xf32>,
      tpu.vector_store %arg7[%swap3A_321, %swap3A_322], %gather3A_317 {strides = array<i32>} : memref<8x5120xf32, #tpu.memory_space<vmem>>, vector<16xf32>,
      %broadcast_in_dim3A_324 = arith.constant 6 : i32
      %broadcast_in_dim3A_325 = vector.broadcast %broadcast_in_dim3A_324 : i32 to vector<16xi32>
      %gather3A_326 = tpu.vector_load_idx %arg6[%add3A_272, %broadcast_in_dim3A_325] : memref<5120x8xf32, #tpu.memory_space<vmem>>[vector<16xi32>, vector<16xi32>], vector<16xf32>,
      %mul3A_327 = arith.constant 16 : i32
      %mul3A_328 = arith.muli %scan3A_268, %mul3A_327 : i32
      %swap3A_329 = arith.constant 6 : i32
      %swap3A_330 = arith.index_cast %swap3A_329 : i32 to index
      %swap3A_331 = arith.index_cast %mul3A_328 : i32 to index
      %swap3A_332 = tpu.vector_load %arg7[%swap3A_330, %swap3A_331] {strides = array<i32>} : memref<8x5120xf32, #tpu.memory_space<vmem>>, vector<16xf32>,
      tpu.vector_store %arg7[%swap3A_330, %swap3A_331], %gather3A_326 {strides = array<i32>} : memref<8x5120xf32, #tpu.memory_space<vmem>>, vector<16xf32>,
      %broadcast_in_dim3A_333 = arith.constant 7 : i32
      %broadcast_in_dim3A_334 = vector.broadcast %broadcast_in_dim3A_333 : i32 to vector<16xi32>
      %gather3A_335 = tpu.vector_load_idx %arg6[%add3A_272, %broadcast_in_dim3A_334] : memref<5120x8xf32, #tpu.memory_space<vmem>>[vector<16xi32>, vector<16xi32>], vector<16xf32>,
      %mul3A_336 = arith.constant 16 : i32
      %mul3A_337 = arith.muli %scan3A_268, %mul3A_336 : i32
      %swap3A_338 = arith.constant 7 : i32
      %swap3A_339 = arith.index_cast %swap3A_338 : i32 to index
      %swap3A_340 = arith.index_cast %mul3A_337 : i32 to index
      %swap3A_341 = tpu.vector_load %arg7[%swap3A_339, %swap3A_340] {strides = array<i32>} : memref<8x5120xf32, #tpu.memory_space<vmem>>, vector<16xf32>,
      tpu.vector_store %arg7[%swap3A_339, %swap3A_340], %gather3A_335 {strides = array<i32>} : memref<8x5120xf32, #tpu.memory_space<vmem>>, vector<16xf32>,
    }
    %scan3A_235 = arith.constant 320 : i32
    %mul3A_236 = arith.constant 128 : i32
    %mul3A_237 = arith.muli %add3A_217, %mul3A_236 : i32
    %run_scoped3A_238 = arith.constant 0 : i32
    %run_scoped3A_239 = arith.constant 0 : i32
    "tpu.region"() ({
      %run_scoped3A_268 = tpu.sem_alloc : memref<!tpu.dma_semaphore, #tpu.memory_space<semaphore_mem>>
      %dma_start3A = arith.constant 0 : i32
      %dma_start3A_269 = tpu.memref_slice %arg7[%run_scoped3A_238, %dma_start3A] : memref<8x5120xf32, #tpu.memory_space<vmem>> -> memref<1x5120xf32, #tpu.memory_space<vmem>>
      %dma_start3A_270 = tpu.memref_squeeze %dma_start3A_269 : memref<1x5120xf32, #tpu.memory_space<vmem>> -> memref<5120xf32, #tpu.memory_space<vmem>>
      %dma_start3A_271 = tpu.memref_slice %arg4[%run_scoped3A_239, %mul3A_237] : memref<8x819200xf32, #tpu.memory_space<hbm>> -> memref<1x5120xf32, #tpu.memory_space<hbm>>
      %dma_start3A_272 = tpu.memref_squeeze %dma_start3A_271 : memref<1x5120xf32, #tpu.memory_space<hbm>> -> memref<5120xf32, #tpu.memory_space<hbm>>
      %dma_start3A_273 = tpu.memref_slice %arg4[%run_scoped3A_239, %mul3A_237] : memref<8x819200xf32, #tpu.memory_space<hbm>> -> memref<1x5120xf32, #tpu.memory_space<hbm>>
      %dma_start3A_274 = tpu.memref_squeeze %dma_start3A_273 : memref<1x5120xf32, #tpu.memory_space<hbm>> -> memref<5120xf32, #tpu.memory_space<hbm>>
      %dma_start3A_275 = arith.constant 0 : i32
      %dma_start3A_276 = tpu.memref_slice %arg7[%run_scoped3A_238, %dma_start3A_275] : memref<8x5120xf32, #tpu.memory_space<vmem>> -> memref<1x5120xf32, #tpu.memory_space<vmem>>
      %dma_start3A_277 = tpu.memref_squeeze %dma_start3A_276 : memref<1x5120xf32, #tpu.memory_space<vmem>> -> memref<5120xf32, #tpu.memory_space<vmem>>
      tpu.enqueue_dma source(%dma_start3A_277 : memref<5120xf32, #tpu.memory_space<vmem>>) target(%dma_start3A_274 : memref<5120xf32, #tpu.memory_space<hbm>>) target_semaphore(%run_scoped3A_268 : memref<!tpu.dma_semaphore, #tpu.memory_space<semaphore_mem>>)
      %dma_wait3A_278 = arith.constant 0 : i32
      %dma_wait3A_279 = tpu.memref_slice %arg7[%run_scoped3A_238, %dma_wait3A_278] : memref<8x5120xf32, #tpu.memory_space<vmem>> -> memref<1x5120xf32, #tpu.memory_space<vmem>>
      %dma_wait3A_280 = tpu.memref_squeeze %dma_wait3A_279 : memref<1x5120xf32, #tpu.memory_space<vmem>> -> memref<5120xf32, #tpu.memory_space<vmem>>
      %dma_wait3A_281 = tpu.memref_slice %arg4[%run_scoped3A_239, %mul3A_237] : memref<8x819200xf32, #tpu.memory_space<hbm>> -> memref<1x5120xf32, #tpu.memory_space<hbm>>
      %dma_wait3A_282 = tpu.memref_squeeze %dma_wait3A_281 : memref<1x5120xf32, #tpu.memory_space<hbm>> -> memref<5120xf32, #tpu.memory_space<hbm>>
      %dma_wait3A_283 = tpu.memref_slice %arg4[%run_scoped3A_239, %mul3A_237] : memref<8x819200xf32, #tpu.memory_space<hbm>> -> memref<1x5120xf32, #tpu.memory_space<hbm>>
      %dma_wait3A_284 = tpu.memref_squeeze %dma_wait3A_283 : memref<1x5120xf32, #tpu.memory_space<hbm>> -> memref<5120xf32, #tpu.memory_space<hbm>>
      %dma_wait3A_285 = arith.constant 0 : i32
      %dma_wait3A_286 = tpu.memref_slice %arg7[%run_scoped3A_238, %dma_wait3A_285] : memref<8x5120xf32, #tpu.memory_space<vmem>> -> memref<1x5120xf32, #tpu.memory_space<vmem>>
      %dma_wait3A_287 = tpu.memref_squeeze %dma_wait3A_286 : memref<1x5120xf32, #tpu.memory_space<vmem>> -> memref<5120xf32, #tpu.memory_space<vmem>>
      tpu.wait_dma2 semaphore(%run_scoped3A_268 : memref<!tpu.dma_semaphore, #tpu.memory_space<semaphore_mem>>) src(%dma_wait3A_287 : memref<5120xf32, #tpu.memory_space<vmem>>) dst(%dma_wait3A_284 : memref<5120xf32, #tpu.memory_space<hbm>>)
      tpu.yield
    }) : () -> ()
    %mul3A_240 = arith.constant 128 : i32
    %mul3A_241 = arith.muli %add3A_217, %mul3A_240 : i32
    %run_scoped3A_242 = arith.constant 1 : i32
    %run_scoped3A_243 = arith.constant 1 : i32
    "tpu.region"() ({
      %run_scoped3A_268 = tpu.sem_alloc : memref<!tpu.dma_semaphore, #tpu.memory_space<semaphore_mem>>
      %dma_start3A = arith.constant 0 : i32
      %dma_start3A_269 = tpu.memref_slice %arg7[%run_scoped3A_242, %dma_start3A] : memref<8x5120xf32, #tpu.memory_space<vmem>> -> memref<1x5120xf32, #tpu.memory_space<vmem>>
      %dma_start3A_270 = tpu.memref_squeeze %dma_start3A_269 : memref<1x5120xf32, #tpu.memory_space<vmem>> -> memref<5120xf32, #tpu.memory_space<vmem>>
      %dma_start3A_271 = tpu.memref_slice %arg4[%run_scoped3A_243, %mul3A_241] : memref<8x819200xf32, #tpu.memory_space<hbm>> -> memref<1x5120xf32, #tpu.memory_space<hbm>>
      %dma_start3A_272 = tpu.memref_squeeze %dma_start3A_271 : memref<1x5120xf32, #tpu.memory_space<hbm>> -> memref<5120xf32, #tpu.memory_space<hbm>>
      %dma_start3A_273 = tpu.memref_slice %arg4[%run_scoped3A_243, %mul3A_241] : memref<8x819200xf32, #tpu.memory_space<hbm>> -> memref<1x5120xf32, #tpu.memory_space<hbm>>
      %dma_start3A_274 = tpu.memref_squeeze %dma_start3A_273 : memref<1x5120xf32, #tpu.memory_space<hbm>> -> memref<5120xf32, #tpu.memory_space<hbm>>
      %dma_start3A_275 = arith.constant 0 : i32
      %dma_start3A_276 = tpu.memref_slice %arg7[%run_scoped3A_242, %dma_start3A_275] : memref<8x5120xf32, #tpu.memory_space<vmem>> -> memref<1x5120xf32, #tpu.memory_space<vmem>>
      %dma_start3A_277 = tpu.memref_squeeze %dma_start3A_276 : memref<1x5120xf32, #tpu.memory_space<vmem>> -> memref<5120xf32, #tpu.memory_space<vmem>>
      tpu.enqueue_dma source(%dma_start3A_277 : memref<5120xf32, #tpu.memory_space<vmem>>) target(%dma_start3A_274 : memref<5120xf32, #tpu.memory_space<hbm>>) target_semaphore(%run_scoped3A_268 : memref<!tpu.dma_semaphore, #tpu.memory_space<semaphore_mem>>)
      %dma_wait3A_278 = arith.constant 0 : i32
      %dma_wait3A_279 = tpu.memref_slice %arg7[%run_scoped3A_242, %dma_wait3A_278] : memref<8x5120xf32, #tpu.memory_space<vmem>> -> memref<1x5120xf32, #tpu.memory_space<vmem>>
      %dma_wait3A_280 = tpu.memref_squeeze %dma_wait3A_279 : memref<1x5120xf32, #tpu.memory_space<vmem>> -> memref<5120xf32, #tpu.memory_space<vmem>>
      %dma_wait3A_281 = tpu.memref_slice %arg4[%run_scoped3A_243, %mul3A_241] : memref<8x819200xf32, #tpu.memory_space<hbm>> -> memref<1x5120xf32, #tpu.memory_space<hbm>>
      %dma_wait3A_282 = tpu.memref_squeeze %dma_wait3A_281 : memref<1x5120xf32, #tpu.memory_space<hbm>> -> memref<5120xf32, #tpu.memory_space<hbm>>
      %dma_wait3A_283 = tpu.memref_slice %arg4[%run_scoped3A_243, %mul3A_241] : memref<8x819200xf32, #tpu.memory_space<hbm>> -> memref<1x5120xf32, #tpu.memory_space<hbm>>
      %dma_wait3A_284 = tpu.memref_squeeze %dma_wait3A_283 : memref<1x5120xf32, #tpu.memory_space<hbm>> -> memref<5120xf32, #tpu.memory_space<hbm>>
      %dma_wait3A_285 = arith.constant 0 : i32
      %dma_wait3A_286 = tpu.memref_slice %arg7[%run_scoped3A_242, %dma_wait3A_285] : memref<8x5120xf32, #tpu.memory_space<vmem>> -> memref<1x5120xf32, #tpu.memory_space<vmem>>
      %dma_wait3A_287 = tpu.memref_squeeze %dma_wait3A_286 : memref<1x5120xf32, #tpu.memory_space<vmem>> -> memref<5120xf32, #tpu.memory_space<vmem>>
      tpu.wait_dma2 semaphore(%run_scoped3A_268 : memref<!tpu.dma_semaphore, #tpu.memory_space<semaphore_mem>>) src(%dma_wait3A_287 : memref<5120xf32, #tpu.memory_space<vmem>>) dst(%dma_wait3A_284 : memref<5120xf32, #tpu.memory_space<hbm>>)
      tpu.yield
    }) : () -> ()
    %mul3A_244 = arith.constant 128 : i32
    %mul3A_245 = arith.muli %add3A_217, %mul3A_244 : i32
    %run_scoped3A_246 = arith.constant 2 : i32
    %run_scoped3A_247 = arith.constant 2 : i32
    "tpu.region"() ({
      %run_scoped3A_268 = tpu.sem_alloc : memref<!tpu.dma_semaphore, #tpu.memory_space<semaphore_mem>>
      %dma_start3A = arith.constant 0 : i32
      %dma_start3A_269 = tpu.memref_slice %arg7[%run_scoped3A_246, %dma_start3A] : memref<8x5120xf32, #tpu.memory_space<vmem>> -> memref<1x5120xf32, #tpu.memory_space<vmem>>
      %dma_start3A_270 = tpu.memref_squeeze %dma_start3A_269 : memref<1x5120xf32, #tpu.memory_space<vmem>> -> memref<5120xf32, #tpu.memory_space<vmem>>
      %dma_start3A_271 = tpu.memref_slice %arg4[%run_scoped3A_247, %mul3A_245] : memref<8x819200xf32, #tpu.memory_space<hbm>> -> memref<1x5120xf32, #tpu.memory_space<hbm>>
      %dma_start3A_272 = tpu.memref_squeeze %dma_start3A_271 : memref<1x5120xf32, #tpu.memory_space<hbm>> -> memref<5120xf32, #tpu.memory_space<hbm>>
      %dma_start3A_273 = tpu.memref_slice %arg4[%run_scoped3A_247, %mul3A_245] : memref<8x819200xf32, #tpu.memory_space<hbm>> -> memref<1x5120xf32, #tpu.memory_space<hbm>>
      %dma_start3A_274 = tpu.memref_squeeze %dma_start3A_273 : memref<1x5120xf32, #tpu.memory_space<hbm>> -> memref<5120xf32, #tpu.memory_space<hbm>>
      %dma_start3A_275 = arith.constant 0 : i32
      %dma_start3A_276 = tpu.memref_slice %arg7[%run_scoped3A_246, %dma_start3A_275] : memref<8x5120xf32, #tpu.memory_space<vmem>> -> memref<1x5120xf32, #tpu.memory_space<vmem>>
      %dma_start3A_277 = tpu.memref_squeeze %dma_start3A_276 : memref<1x5120xf32, #tpu.memory_space<vmem>> -> memref<5120xf32, #tpu.memory_space<vmem>>
      tpu.enqueue_dma source(%dma_start3A_277 : memref<5120xf32, #tpu.memory_space<vmem>>) target(%dma_start3A_274 : memref<5120xf32, #tpu.memory_space<hbm>>) target_semaphore(%run_scoped3A_268 : memref<!tpu.dma_semaphore, #tpu.memory_space<semaphore_mem>>)
      %dma_wait3A_278 = arith.constant 0 : i32
      %dma_wait3A_279 = tpu.memref_slice %arg7[%run_scoped3A_246, %dma_wait3A_278] : memref<8x5120xf32, #tpu.memory_space<vmem>> -> memref<1x5120xf32, #tpu.memory_space<vmem>>
      %dma_wait3A_280 = tpu.memref_squeeze %dma_wait3A_279 : memref<1x5120xf32, #tpu.memory_space<vmem>> -> memref<5120xf32, #tpu.memory_space<vmem>>
      %dma_wait3A_281 = tpu.memref_slice %arg4[%run_scoped3A_247, %mul3A_245] : memref<8x819200xf32, #tpu.memory_space<hbm>> -> memref<1x5120xf32, #tpu.memory_space<hbm>>
      %dma_wait3A_282 = tpu.memref_squeeze %dma_wait3A_281 : memref<1x5120xf32, #tpu.memory_space<hbm>> -> memref<5120xf32, #tpu.memory_space<hbm>>
      %dma_wait3A_283 = tpu.memref_slice %arg4[%run_scoped3A_247, %mul3A_245] : memref<8x819200xf32, #tpu.memory_space<hbm>> -> memref<1x5120xf32, #tpu.memory_space<hbm>>
      %dma_wait3A_284 = tpu.memref_squeeze %dma_wait3A_283 : memref<1x5120xf32, #tpu.memory_space<hbm>> -> memref<5120xf32, #tpu.memory_space<hbm>>
      %dma_wait3A_285 = arith.constant 0 : i32
      %dma_wait3A_286 = tpu.memref_slice %arg7[%run_scoped3A_246, %dma_wait3A_285] : memref<8x5120xf32, #tpu.memory_space<vmem>> -> memref<1x5120xf32, #tpu.memory_space<vmem>>
      %dma_wait3A_287 = tpu.memref_squeeze %dma_wait3A_286 : memref<1x5120xf32, #tpu.memory_space<vmem>> -> memref<5120xf32, #tpu.memory_space<vmem>>
      tpu.wait_dma2 semaphore(%run_scoped3A_268 : memref<!tpu.dma_semaphore, #tpu.memory_space<semaphore_mem>>) src(%dma_wait3A_287 : memref<5120xf32, #tpu.memory_space<vmem>>) dst(%dma_wait3A_284 : memref<5120xf32, #tpu.memory_space<hbm>>)
      tpu.yield
    }) : () -> ()
    %mul3A_248 = arith.constant 128 : i32
    %mul3A_249 = arith.muli %add3A_217, %mul3A_248 : i32
    %run_scoped3A_250 = arith.constant 3 : i32
    %run_scoped3A_251 = arith.constant 3 : i32
    "tpu.region"() ({
      %run_scoped3A_268 = tpu.sem_alloc : memref<!tpu.dma_semaphore, #tpu.memory_space<semaphore_mem>>
      %dma_start3A = arith.constant 0 : i32
      %dma_start3A_269 = tpu.memref_slice %arg7[%run_scoped3A_250, %dma_start3A] : memref<8x5120xf32, #tpu.memory_space<vmem>> -> memref<1x5120xf32, #tpu.memory_space<vmem>>
      %dma_start3A_270 = tpu.memref_squeeze %dma_start3A_269 : memref<1x5120xf32, #tpu.memory_space<vmem>> -> memref<5120xf32, #tpu.memory_space<vmem>>
      %dma_start3A_271 = tpu.memref_slice %arg4[%run_scoped3A_251, %mul3A_249] : memref<8x819200xf32, #tpu.memory_space<hbm>> -> memref<1x5120xf32, #tpu.memory_space<hbm>>
      %dma_start3A_272 = tpu.memref_squeeze %dma_start3A_271 : memref<1x5120xf32, #tpu.memory_space<hbm>> -> memref<5120xf32, #tpu.memory_space<hbm>>
      %dma_start3A_273 = tpu.memref_slice %arg4[%run_scoped3A_251, %mul3A_249] : memref<8x819200xf32, #tpu.memory_space<hbm>> -> memref<1x5120xf32, #tpu.memory_space<hbm>>
      %dma_start3A_274 = tpu.memref_squeeze %dma_start3A_273 : memref<1x5120xf32, #tpu.memory_space<hbm>> -> memref<5120xf32, #tpu.memory_space<hbm>>
      %dma_start3A_275 = arith.constant 0 : i32
      %dma_start3A_276 = tpu.memref_slice %arg7[%run_scoped3A_250, %dma_start3A_275] : memref<8x5120xf32, #tpu.memory_space<vmem>> -> memref<1x5120xf32, #tpu.memory_space<vmem>>
      %dma_start3A_277 = tpu.memref_squeeze %dma_start3A_276 : memref<1x5120xf32, #tpu.memory_space<vmem>> -> memref<5120xf32, #tpu.memory_space<vmem>>
      tpu.enqueue_dma source(%dma_start3A_277 : memref<5120xf32, #tpu.memory_space<vmem>>) target(%dma_start3A_274 : memref<5120xf32, #tpu.memory_space<hbm>>) target_semaphore(%run_scoped3A_268 : memref<!tpu.dma_semaphore, #tpu.memory_space<semaphore_mem>>)
      %dma_wait3A_278 = arith.constant 0 : i32
      %dma_wait3A_279 = tpu.memref_slice %arg7[%run_scoped3A_250, %dma_wait3A_278] : memref<8x5120xf32, #tpu.memory_space<vmem>> -> memref<1x5120xf32, #tpu.memory_space<vmem>>
      %dma_wait3A_280 = tpu.memref_squeeze %dma_wait3A_279 : memref<1x5120xf32, #tpu.memory_space<vmem>> -> memref<5120xf32, #tpu.memory_space<vmem>>
      %dma_wait3A_281 = tpu.memref_slice %arg4[%run_scoped3A_251, %mul3A_249] : memref<8x819200xf32, #tpu.memory_space<hbm>> -> memref<1x5120xf32, #tpu.memory_space<hbm>>
      %dma_wait3A_282 = tpu.memref_squeeze %dma_wait3A_281 : memref<1x5120xf32, #tpu.memory_space<hbm>> -> memref<5120xf32, #tpu.memory_space<hbm>>
      %dma_wait3A_283 = tpu.memref_slice %arg4[%run_scoped3A_251, %mul3A_249] : memref<8x819200xf32, #tpu.memory_space<hbm>> -> memref<1x5120xf32, #tpu.memory_space<hbm>>
      %dma_wait3A_284 = tpu.memref_squeeze %dma_wait3A_283 : memref<1x5120xf32, #tpu.memory_space<hbm>> -> memref<5120xf32, #tpu.memory_space<hbm>>
      %dma_wait3A_285 = arith.constant 0 : i32
      %dma_wait3A_286 = tpu.memref_slice %arg7[%run_scoped3A_250, %dma_wait3A_285] : memref<8x5120xf32, #tpu.memory_space<vmem>> -> memref<1x5120xf32, #tpu.memory_space<vmem>>
      %dma_wait3A_287 = tpu.memref_squeeze %dma_wait3A_286 : memref<1x5120xf32, #tpu.memory_space<vmem>> -> memref<5120xf32, #tpu.memory_space<vmem>>
      tpu.wait_dma2 semaphore(%run_scoped3A_268 : memref<!tpu.dma_semaphore, #tpu.memory_space<semaphore_mem>>) src(%dma_wait3A_287 : memref<5120xf32, #tpu.memory_space<vmem>>) dst(%dma_wait3A_284 : memref<5120xf32, #tpu.memory_space<hbm>>)
      tpu.yield
    }) : () -> ()
    %mul3A_252 = arith.constant 128 : i32
    %mul3A_253 = arith.muli %add3A_217, %mul3A_252 : i32
    %run_scoped3A_254 = arith.constant 4 : i32
    %run_scoped3A_255 = arith.constant 4 : i32
    "tpu.region"() ({
      %run_scoped3A_268 = tpu.sem_alloc : memref<!tpu.dma_semaphore, #tpu.memory_space<semaphore_mem>>
      %dma_start3A = arith.constant 0 : i32
      %dma_start3A_269 = tpu.memref_slice %arg7[%run_scoped3A_254, %dma_start3A] : memref<8x5120xf32, #tpu.memory_space<vmem>> -> memref<1x5120xf32, #tpu.memory_space<vmem>>
      %dma_start3A_270 = tpu.memref_squeeze %dma_start3A_269 : memref<1x5120xf32, #tpu.memory_space<vmem>> -> memref<5120xf32, #tpu.memory_space<vmem>>
      %dma_start3A_271 = tpu.memref_slice %arg4[%run_scoped3A_255, %mul3A_253] : memref<8x819200xf32, #tpu.memory_space<hbm>> -> memref<1x5120xf32, #tpu.memory_space<hbm>>
      %dma_start3A_272 = tpu.memref_squeeze %dma_start3A_271 : memref<1x5120xf32, #tpu.memory_space<hbm>> -> memref<5120xf32, #tpu.memory_space<hbm>>
      %dma_start3A_273 = tpu.memref_slice %arg4[%run_scoped3A_255, %mul3A_253] : memref<8x819200xf32, #tpu.memory_space<hbm>> -> memref<1x5120xf32, #tpu.memory_space<hbm>>
      %dma_start3A_274 = tpu.memref_squeeze %dma_start3A_273 : memref<1x5120xf32, #tpu.memory_space<hbm>> -> memref<5120xf32, #tpu.memory_space<hbm>>
      %dma_start3A_275 = arith.constant 0 : i32
      %dma_start3A_276 = tpu.memref_slice %arg7[%run_scoped3A_254, %dma_start3A_275] : memref<8x5120xf32, #tpu.memory_space<vmem>> -> memref<1x5120xf32, #tpu.memory_space<vmem>>
      %dma_start3A_277 = tpu.memref_squeeze %dma_start3A_276 : memref<1x5120xf32, #tpu.memory_space<vmem>> -> memref<5120xf32, #tpu.memory_space<vmem>>
      tpu.enqueue_dma source(%dma_start3A_277 : memref<5120xf32, #tpu.memory_space<vmem>>) target(%dma_start3A_274 : memref<5120xf32, #tpu.memory_space<hbm>>) target_semaphore(%run_scoped3A_268 : memref<!tpu.dma_semaphore, #tpu.memory_space<semaphore_mem>>)
      %dma_wait3A_278 = arith.constant 0 : i32
      %dma_wait3A_279 = tpu.memref_slice %arg7[%run_scoped3A_254, %dma_wait3A_278] : memref<8x5120xf32, #tpu.memory_space<vmem>> -> memref<1x5120xf32, #tpu.memory_space<vmem>>
      %dma_wait3A_280 = tpu.memref_squeeze %dma_wait3A_279 : memref<1x5120xf32, #tpu.memory_space<vmem>> -> memref<5120xf32, #tpu.memory_space<vmem>>
      %dma_wait3A_281 = tpu.memref_slice %arg4[%run_scoped3A_255, %mul3A_253] : memref<8x819200xf32, #tpu.memory_space<hbm>> -> memref<1x5120xf32, #tpu.memory_space<hbm>>
      %dma_wait3A_282 = tpu.memref_squeeze %dma_wait3A_281 : memref<1x5120xf32, #tpu.memory_space<hbm>> -> memref<5120xf32, #tpu.memory_space<hbm>>
      %dma_wait3A_283 = tpu.memref_slice %arg4[%run_scoped3A_255, %mul3A_253] : memref<8x819200xf32, #tpu.memory_space<hbm>> -> memref<1x5120xf32, #tpu.memory_space<hbm>>
      %dma_wait3A_284 = tpu.memref_squeeze %dma_wait3A_283 : memref<1x5120xf32, #tpu.memory_space<hbm>> -> memref<5120xf32, #tpu.memory_space<hbm>>
      %dma_wait3A_285 = arith.constant 0 : i32
      %dma_wait3A_286 = tpu.memref_slice %arg7[%run_scoped3A_254, %dma_wait3A_285] : memref<8x5120xf32, #tpu.memory_space<vmem>> -> memref<1x5120xf32, #tpu.memory_space<vmem>>
      %dma_wait3A_287 = tpu.memref_squeeze %dma_wait3A_286 : memref<1x5120xf32, #tpu.memory_space<vmem>> -> memref<5120xf32, #tpu.memory_space<vmem>>
      tpu.wait_dma2 semaphore(%run_scoped3A_268 : memref<!tpu.dma_semaphore, #tpu.memory_space<semaphore_mem>>) src(%dma_wait3A_287 : memref<5120xf32, #tpu.memory_space<vmem>>) dst(%dma_wait3A_284 : memref<5120xf32, #tpu.memory_space<hbm>>)
      tpu.yield
    }) : () -> ()
    %mul3A_256 = arith.constant 128 : i32
    %mul3A_257 = arith.muli %add3A_217, %mul3A_256 : i32
    %run_scoped3A_258 = arith.constant 5 : i32
    %run_scoped3A_259 = arith.constant 5 : i32
    "tpu.region"() ({
      %run_scoped3A_268 = tpu.sem_alloc : memref<!tpu.dma_semaphore, #tpu.memory_space<semaphore_mem>>
      %dma_start3A = arith.constant 0 : i32
      %dma_start3A_269 = tpu.memref_slice %arg7[%run_scoped3A_258, %dma_start3A] : memref<8x5120xf32, #tpu.memory_space<vmem>> -> memref<1x5120xf32, #tpu.memory_space<vmem>>
      %dma_start3A_270 = tpu.memref_squeeze %dma_start3A_269 : memref<1x5120xf32, #tpu.memory_space<vmem>> -> memref<5120xf32, #tpu.memory_space<vmem>>
      %dma_start3A_271 = tpu.memref_slice %arg4[%run_scoped3A_259, %mul3A_257] : memref<8x819200xf32, #tpu.memory_space<hbm>> -> memref<1x5120xf32, #tpu.memory_space<hbm>>
      %dma_start3A_272 = tpu.memref_squeeze %dma_start3A_271 : memref<1x5120xf32, #tpu.memory_space<hbm>> -> memref<5120xf32, #tpu.memory_space<hbm>>
      %dma_start3A_273 = tpu.memref_slice %arg4[%run_scoped3A_259, %mul3A_257] : memref<8x819200xf32, #tpu.memory_space<hbm>> -> memref<1x5120xf32, #tpu.memory_space<hbm>>
      %dma_start3A_274 = tpu.memref_squeeze %dma_start3A_273 : memref<1x5120xf32, #tpu.memory_space<hbm>> -> memref<5120xf32, #tpu.memory_space<hbm>>
      %dma_start3A_275 = arith.constant 0 : i32
      %dma_start3A_276 = tpu.memref_slice %arg7[%run_scoped3A_258, %dma_start3A_275] : memref<8x5120xf32, #tpu.memory_space<vmem>> -> memref<1x5120xf32, #tpu.memory_space<vmem>>
      %dma_start3A_277 = tpu.memref_squeeze %dma_start3A_276 : memref<1x5120xf32, #tpu.memory_space<vmem>> -> memref<5120xf32, #tpu.memory_space<vmem>>
      tpu.enqueue_dma source(%dma_start3A_277 : memref<5120xf32, #tpu.memory_space<vmem>>) target(%dma_start3A_274 : memref<5120xf32, #tpu.memory_space<hbm>>) target_semaphore(%run_scoped3A_268 : memref<!tpu.dma_semaphore, #tpu.memory_space<semaphore_mem>>)
      %dma_wait3A_278 = arith.constant 0 : i32
      %dma_wait3A_279 = tpu.memref_slice %arg7[%run_scoped3A_258, %dma_wait3A_278] : memref<8x5120xf32, #tpu.memory_space<vmem>> -> memref<1x5120xf32, #tpu.memory_space<vmem>>
      %dma_wait3A_280 = tpu.memref_squeeze %dma_wait3A_279 : memref<1x5120xf32, #tpu.memory_space<vmem>> -> memref<5120xf32, #tpu.memory_space<vmem>>
      %dma_wait3A_281 = tpu.memref_slice %arg4[%run_scoped3A_259, %mul3A_257] : memref<8x819200xf32, #tpu.memory_space<hbm>> -> memref<1x5120xf32, #tpu.memory_space<hbm>>
      %dma_wait3A_282 = tpu.memref_squeeze %dma_wait3A_281 : memref<1x5120xf32, #tpu.memory_space<hbm>> -> memref<5120xf32, #tpu.memory_space<hbm>>
      %dma_wait3A_283 = tpu.memref_slice %arg4[%run_scoped3A_259, %mul3A_257] : memref<8x819200xf32, #tpu.memory_space<hbm>> -> memref<1x5120xf32, #tpu.memory_space<hbm>>
      %dma_wait3A_284 = tpu.memref_squeeze %dma_wait3A_283 : memref<1x5120xf32, #tpu.memory_space<hbm>> -> memref<5120xf32, #tpu.memory_space<hbm>>
      %dma_wait3A_285 = arith.constant 0 : i32
      %dma_wait3A_286 = tpu.memref_slice %arg7[%run_scoped3A_258, %dma_wait3A_285] : memref<8x5120xf32, #tpu.memory_space<vmem>> -> memref<1x5120xf32, #tpu.memory_space<vmem>>
      %dma_wait3A_287 = tpu.memref_squeeze %dma_wait3A_286 : memref<1x5120xf32, #tpu.memory_space<vmem>> -> memref<5120xf32, #tpu.memory_space<vmem>>
      tpu.wait_dma2 semaphore(%run_scoped3A_268 : memref<!tpu.dma_semaphore, #tpu.memory_space<semaphore_mem>>) src(%dma_wait3A_287 : memref<5120xf32, #tpu.memory_space<vmem>>) dst(%dma_wait3A_284 : memref<5120xf32, #tpu.memory_space<hbm>>)
      tpu.yield
    }) : () -> ()
    %mul3A_260 = arith.constant 128 : i32
    %mul3A_261 = arith.muli %add3A_217, %mul3A_260 : i32
    %run_scoped3A_262 = arith.constant 6 : i32
    %run_scoped3A_263 = arith.constant 6 : i32
    "tpu.region"() ({
      %run_scoped3A_268 = tpu.sem_alloc : memref<!tpu.dma_semaphore, #tpu.memory_space<semaphore_mem>>
      %dma_start3A = arith.constant 0 : i32
      %dma_start3A_269 = tpu.memref_slice %arg7[%run_scoped3A_262, %dma_start3A] : memref<8x5120xf32, #tpu.memory_space<vmem>> -> memref<1x5120xf32, #tpu.memory_space<vmem>>
      %dma_start3A_270 = tpu.memref_squeeze %dma_start3A_269 : memref<1x5120xf32, #tpu.memory_space<vmem>> -> memref<5120xf32, #tpu.memory_space<vmem>>
      %dma_start3A_271 = tpu.memref_slice %arg4[%run_scoped3A_263, %mul3A_261] : memref<8x819200xf32, #tpu.memory_space<hbm>> -> memref<1x5120xf32, #tpu.memory_space<hbm>>
      %dma_start3A_272 = tpu.memref_squeeze %dma_start3A_271 : memref<1x5120xf32, #tpu.memory_space<hbm>> -> memref<5120xf32, #tpu.memory_space<hbm>>
      %dma_start3A_273 = tpu.memref_slice %arg4[%run_scoped3A_263, %mul3A_261] : memref<8x819200xf32, #tpu.memory_space<hbm>> -> memref<1x5120xf32, #tpu.memory_space<hbm>>
      %dma_start3A_274 = tpu.memref_squeeze %dma_start3A_273 : memref<1x5120xf32, #tpu.memory_space<hbm>> -> memref<5120xf32, #tpu.memory_space<hbm>>
      %dma_start3A_275 = arith.constant 0 : i32
      %dma_start3A_276 = tpu.memref_slice %arg7[%run_scoped3A_262, %dma_start3A_275] : memref<8x5120xf32, #tpu.memory_space<vmem>> -> memref<1x5120xf32, #tpu.memory_space<vmem>>
      %dma_start3A_277 = tpu.memref_squeeze %dma_start3A_276 : memref<1x5120xf32, #tpu.memory_space<vmem>> -> memref<5120xf32, #tpu.memory_space<vmem>>
      tpu.enqueue_dma source(%dma_start3A_277 : memref<5120xf32, #tpu.memory_space<vmem>>) target(%dma_start3A_274 : memref<5120xf32, #tpu.memory_space<hbm>>) target_semaphore(%run_scoped3A_268 : memref<!tpu.dma_semaphore, #tpu.memory_space<semaphore_mem>>)
      %dma_wait3A_278 = arith.constant 0 : i32
      %dma_wait3A_279 = tpu.memref_slice %arg7[%run_scoped3A_262, %dma_wait3A_278] : memref<8x5120xf32, #tpu.memory_space<vmem>> -> memref<1x5120xf32, #tpu.memory_space<vmem>>
      %dma_wait3A_280 = tpu.memref_squeeze %dma_wait3A_279 : memref<1x5120xf32, #tpu.memory_space<vmem>> -> memref<5120xf32, #tpu.memory_space<vmem>>
      %dma_wait3A_281 = tpu.memref_slice %arg4[%run_scoped3A_263, %mul3A_261] : memref<8x819200xf32, #tpu.memory_space<hbm>> -> memref<1x5120xf32, #tpu.memory_space<hbm>>
      %dma_wait3A_282 = tpu.memref_squeeze %dma_wait3A_281 : memref<1x5120xf32, #tpu.memory_space<hbm>> -> memref<5120xf32, #tpu.memory_space<hbm>>
      %dma_wait3A_283 = tpu.memref_slice %arg4[%run_scoped3A_263, %mul3A_261] : memref<8x819200xf32, #tpu.memory_space<hbm>> -> memref<1x5120xf32, #tpu.memory_space<hbm>>
      %dma_wait3A_284 = tpu.memref_squeeze %dma_wait3A_283 : memref<1x5120xf32, #tpu.memory_space<hbm>> -> memref<5120xf32, #tpu.memory_space<hbm>>
      %dma_wait3A_285 = arith.constant 0 : i32
      %dma_wait3A_286 = tpu.memref_slice %arg7[%run_scoped3A_262, %dma_wait3A_285] : memref<8x5120xf32, #tpu.memory_space<vmem>> -> memref<1x5120xf32, #tpu.memory_space<vmem>>
      %dma_wait3A_287 = tpu.memref_squeeze %dma_wait3A_286 : memref<1x5120xf32, #tpu.memory_space<vmem>> -> memref<5120xf32, #tpu.memory_space<vmem>>
      tpu.wait_dma2 semaphore(%run_scoped3A_268 : memref<!tpu.dma_semaphore, #tpu.memory_space<semaphore_mem>>) src(%dma_wait3A_287 : memref<5120xf32, #tpu.memory_space<vmem>>) dst(%dma_wait3A_284 : memref<5120xf32, #tpu.memory_space<hbm>>)
      tpu.yield
    }) : () -> ()
    %mul3A_264 = arith.constant 128 : i32
    %mul3A_265 = arith.muli %add3A_217, %mul3A_264 : i32
    %run_scoped3A_266 = arith.constant 7 : i32
    %run_scoped3A_267 = arith.constant 7 : i32
    "tpu.region"() ({
      %run_scoped3A_268 = tpu.sem_alloc : memref<!tpu.dma_semaphore, #tpu.memory_space<semaphore_mem>>
      %dma_start3A = arith.constant 0 : i32
      %dma_start3A_269 = tpu.memref_slice %arg7[%run_scoped3A_266, %dma_start3A] : memref<8x5120xf32, #tpu.memory_space<vmem>> -> memref<1x5120xf32, #tpu.memory_space<vmem>>
      %dma_start3A_270 = tpu.memref_squeeze %dma_start3A_269 : memref<1x5120xf32, #tpu.memory_space<vmem>> -> memref<5120xf32, #tpu.memory_space<vmem>>
      %dma_start3A_271 = tpu.memref_slice %arg4[%run_scoped3A_267, %mul3A_265] : memref<8x819200xf32, #tpu.memory_space<hbm>> -> memref<1x5120xf32, #tpu.memory_space<hbm>>
      %dma_start3A_272 = tpu.memref_squeeze %dma_start3A_271 : memref<1x5120xf32, #tpu.memory_space<hbm>> -> memref<5120xf32, #tpu.memory_space<hbm>>
      %dma_start3A_273 = tpu.memref_slice %arg4[%run_scoped3A_267, %mul3A_265] : memref<8x819200xf32, #tpu.memory_space<hbm>> -> memref<1x5120xf32, #tpu.memory_space<hbm>>
      %dma_start3A_274 = tpu.memref_squeeze %dma_start3A_273 : memref<1x5120xf32, #tpu.memory_space<hbm>> -> memref<5120xf32, #tpu.memory_space<hbm>>
      %dma_start3A_275 = arith.constant 0 : i32
      %dma_start3A_276 = tpu.memref_slice %arg7[%run_scoped3A_266, %dma_start3A_275] : memref<8x5120xf32, #tpu.memory_space<vmem>> -> memref<1x5120xf32, #tpu.memory_space<vmem>>
      %dma_start3A_277 = tpu.memref_squeeze %dma_start3A_276 : memref<1x5120xf32, #tpu.memory_space<vmem>> -> memref<5120xf32, #tpu.memory_space<vmem>>
      tpu.enqueue_dma source(%dma_start3A_277 : memref<5120xf32, #tpu.memory_space<vmem>>) target(%dma_start3A_274 : memref<5120xf32, #tpu.memory_space<hbm>>) target_semaphore(%run_scoped3A_268 : memref<!tpu.dma_semaphore, #tpu.memory_space<semaphore_mem>>)
      %dma_wait3A_278 = arith.constant 0 : i32
      %dma_wait3A_279 = tpu.memref_slice %arg7[%run_scoped3A_266, %dma_wait3A_278] : memref<8x5120xf32, #tpu.memory_space<vmem>> -> memref<1x5120xf32, #tpu.memory_space<vmem>>
      %dma_wait3A_280 = tpu.memref_squeeze %dma_wait3A_279 : memref<1x5120xf32, #tpu.memory_space<vmem>> -> memref<5120xf32, #tpu.memory_space<vmem>>
      %dma_wait3A_281 = tpu.memref_slice %arg4[%run_scoped3A_267, %mul3A_265] : memref<8x819200xf32, #tpu.memory_space<hbm>> -> memref<1x5120xf32, #tpu.memory_space<hbm>>
      %dma_wait3A_282 = tpu.memref_squeeze %dma_wait3A_281 : memref<1x5120xf32, #tpu.memory_space<hbm>> -> memref<5120xf32, #tpu.memory_space<hbm>>
      %dma_wait3A_283 = tpu.memref_slice %arg4[%run_scoped3A_267, %mul3A_265] : memref<8x819200xf32, #tpu.memory_space<hbm>> -> memref<1x5120xf32, #tpu.memory_space<hbm>>
      %dma_wait3A_284 = tpu.memref_squeeze %dma_wait3A_283 : memref<1x5120xf32, #tpu.memory_space<hbm>> -> memref<5120xf32, #tpu.memory_space<hbm>>
      %dma_wait3A_285 = arith.constant 0 : i32
      %dma_wait3A_286 = tpu.memref_slice %arg7[%run_scoped3A_266, %dma_wait3A_285] : memref<8x5120xf32, #tpu.memory_space<vmem>> -> memref<1x5120xf32, #tpu.memory_space<vmem>>
      %dma_wait3A_287 = tpu.memref_squeeze %dma_wait3A_286 : memref<1x5120xf32, #tpu.memory_space<vmem>> -> memref<5120xf32, #tpu.memory_space<vmem>>
      tpu.wait_dma2 semaphore(%run_scoped3A_268 : memref<!tpu.dma_semaphore, #tpu.memory_space<semaphore_mem>>) src(%dma_wait3A_287 : memref<5120xf32, #tpu.memory_space<vmem>>) dst(%dma_wait3A_284 : memref<5120xf32, #tpu.memory_space<hbm>>)
      tpu.yield
    }) : () -> ()
    return
  }
}

module attributes {stable_mosaic.version = 14 : i64} {
  func.func @body(%arg0: i32, %arg1: memref<32x16384xf32, #tpu.memory_space<vmem>>, %arg2: memref<32x8xf32, #tpu.memory_space<vmem>>, %arg3: memref<16384x8xf32, #tpu.memory_space<vmem>>) attributes {dimension_semantics = [#tpu.dimension_semantics<arbitrary>], iteration_bounds = array<i64: 62>, scalar_prefetch = 0 : i64, scratch_operands = 0 : i64, tpu.core_type = #tpu.core_type<tc>, window_params = [{transform_indices = @transform_0, window_bounds = array<i64: 32, 16384>}, {pipeline_mode = #tpu.pipeline_mode<synchronous>, transform_indices = @transform_1, window_bounds = array<i64: 32, 8>}, {transform_indices = @transform_2, window_bounds = array<i64: 16384, 8>}]} {
    %get3A = arith.constant 0 : index
    %get3A_0 = arith.constant 0 : index
    %get3A_1 = vector.load %arg1[%get3A, %get3A_0] : memref<32x16384xf32, #tpu.memory_space<vmem>>, vector<32x16384xf32>
    %get3A_2 = arith.constant 0 : index
    %get3A_3 = arith.constant 0 : index
    %get3A_4 = vector.load %arg2[%get3A_2, %get3A_3] : memref<32x8xf32, #tpu.memory_space<vmem>>, vector<32x8xf32>
    %dot_general3A = arith.constant dense<0.000000e+00> : vector<16384x8xf32>
    %dot_general3A_5 = tpu.matmul %get3A_1, %get3A_4, %dot_general3A {dimension_numbers = #tpu.dot_dimension_numbers<[0], [0], [1], [1], [0, 1, 1, 1], [], []>, transpose_lhs_hint = false} : vector<32x16384xf32>, vector<32x8xf32>, vector<16384x8xf32> -> vector<16384x8xf32>
    %swap3A = arith.constant 0 : index
    %swap3A_6 = arith.constant 0 : index
    %swap3A_7 = vector.load %arg3[%swap3A, %swap3A_6] : memref<16384x8xf32, #tpu.memory_space<vmem>>, vector<16384x8xf32>
    tpu.vector_store %arg3[%swap3A, %swap3A_6], %dot_general3A_5 {strides = array<i32>} : memref<16384x8xf32, #tpu.memory_space<vmem>>, vector<16384x8xf32>,
    return
  }
  func.func @transform_0(%arg0: i32) -> (i32, i32) {
    %c0_i32 = arith.constant 0 : i32
    %c0_i32_0 = arith.constant 0 : i32
    return %c0_i32, %arg0 : i32, i32
  }
  func.func @transform_1(%arg0: i32) -> (i32, i32) {
    %c0_i32 = arith.constant 0 : i32
    %c0_i32_0 = arith.constant 0 : i32
    %c0_i32_1 = arith.constant 0 : i32
    return %c0_i32, %c0_i32_0 : i32, i32
  }
  func.func @transform_2(%arg0: i32) -> (i32, i32) {
    %c0_i32 = arith.constant 0 : i32
    %c0_i32_0 = arith.constant 0 : i32
    return %arg0, %c0_i32 : i32, i32
  }
}

</mosaic_0001>

<sc_bundles>
// kernel: kernel.4.cloned.1.call-start
scs
__scs_entry_jumppad:
0x0: {  	(pc) =	sbr.rel $0x88, $3  }
0x1: {  	(tag) =	ssettag $0x0;
	lr =	simm.s32 $0x1  }
0x2: {  	[smem:$0x3F9E] =	sst lr;
	_ =	strace $0xD0000000  }
0x3: {  	_ = 	snop  }
0x4: {  	_ = 	snop  }
0x5: {  	_ = 	snop  }
0x6: {  	_ = 	snop  }
0x7: {  	_ = 	snop  }
__scs_overlays_trampoline_lowered:
0x8: {  	[smem:$0x3FAD] =	sst s0  }
0x9: {  	[smem:$0x3FAE] =	sst s1  }
0xa: {  	[smem:$0x3FAF] =	sst s2  }
0xb: {  	[smem:$0x3FB0] =	sst s3  }
0xc: {  	[smem:$0x3FB1] =	sst s4  }
0xd: {  	[smem:$0x3FB2] =	sst s5  }
0xe: {  	[smem:$0x3FB3] =	sst s6  }
0xf: {  	[smem:$0x3FB4] =	sst s7  }
0x10: {  	[smem:$0x3FB5] =	sst s8  }
0x11: {  	[smem:$0x3FB6] =	sst s9;
	s0 =	simm.s32 @!p0 $0x0  }
0x12: {  	s1 =	sld [smem:$0x3F9C];
	s0 =	simm.s32 @p0 $0x1  }
0x13: {  	[smem:$0x3FB7] =	sst s0;
	s0 =	simm.s32 @!p1 $0x0  }
0x14: {  	s2 =	sld [smem:$0x3F9B];
	s0 =	simm.s32 @p1 $0x1  }
0x15: {  	[smem:$0x3FB8] =	sst s0;
	s0 =	simm.s32 @!p2 $0x0  }
0x16: {  	s3 =	sld [smem:$0x3FDB];
	s0 =	simm.s32 @p2 $0x1  }
0x17: {  	s4 =	simm.s32 $0x1BF5;
	[smem:$0x3FBA] =	sst s0  }
0x18: {  	s0 =	sld [smem:$0x3F9D];
	_ =	swait.ge [sflag:s4], $0x0  }
0x19: {  	s7 =	sld [smem:$0x3F9E]  }
0x1a: {  	s8 =	sadd.s32 $0xFFFFE003, lr  }
0x1b: {  	s9 =	sadd.s32 $0xFFFFFEF7, lr;
	s5 =	simm.s32 $0xFFFFFFFF;
	p2 =	slt.u32 s8, $0xFFFFF086  }
0x1c: {  	p1 =	slt.u32 s9, $0xF7A;
	s5 =	simm.s32 @!p2 $0x0  }
0x1d: {  	s5 =	simm.s32 @p1 $0x1;
	p0 =	seq.s32 s7, s2  }
0x1e: {  	s7 =	smul.u32 @!p0 $0xF7A, s2;
	p2 =	seq.s32 @!p0 s5, $0x0  }
0x1f: {  	s9 =	smul.u32 $0xF7A, s1;
	s8 =	simm.s32 @!p0 $0x1BF5;
	p2 =	por !p2, p0  }
0x20: {  	[sflag:s8] =	ssyncset.s32 @!p0 $0xFFFFF086;
	s6 =	sadd.s32 @!p0 s3, s7;
	s7 =	simm.s32 @!p0 $0x108  }
0x21: {  	s3 =	sadd.s32 s3, s9;
	s6 =	sadd.s32 @!p0 $0x88, s6;
	s7 =	simm.s32 @p2 $0x1082  }
0x22: {  	[simem:s7], [sflag:s8] =	dma.local @!p0 [hbm:s6], $0xF7A  }
0x23: {  	s9 =	sor.u32 $0xD0000000, s2;
	s6 =	simm.s32 $0x108;
	_ =	swait.ge @!p0 [sflag:s8], $0x0  }
0x24: {  	s3 =	sadd.s32 $0x88, s3;
	s6 =	simm.s32 @!p1 $0x1082;
	[sflag:s4] =	ssyncset.s32 $0xFFFFF086  }
0x25: {  	[simem:s6], [sflag:s4] =	dma.local [hbm:s3], $0xF7A  }
0x26: {  	[smem:$0x3F9E] =	sst s1;
	(tag) =	ssettag s2;
	_ =	strace s9  }
0x27: {  	s1 =	sld [smem:$0x3FAE]  }
0x28: {  	s2 =	sld [smem:$0x3FAF]  }
0x29: {  	s4 =	sld [smem:$0x3FB1]  }
0x2a: {  	p0 =	seq.s32 s5, $0x0;
	s5 =	sld [smem:$0x3FB2]  }
0x2b: {  	s6 =	sld [smem:$0x3FB3]  }
0x2c: {  	s7 =	sld [smem:$0x3FB4]  }
0x2d: {  	s3 =	simm.s32 $0x108;
	s8 =	sld [smem:$0x3FB5]  }
0x2e: {  	s3 =	simm.s32 @!p0 $0x1082;
	s9 =	sld [smem:$0x3FB6]  }
0x2f: {  	lr =	sadd.s32 s0, s3;
	s0 =	sld [smem:$0x3FAD]  }
0x30: {  	s3 =	sld [smem:$0x3FB0]  }
0x31: {  	[smem:$0x3FB9] =	sst s10  }
0x32: {  	s10 =	sld [smem:$0x3FB7];
	_ =	sdelay $0x3  }
0x33: {  	p0 =	seq.s32 s10, $0x1;
	s10 =	sld [smem:$0x3FB9];
	_ =	sdelay $0x3  }
0x34: {  	[smem:$0x3FB9] =	sst s10  }
0x35: {  	s10 =	sld [smem:$0x3FB8];
	_ =	sdelay $0x3  }
0x36: {  	p1 =	seq.s32 s10, $0x1;
	s10 =	sld [smem:$0x3FB9];
	_ =	sdelay $0x3  }
0x37: {  	[smem:$0x3FB9] =	sst s10  }
0x38: {  	s10 =	sld [smem:$0x3FBA]  }
0x39: {  	_ = 	snop;
	(pc) =	sbr.ind lr, $3  }
0x3a: {  	_ = 	snop  }
0x3b: {  	_ = 	snop  }
0x3c: {  	p2 =	seq.s32 s10, $0x1;
	s10 =	sld [smem:$0x3FB9]  }
0x3d: {  	_ =	shalt  }
0x3e: {  	_ =	shalt  }
0x3f: {  	_ =	shalt  }
0x40: {  	_ =	shalt  }
0x41: {  	_ =	shalt  }
0x42: {  	_ =	shalt  }
0x43: {  	_ =	shalt  }
0x44: {  	_ =	shalt  }
0x45: {  	_ =	shalt  }
0x46: {  	_ =	shalt  }
0x47: {  	_ =	shalt  }
0x48: {  	_ =	shalt  }
0x49: {  	_ =	shalt  }
0x4a: {  	_ =	shalt  }
0x4b: {  	_ =	shalt  }
0x4c: {  	_ =	shalt  }
0x4d: {  	_ =	shalt  }
0x4e: {  	_ =	shalt  }
0x4f: {  	_ =	shalt  }
0x50: {  	_ =	shalt  }
0x51: {  	_ =	shalt  }
0x52: {  	_ =	shalt  }
0x53: {  	_ =	shalt  }
0x54: {  	_ =	shalt  }
0x55: {  	_ =	shalt  }
0x56: {  	_ =	shalt  }
0x57: {  	_ =	shalt  }
0x58: {  	_ =	shalt  }
0x59: {  	_ =	shalt  }
0x5a: {  	_ =	shalt  }
0x5b: {  	_ =	shalt  }
0x5c: {  	_ =	shalt  }
0x5d: {  	_ =	shalt  }
0x5e: {  	_ =	shalt  }
0x5f: {  	_ =	shalt  }
0x60: {  	_ =	shalt  }
0x61: {  	_ =	shalt  }
0x62: {  	_ =	shalt  }
0x63: {  	_ =	shalt  }
0x64: {  	_ =	shalt  }
0x65: {  	_ =	shalt  }
0x66: {  	_ =	shalt  }
0x67: {  	_ =	shalt  }
0x68: {  	_ =	shalt  }
0x69: {  	_ =	shalt  }
0x6a: {  	_ =	shalt  }
0x6b: {  	_ =	shalt  }
0x6c: {  	_ =	shalt  }
0x6d: {  	_ =	shalt  }
0x6e: {  	_ =	shalt  }
0x6f: {  	_ =	shalt  }
0x70: {  	_ =	shalt  }
0x71: {  	_ =	shalt  }
0x72: {  	_ =	shalt  }
0x73: {  	_ =	shalt  }
0x74: {  	_ =	shalt  }
0x75: {  	_ =	shalt  }
0x76: {  	_ =	shalt  }
0x77: {  	_ =	shalt  }
0x78: {  	_ =	shalt  }
0x79: {  	_ =	shalt  }
0x7a: {  	_ =	shalt  }
0x7b: {  	_ =	shalt  }
0x7c: {  	_ =	shalt  }
0x7d: {  	_ =	shalt  }
0x7e: {  	_ =	shalt  }
0x7f: {  	_ =	shalt  }
0x80: {  	_ =	shalt  }
0x81: {  	_ =	shalt  }
0x82: {  	_ =	shalt  }
0x83: {  	_ =	shalt  }
0x84: {  	_ =	shalt  }
0x85: {  	_ =	shalt  }
0x86: {  	_ =	shalt  }
0x87: {  	_ =	shalt  }
.Lfunc_end0:
.L_simem_size_0:
called_computation_lowered:
.L_overlay_start_0:
0x88: {  	s2 =	sld [smem:$0x3FD9]  }
0x89: {  	s3 =	sld [smem:$0x3FFE];
	_ =	sdelay $0x1  }
0x8a: {  	s1 =	srdreg.scid  }
0x8b: {  	s0 =	sand.u32 $0x1, s1  }
0x8c: {  	s17 =	sshll.u32 s0, $0xA;
	s2 =	sadd.s32 s3, s2  }
0x8d: {  	s2 =	sadd.s32 s2, s17  }
0x8e: {  	[smem:$0x3FC5] =	sst s2  }
0x8f: {  	_ = 	snop  }
0x90: {  	s2 =	sld [smem:$0x3FD0];
	(tm) =	ssettm $0x1  }
0x91: {  	s18 =	sld [smem:$0x3FFB];
	_ =	sdelay $0x3  }
0x92: {  	_ =	strace s18  }
0x93: {  	s3 =	sld [smem:$0x3FFC];
	_ =	sdelay $0x3  }
0x94: {  	_ =	strace s3  }
0x95: {  	s3 =	sld [smem:$0x3FFD];
	_ =	sdelay $0x3  }
0x96: {  	_ =	strace s3  }
0x97: {  	_ =	strace $0x8FFFFFFF  }
0x98: {  	s19 =	sld [smem:$0x3FDB];
	_ =	sdelay $0x1  }
0x99: {  	s4 =	simm.s32 $_scs_section_size  }
0x9a: {  	s5 =	simm.s32 $_size__tile_overlayer_lowered;
	s6 =	simm.s32 $_tile_overlayer_lowered  }
0x9b: {  	s22 =	simm.s32 $0x1BFF;
	s21 =	sshll.u32 s6, $0x1;
	s3 =	sadd.s32 s4, s19  }
0x9c: {  	s7 =	simm.s32 $0x0;
	s20 =	sshll.u32 s5, $0x1;
	s5 =	sadd.s32 s21, s3  }
0x9d: {  	[timem:s7], [sflag:s22] =	dma.local [hbm:s5], s20  }
0x9e: {  	_ =	swait.ge [sflag:s22], s20  }
0x9f: {  	s4 =	ssub.s32 $0x0, s20;
	[sflag:s22] =	ssyncset.done $0x0  }
0xa0: {  	[sflag:s22] =	ssyncadd.s32 s4;
	_ =	sdelay $0x1  }
0xa1: {  	s23 =	simm.s32 $0x1B8B  }
0xa2: {  	_ =	swait.ge [sflag:s23], $0x1  }
0xa3: {  	[sflag:s23] =	ssyncset.done $0x0  }
0xa4: {  	s25 =	simm.s32 $0x1B8E;
	s24 =	sld [smem:$0x3FFE];
	[sflag:s23] =	ssyncadd.s32 $0xFFFFFFFF  }
0xa5: {  	s26 =	simm.s32 $execute0_lowered;
	[smem:$0x3FD2] =	sst s25  }
0xa6: {  	s5 =	sshll.u32 s26, $0x1;
	_ =	strace $0x80000046;
	[dreg:$0x1] =	wrdreg $0xFFFFFFFF  }
0xa7: {  	s28 =	simm.s32 $_size_execute0_lowered;
	s3 =	sadd.s32 s3, s5;
	[dreg:$0x0] =	wrdreg $0x0  }
0xa8: {  	s5 =	sshll.u32 s28, $0x1;
	[dreg:$0x2] =	wrdreg s3  }
0xa9: {  	[dreg:$0x3] =	wrdreg s5  }
0xaa: {  	[dreg:$0x4] =	wrdreg $0xC0  }
0xab: {  	_ =	task [dreg:s7], $0x5FFFF  }
0xac: {  	[dreg:$0x1] =	wrdreg $0xFFFFFFFF  }
0xad: {  	[dreg:$0x0] =	wrdreg $0x60  }
0xae: {  	[dreg:$0x2] =	wrdreg s24  }
0xaf: {  	[dreg:$0x3] =	wrdreg s2  }
0xb0: {  	[dreg:$0x4] =	wrdreg $0x9  }
0xb1: {  	_ =	task.clear_ibuf [dreg:s7], $0x5FFFF;
	_ =	strace $0x90000046  }
0xb2: {  	s29 =	simm.s32 $0x9;
	_ =	strace $0x80000048  }
0xb3: {  	_ =	swait.ge [sflag:s29], $0x1  }
0xb4: {  	[sflag:s29] =	ssyncadd.s32 $0xFFFFFFFF  }
0xb5: {  	_ =	strace $0x90000048  }
0xb6: {  	_ =	sfence  }
0xb7: {  	s30 =	sld [smem:$0x0];
	_ =	sdelay $0x2  }
0xb8: {  	s31 =	sshll.u32 s1, $0xD;
	s1 =	sshrl.u32 s1, $0x2  }
0xb9: {  	s3 =	sand.u32 $0x4000, s31;
	s1 =	sadd.s32 s1, s30  }
0xba: {  	s0 =	sor.u32 s3, s0;
	s1 =	sshll.u32 s1, $0x11  }
0xbb: {  	s0 =	sor.u32 s1, s0  }
0xbc: {  	s0 =	sadd.s32 $0x8F2B, s0  }
0xbd: {  	[sflag:s0] =	ssyncadd.remote.s32 $0x1  }
0xbe: {  	_ =	sfence.sel $0xFFFF  }
0xbf: {  	[dreg:$0x0] =	wrdreg $0xFFFFFFFF;
	(pc) =	sbr.abs _section_cstart, $3  }
0xc0: {  	[dreg:$0x1] =	wrdreg $0xFFFFFFFF  }
0xc1: {  	_ =	task.clear_ibuf [dreg:s7], $0x2FFFF;
	_ =	strace $0x9FFFFFFF  }
0xc2: {  	(tm) =	ssettm $0x7FFFFFFF  }
0xc3: {  	_ =	shalt  }
tec
execute0_lowered:
.L_overlay_start_1:
0x0: {  	(tag) =	ssettag $0x1  }
0x1: {  	s1 =	srdreg.scid;
	s2 =	stileid.u32  }
0x2: {  	s0 =	rddreg [dreg:$0x0];
	s1 =	sand.u32 $0x1, s1;
	s3 =	sshll.u32 s2, $0x1  }
0x3: {  	s5 =	rddreg [dreg:$0x1];
	s3 =	sor.u32 s1, s3  }
0x4: {  	s2 =	simm.s32 $0x0;
	s6 =	sadd.s32 $0x600, s0;
	s4 =	smul.u32 $0x6400, s3  }
0x5: {  	[smem:$0x7FF] =	sst s2;
	s1 =	ssub.s32 $0x2, s1;
	s7 =	smul.u32 $0xC80, s3  }
0x6: {  	_ =	strace $0x80000047;
	s3 =	sadd.s32 $0xF42A00, s0;
	s12 =	sshrl.u32 s1, $0x1  }
0x7: {  	s0 =	ssub.s32 s1, s12;
	s8 =	sshrl.u32 s4, $0x3;
	s13 =	sadd.s32 s6, s7  }
0x8: {  	s0 =	smax.u32 s0, $0x1;
	s4 =	sadd.s32 s5, s8;
	[dreg:$0x3] =	wrdreg s13  }
0x9: {  	[dreg:$0x17] =	wrdreg s0;
	s14 =	sadd.s32 $0x19000, s4  }
0xa: {  	s15 =	sadd.s32 $0x32000, s4;
	[dreg:$0x4] =	wrdreg s14  }
0xb: {  	s16 =	sadd.s32 $0x4B000, s4;
	[dreg:$0x5] =	wrdreg s15  }
0xc: {  	s17 =	sadd.s32 $0x64000, s4;
	[dreg:$0x6] =	wrdreg s16  }
0xd: {  	s18 =	sadd.s32 $0x7D000, s4;
	[dreg:$0x7] =	wrdreg s17  }
0xe: {  	s19 =	sadd.s32 $0x96000, s4;
	[dreg:$0x8] =	wrdreg s18  }
0xf: {  	s20 =	sadd.s32 $0x280, s8;
	s21 =	sadd.s32 $0xAF000, s4;
	[dreg:$0x9] =	wrdreg s19  }
0x10: {  	s22 =	sadd.s32 s6, s20;
	[dreg:$0xa] =	wrdreg s21  }
0x11: {  	s1 =	sadd.s32 s5, s20;
	[dreg:$0xb] =	wrdreg s22  }
0x12: {  	s23 =	sadd.s32 $0x19280, s4;
	[dreg:$0xc] =	wrdreg s1  }
0x13: {  	s24 =	sadd.s32 $0x32280, s4;
	[dreg:$0xd] =	wrdreg s23  }
0x14: {  	s25 =	sadd.s32 $0x500, s8;
	s26 =	sadd.s32 $0x4B280, s4;
	[dreg:$0xe] =	wrdreg s24  }
0x15: {  	s10 =	sadd.s32 $0x780, s8;
	s9 =	sadd.s32 s6, s25;
	[dreg:$0xf] =	wrdreg s26  }
0x16: {  	s11 =	sadd.s32 s6, s10;
	[dreg:$0x10] =	wrdreg s9  }
0x17: {  	s12 =	sadd.s32 $0xA00, s8;
	s7 =	sadd.s32 s5, s10;
	[dreg:$0x12] =	wrdreg s11  }
0x18: {  	s6 =	sadd.s32 s6, s12;
	[dreg:$0x13] =	wrdreg s7  }
0x19: {  	s13 =	sadd.s32 $0x64280, s4;
	[dreg:$0x14] =	wrdreg s6  }
0x1a: {  	s20 =	sadd.s32 $0x64500, s4;
	[dreg:$0x16] =	wrdreg s13  }
0x1b: {  	s1 =	sadd.s32 s5, s25;
	[dreg:$0x1e] =	wrdreg s20  }
0x1c: {  	s14 =	sadd.s32 $0x7D280, s4;
	[dreg:$0x11] =	wrdreg s1  }
0x1d: {  	s15 =	sadd.s32 $0x96280, s4;
	[dreg:$0x18] =	wrdreg s14  }
0x1e: {  	s16 =	sadd.s32 $0xAF280, s4;
	[dreg:$0x19] =	wrdreg s15  }
0x1f: {  	s28 =	simm.s32 $0xC800;
	s17 =	sadd.s32 $0x19500, s4;
	[dreg:$0x1a] =	wrdreg s16  }
0x20: {  	s29 =	simm.s32 $0xDC00;
	s18 =	sadd.s32 $0x32500, s4;
	[dreg:$0x1b] =	wrdreg s17  }
0x21: {  	s30 =	simm.s32 $0xF000;
	s19 =	sadd.s32 $0x4B500, s4;
	[dreg:$0x1c] =	wrdreg s18  }
0x22: {  	s31 =	simm.s32 $0x10400;
	s21 =	sadd.s32 $0x7D500, s4;
	[dreg:$0x1d] =	wrdreg s19  }
0x23: {  	s0 =	simm.s32 $0x12C00;
	s22 =	sadd.s32 $0x96500, s4;
	[dreg:$0x1f] =	wrdreg s21  }
0x24: {  	s23 =	sadd.s32 $0xAF500, s4;
	s24 =	sadd.s32 $0x19780, s4;
	[smem:$0x7F9] =	sst s22  }
0x25: {  	s25 =	sadd.s32 $0x32780, s4;
	s26 =	sadd.s32 $0x4B780, s4;
	[smem:$0x7FA] =	sst s23  }
0x26: {  	s11 =	sadd.s32 $0x64780, s4;
	s13 =	sadd.s32 $0x96780, s4;
	[smem:$0x7FB] =	sst s24  }
0x27: {  	s20 =	sadd.s32 $0x96A00, s4;
	s6 =	simm.s32 $0x0;
	[smem:$0x7FC] =	sst s25  }
0x28: {  	s1 =	sadd.s32 s5, s12;
	[smem:$0x7FD] =	sst s26;
	s12 =	sadd.s32 $0x7D780, s4  }
0x29: {  	s14 =	sadd.s32 $0xAF780, s4;
	s15 =	sadd.s32 $0x19A00, s4;
	s16 =	sadd.s32 $0x32A00, s4  }
0x2a: {  	s17 =	sadd.s32 $0x4BA00, s4;
	s18 =	sadd.s32 $0x64A00, s4;
	s19 =	sadd.s32 $0x7DA00, s4  }
0x2b: {  	s21 =	sadd.s32 $0xAFA00, s4;
	s22 =	simm.s32 $0x2;
	s23 =	simm.s32 $0x80  }
0x2c: {  	v0 =	vlaneseq.u32;
	s24 =	simm.s32 $0x1;
	s25 =	simm.s32 $0x1400;
	s26 =	simm.s32 $0xB400  }
0x2d: {  	v0 =	vmul.u32 $0x8, v0;
	s5 =	simm.s32 $0x14000;
	[dreg:$0x15] =	wrdreg s1;
	s1 =	simm.s32 $0x11800  }
.LBB2_1:
0x2e: {  	s7 =	rddreg [dreg:$0x3]  }
0x2f: {  	[tilespmem:s2], [sflag:$0x2] =	stream.linear.gather [hbm4b:s7+s2], $0x1400, $0x38;
	[tilespmem:$0x15400] =	vst v63  }
0x30: {  	_ =	swait.ge [sflag:s22], $0x1400  }
0x31: {  	s8 =	simm.s32 $0x200;
	s10 =	simm.s32 $0x0;
	[sflag:s22] =	ssyncset.done $0x0  }
0x32: {  	s9 =	simm.s32 $0x1800;
	s7 =	simm.s32 $0x1400;
	[sflag:s22] =	ssyncadd.s32 $0xFFFFEC00  }
.LBB2_2:
0x33: {  	[tilespmem:s7], [sflag:$0x1] =	stream.indirect.gather [hbm4b:s3+s23], $0x8, s10, s23, $0xb8;
	[tilespmem:$0x15400] =	vst v63  }
0x34: {  	s10 =	smov.u32 s8;
	s7 =	smov.u32 s9;
	p0 =	sne.s32 s8, $0x4E00  }
.Ltmp0:
0x35: {  	s8 =	sadd.s32 $0x200, s8;
	(pc) =	sbr.rel @p0 .LBB2_2-.Ltmp0, $2  }
0x36: {  	_ =	sdelay $0x2  }
0x37: {  	s9 =	sadd.s32 $0x400, s9;
	s10 =	sshra.s32 s10, $0x2  }
0x38: {  	s8 =	simm.s32 $0x0  }
0x39: {  	v1 =	vmov s8  }
0x3a: {  	v1 =	vshll.u32 v1, $0x3  }
0x3b: {  	v1 =	vor.u32 v0, v1  }
0x3c: {  	[tilespmem:s7], [sflag:$0x1] =	stream.indirect.gather [hbm4b:s3+s23], $0x8, s10, s23, $0xb8;
	[tilespmem:$0x15400] =	vst v63  }
0x3d: {  	_ =	swait.ge [sflag:s24], $0xA000  }
0x3e: {  	[sflag:s24] =	ssyncset.done $0x0  }
0x3f: {  	[sflag:s24] =	ssyncadd.s32 $0xFFFF6000  }
0x40: {  	v2 =	vld.idx.msk [tilespmem:v1+s25+$0x0], $0xffff  }
0x41: {  	v3 =	vor.u32 $0x1, v1;
	_ =	sdelay $0x2  }
0x42: {  	s7 =	simm.s32 $0x14000  }
0x43: {  	[tilespmem:s7+$0xFFFF7400] =	vst v2  }
0x44: {  	v2 =	vld.idx.msk [tilespmem:v3+s25+$0x0], $0xffff  }
0x45: {  	v3 =	vor.u32 $0x2, v1;
	_ =	sdelay $0x3  }
0x46: {  	[tilespmem:s7+$0xFFFF8800] =	vst v2  }
0x47: {  	v2 =	vld.idx.msk [tilespmem:v3+s25+$0x0], $0xffff  }
0x48: {  	v3 =	vor.u32 $0x3, v1;
	_ =	sdelay $0x3  }
0x49: {  	[tilespmem:s7+$0xFFFF9C00] =	vst v2  }
0x4a: {  	v2 =	vld.idx.msk [tilespmem:v3+s25+$0x0], $0xffff  }
0x4b: {  	v3 =	vor.u32 $0x4, v1;
	_ =	sdelay $0x3  }
0x4c: {  	[tilespmem:s7+$0xFFFFB000] =	vst v2  }
0x4d: {  	v2 =	vld.idx.msk [tilespmem:v3+s25+$0x0], $0xffff  }
0x4e: {  	v3 =	vor.u32 $0x5, v1;
	_ =	sdelay $0x3  }
0x4f: {  	[tilespmem:s7+$0xFFFFC400] =	vst v2  }
0x50: {  	v2 =	vld.idx.msk [tilespmem:v3+s25+$0x0], $0xffff  }
0x51: {  	v3 =	vor.u32 $0x6, v1;
	_ =	sdelay $0x3  }
0x52: {  	[tilespmem:s7+$0xFFFFD800] =	vst v2  }
0x53: {  	v2 =	vld.idx.msk [tilespmem:v3+s25+$0x0], $0xffff  }
0x54: {  	v1 =	vor.u32 $0x7, v1;
	_ =	sdelay $0x3  }
0x55: {  	s10 =	simm.s32 $0x10;
	[tilespmem:s7+$0xFFFFEC00] =	vst v2  }
0x56: {  	s8 =	simm.s32 $0x20;
	v2 =	vmov s10;
	v1 =	vld.idx.msk [tilespmem:v1+s25+$0x0], $0xffff  }
.LBB2_4:
0x57: {  	p0 =	sne.s32 s8, $0x13F0;
	v2 =	vshll.u32 v2, $0x3  }
0x58: {  	v2 =	vor.u32 v0, v2;
	_ =	sdelay $0x3  }
0x59: {  	[tilespmem:s7+$0x0] =	vst v1  }
0x5a: {  	v1 =	vld.idx.msk [tilespmem:v2+s25+$0x0], $0xffff;
	_ =	sdelay $0x1  }
0x5b: {  	v3 =	vor.u32 $0x1, v2;
	_ =	sdelay $0x2  }
0x5c: {  	s7 =	sadd.s32 $0x10, s7  }
0x5d: {  	[tilespmem:s7+$0xFFFF7400] =	vst v1  }
0x5e: {  	v1 =	vld.idx.msk [tilespmem:v3+s25+$0x0], $0xffff;
	_ =	sdelay $0x1  }
0x5f: {  	v3 =	vor.u32 $0x2, v2;
	_ =	sdelay $0x3  }
0x60: {  	[tilespmem:s7+$0xFFFF8800] =	vst v1  }
0x61: {  	v1 =	vld.idx.msk [tilespmem:v3+s25+$0x0], $0xffff;
	_ =	sdelay $0x1  }
0x62: {  	v3 =	vor.u32 $0x3, v2;
	_ =	sdelay $0x3  }
0x63: {  	[tilespmem:s7+$0xFFFF9C00] =	vst v1  }
0x64: {  	v1 =	vld.idx.msk [tilespmem:v3+s25+$0x0], $0xffff;
	_ =	sdelay $0x1  }
0x65: {  	v3 =	vor.u32 $0x4, v2;
	_ =	sdelay $0x3  }
0x66: {  	[tilespmem:s7+$0xFFFFB000] =	vst v1  }
0x67: {  	v1 =	vld.idx.msk [tilespmem:v3+s25+$0x0], $0xffff;
	_ =	sdelay $0x1  }
0x68: {  	v3 =	vor.u32 $0x5, v2;
	_ =	sdelay $0x3  }
0x69: {  	[tilespmem:s7+$0xFFFFC400] =	vst v1  }
0x6a: {  	v1 =	vld.idx.msk [tilespmem:v3+s25+$0x0], $0xffff;
	_ =	sdelay $0x1  }
0x6b: {  	v3 =	vor.u32 $0x6, v2;
	_ =	sdelay $0x3  }
0x6c: {  	[tilespmem:s7+$0xFFFFD800] =	vst v1  }
0x6d: {  	v1 =	vld.idx.msk [tilespmem:v3+s25+$0x0], $0xffff;
	_ =	sdelay $0x1  }
0x6e: {  	v3 =	vor.u32 $0x7, v2  }
.Ltmp1:
0x6f: {  	(pc) =	sbr.rel @p0 .LBB2_4-.Ltmp1, $3  }
0x70: {  	_ =	sdelay $0x1  }
0x71: {  	[tilespmem:s7+$0xFFFFEC00] =	vst v1  }
0x72: {  	v2 =	vmov s8;
	s8 =	sadd.s32 $0x10, s8;
	v1 =	vld.idx.msk [tilespmem:v3+s25+$0x0], $0xffff  }
0x73: {  	v2 =	vshll.u32 v2, $0x3  }
0x74: {  	v2 =	vor.u32 v0, v2;
	_ =	sdelay $0x3  }
0x75: {  	[tilespmem:s7+$0x0] =	vst v1  }
0x76: {  	v1 =	vld.idx.msk [tilespmem:v2+s25+$0x0], $0xffff  }
0x77: {  	v3 =	vor.u32 $0x1, v2;
	_ =	sdelay $0x2  }
0x78: {  	s9 =	sadd.s32 $0x10, s7  }
0x79: {  	[tilespmem:s9+$0xFFFF7400] =	vst v1  }
0x7a: {  	v1 =	vld.idx.msk [tilespmem:v3+s25+$0x0], $0xffff  }
0x7b: {  	v3 =	vor.u32 $0x2, v2;
	_ =	sdelay $0x3  }
0x7c: {  	[tilespmem:s9+$0xFFFF8800] =	vst v1  }
0x7d: {  	v1 =	vld.idx.msk [tilespmem:v3+s25+$0x0], $0xffff  }
0x7e: {  	v3 =	vor.u32 $0x3, v2;
	_ =	sdelay $0x3  }
0x7f: {  	[tilespmem:s9+$0xFFFF9C00] =	vst v1  }
0x80: {  	v1 =	vld.idx.msk [tilespmem:v3+s25+$0x0], $0xffff  }
0x81: {  	v3 =	vor.u32 $0x4, v2;
	_ =	sdelay $0x3  }
0x82: {  	[tilespmem:s9+$0xFFFFB000] =	vst v1  }
0x83: {  	v1 =	vld.idx.msk [tilespmem:v3+s25+$0x0], $0xffff  }
0x84: {  	v3 =	vor.u32 $0x5, v2;
	_ =	sdelay $0x3  }
0x85: {  	[tilespmem:s9+$0xFFFFC400] =	vst v1  }
0x86: {  	v1 =	vld.idx.msk [tilespmem:v3+s25+$0x0], $0xffff  }
0x87: {  	v3 =	vor.u32 $0x6, v2;
	_ =	sdelay $0x3  }
0x88: {  	[tilespmem:s9+$0xFFFFD800] =	vst v1  }
0x89: {  	v1 =	vld.idx.msk [tilespmem:v3+s25+$0x0], $0xffff  }
0x8a: {  	v2 =	vor.u32 $0x7, v2;
	_ =	sdelay $0x3  }
0x8b: {  	[tilespmem:s9+$0xFFFFEC00] =	vst v1  }
0x8c: {  	v1 =	vld.idx.msk [tilespmem:v2+s25+$0x0], $0xffff;
	_ =	sdelay $0x4  }
0x8d: {  	s7 =	simm.s32 $0x0;
	[tilespmem:s9+$0x0] =	vst v1  }
0x8e: {  	[hbm4b:s4+s7] =	stream.linear.scatter [tilespmem:s26], [sflag:$0x2], $0x1400, $0x38;
	[tilespmem:$0x15400] =	vst v63  }
0x8f: {  	_ =	swait.ge [sflag:s22], $0x1400  }
0x90: {  	[sflag:s22] =	ssyncset.done $0x0  }
0x91: {  	s8 =	rddreg [dreg:$0x4];
	[sflag:s22] =	ssyncadd.s32 $0xFFFFEC00  }
0x92: {  	[hbm4b:s8+s7] =	stream.linear.scatter [tilespmem:s28], [sflag:$0x2], $0x1400, $0x38;
	[tilespmem:$0x15400] =	vst v63  }
0x93: {  	_ =	swait.ge [sflag:s22], $0x1400  }
0x94: {  	[sflag:s22] =	ssyncset.done $0x0  }
0x95: {  	s10 =	rddreg [dreg:$0x5];
	[sflag:s22] =	ssyncadd.s32 $0xFFFFEC00  }
0x96: {  	[hbm4b:s10+s7] =	stream.linear.scatter [tilespmem:s29], [sflag:$0x2], $0x1400, $0x38;
	[tilespmem:$0x15400] =	vst v63  }
0x97: {  	_ =	swait.ge [sflag:s22], $0x1400  }
0x98: {  	[sflag:s22] =	ssyncset.done $0x0  }
0x99: {  	s9 =	rddreg [dreg:$0x6];
	[sflag:s22] =	ssyncadd.s32 $0xFFFFEC00  }
0x9a: {  	[hbm4b:s9+s7] =	stream.linear.scatter [tilespmem:s30], [sflag:$0x2], $0x1400, $0x38;
	[tilespmem:$0x15400] =	vst v63  }
0x9b: {  	_ =	swait.ge [sflag:s22], $0x1400  }
0x9c: {  	[sflag:s22] =	ssyncset.done $0x0  }
0x9d: {  	s10 =	rddreg [dreg:$0x7];
	[sflag:s22] =	ssyncadd.s32 $0xFFFFEC00  }
0x9e: {  	[hbm4b:s10+s7] =	stream.linear.scatter [tilespmem:s31], [sflag:$0x2], $0x1400, $0x38;
	[tilespmem:$0x15400] =	vst v63  }
0x9f: {  	_ =	swait.ge [sflag:s22], $0x1400  }
0xa0: {  	[sflag:s22] =	ssyncset.done $0x0  }
0xa1: {  	s9 =	rddreg [dreg:$0x8];
	[sflag:s22] =	ssyncadd.s32 $0xFFFFEC00  }
0xa2: {  	[hbm4b:s9+s7] =	stream.linear.scatter [tilespmem:s1], [sflag:$0x2], $0x1400, $0x38;
	[tilespmem:$0x15400] =	vst v63  }
0xa3: {  	_ =	swait.ge [sflag:s22], $0x1400  }
0xa4: {  	[sflag:s22] =	ssyncset.done $0x0  }
0xa5: {  	s10 =	rddreg [dreg:$0x9];
	[sflag:s22] =	ssyncadd.s32 $0xFFFFEC00  }
0xa6: {  	[hbm4b:s10+s7] =	stream.linear.scatter [tilespmem:s0], [sflag:$0x2], $0x1400, $0x38;
	[tilespmem:$0x15400] =	vst v63  }
0xa7: {  	_ =	swait.ge [sflag:s22], $0x1400  }
0xa8: {  	[sflag:s22] =	ssyncset.done $0x0  }
0xa9: {  	s9 =	rddreg [dreg:$0xa];
	[sflag:s22] =	ssyncadd.s32 $0xFFFFEC00  }
0xaa: {  	[hbm4b:s9+s7] =	stream.linear.scatter [tilespmem:s5], [sflag:$0x2], $0x1400, $0x38;
	[tilespmem:$0x15400] =	vst v63  }
0xab: {  	_ =	swait.ge [sflag:s22], $0x1400  }
0xac: {  	[sflag:s22] =	ssyncset.done $0x0  }
0xad: {  	s10 =	rddreg [dreg:$0xb];
	[sflag:s22] =	ssyncadd.s32 $0xFFFFEC00  }
0xae: {  	[tilespmem:s7], [sflag:$0x2] =	stream.linear.gather [hbm4b:s10+s7], $0x1400, $0x38;
	[tilespmem:$0x15400] =	vst v63  }
0xaf: {  	_ =	swait.ge [sflag:s22], $0x1400  }
0xb0: {  	s8 =	simm.s32 $0x200;
	s9 =	simm.s32 $0x1800;
	[sflag:s22] =	ssyncset.done $0x0  }
0xb1: {  	s7 =	simm.s32 $0x1400;
	s10 =	simm.s32 $0x0;
	[sflag:s22] =	ssyncadd.s32 $0xFFFFEC00  }
.LBB2_6:
0xb2: {  	[tilespmem:s7], [sflag:$0x1] =	stream.indirect.gather [hbm4b:s3+s23], $0x8, s10, s23, $0xb8;
	[tilespmem:$0x15400] =	vst v63  }
0xb3: {  	s10 =	smov.u32 s8;
	s7 =	smov.u32 s9;
	p0 =	sne.s32 s8, $0x4E00  }
.Ltmp2:
0xb4: {  	s8 =	sadd.s32 $0x200, s8;
	(pc) =	sbr.rel @p0 .LBB2_6-.Ltmp2, $2  }
0xb5: {  	_ =	sdelay $0x2  }
0xb6: {  	s9 =	sadd.s32 $0x400, s9;
	s10 =	sshra.s32 s10, $0x2  }
0xb7: {  	s8 =	simm.s32 $0x0  }
0xb8: {  	v1 =	vmov s8  }
0xb9: {  	v1 =	vshll.u32 v1, $0x3  }
0xba: {  	v1 =	vor.u32 v0, v1  }
0xbb: {  	[tilespmem:s7], [sflag:$0x1] =	stream.indirect.gather [hbm4b:s3+s23], $0x8, s10, s23, $0xb8;
	[tilespmem:$0x15400] =	vst v63  }
0xbc: {  	_ =	swait.ge [sflag:s24], $0xA000  }
0xbd: {  	[sflag:s24] =	ssyncset.done $0x0  }
0xbe: {  	[sflag:s24] =	ssyncadd.s32 $0xFFFF6000  }
0xbf: {  	v2 =	vld.idx.msk [tilespmem:v1+s25+$0x0], $0xffff  }
0xc0: {  	v3 =	vor.u32 $0x1, v1;
	_ =	sdelay $0x2  }
0xc1: {  	s7 =	simm.s32 $0x14000  }
0xc2: {  	[tilespmem:s7+$0xFFFF7400] =	vst v2  }
0xc3: {  	v2 =	vld.idx.msk [tilespmem:v3+s25+$0x0], $0xffff  }
0xc4: {  	v3 =	vor.u32 $0x2, v1;
	_ =	sdelay $0x3  }
0xc5: {  	[tilespmem:s7+$0xFFFF8800] =	vst v2  }
0xc6: {  	v2 =	vld.idx.msk [tilespmem:v3+s25+$0x0], $0xffff  }
0xc7: {  	v3 =	vor.u32 $0x3, v1;
	_ =	sdelay $0x3  }
0xc8: {  	[tilespmem:s7+$0xFFFF9C00] =	vst v2  }
0xc9: {  	v2 =	vld.idx.msk [tilespmem:v3+s25+$0x0], $0xffff  }
0xca: {  	v3 =	vor.u32 $0x4, v1;
	_ =	sdelay $0x3  }
0xcb: {  	[tilespmem:s7+$0xFFFFB000] =	vst v2  }
0xcc: {  	v2 =	vld.idx.msk [tilespmem:v3+s25+$0x0], $0xffff  }
0xcd: {  	v3 =	vor.u32 $0x5, v1;
	_ =	sdelay $0x3  }
0xce: {  	[tilespmem:s7+$0xFFFFC400] =	vst v2  }
0xcf: {  	v2 =	vld.idx.msk [tilespmem:v3+s25+$0x0], $0xffff  }
0xd0: {  	v3 =	vor.u32 $0x6, v1;
	_ =	sdelay $0x3  }
0xd1: {  	[tilespmem:s7+$0xFFFFD800] =	vst v2  }
0xd2: {  	v2 =	vld.idx.msk [tilespmem:v3+s25+$0x0], $0xffff  }
0xd3: {  	v1 =	vor.u32 $0x7, v1;
	_ =	sdelay $0x3  }
0xd4: {  	s10 =	simm.s32 $0x10;
	[tilespmem:s7+$0xFFFFEC00] =	vst v2  }
0xd5: {  	s8 =	simm.s32 $0x20;
	v2 =	vmov s10;
	v1 =	vld.idx.msk [tilespmem:v1+s25+$0x0], $0xffff  }
.LBB2_8:
0xd6: {  	p0 =	sne.s32 s8, $0x13F0;
	v2 =	vshll.u32 v2, $0x3  }
0xd7: {  	v2 =	vor.u32 v0, v2;
	_ =	sdelay $0x3  }
0xd8: {  	[tilespmem:s7+$0x0] =	vst v1  }
0xd9: {  	v1 =	vld.idx.msk [tilespmem:v2+s25+$0x0], $0xffff;
	_ =	sdelay $0x1  }
0xda: {  	v3 =	vor.u32 $0x1, v2;
	_ =	sdelay $0x2  }
0xdb: {  	s7 =	sadd.s32 $0x10, s7  }
0xdc: {  	[tilespmem:s7+$0xFFFF7400] =	vst v1  }
0xdd: {  	v1 =	vld.idx.msk [tilespmem:v3+s25+$0x0], $0xffff;
	_ =	sdelay $0x1  }
0xde: {  	v3 =	vor.u32 $0x2, v2;
	_ =	sdelay $0x3  }
0xdf: {  	[tilespmem:s7+$0xFFFF8800] =	vst v1  }
0xe0: {  	v1 =	vld.idx.msk [tilespmem:v3+s25+$0x0], $0xffff;
	_ =	sdelay $0x1  }
0xe1: {  	v3 =	vor.u32 $0x3, v2;
	_ =	sdelay $0x3  }
0xe2: {  	[tilespmem:s7+$0xFFFF9C00] =	vst v1  }
0xe3: {  	v1 =	vld.idx.msk [tilespmem:v3+s25+$0x0], $0xffff;
	_ =	sdelay $0x1  }
0xe4: {  	v3 =	vor.u32 $0x4, v2;
	_ =	sdelay $0x3  }
0xe5: {  	[tilespmem:s7+$0xFFFFB000] =	vst v1  }
0xe6: {  	v1 =	vld.idx.msk [tilespmem:v3+s25+$0x0], $0xffff;
	_ =	sdelay $0x1  }
0xe7: {  	v3 =	vor.u32 $0x5, v2;
	_ =	sdelay $0x3  }
0xe8: {  	[tilespmem:s7+$0xFFFFC400] =	vst v1  }
0xe9: {  	v1 =	vld.idx.msk [tilespmem:v3+s25+$0x0], $0xffff;
	_ =	sdelay $0x1  }
0xea: {  	v3 =	vor.u32 $0x6, v2;
	_ =	sdelay $0x3  }
0xeb: {  	[tilespmem:s7+$0xFFFFD800] =	vst v1  }
0xec: {  	v1 =	vld.idx.msk [tilespmem:v3+s25+$0x0], $0xffff;
	_ =	sdelay $0x1  }
0xed: {  	v3 =	vor.u32 $0x7, v2  }
.Ltmp3:
0xee: {  	(pc) =	sbr.rel @p0 .LBB2_8-.Ltmp3, $3  }
0xef: {  	_ =	sdelay $0x1  }
0xf0: {  	[tilespmem:s7+$0xFFFFEC00] =	vst v1  }
0xf1: {  	v2 =	vmov s8;
	s8 =	sadd.s32 $0x10, s8;
	v1 =	vld.idx.msk [tilespmem:v3+s25+$0x0], $0xffff  }
0xf2: {  	v2 =	vshll.u32 v2, $0x3  }
0xf3: {  	v2 =	vor.u32 v0, v2;
	_ =	sdelay $0x3  }
0xf4: {  	[tilespmem:s7+$0x0] =	vst v1  }
0xf5: {  	v1 =	vld.idx.msk [tilespmem:v2+s25+$0x0], $0xffff  }
0xf6: {  	v3 =	vor.u32 $0x1, v2;
	_ =	sdelay $0x2  }
0xf7: {  	s8 =	sadd.s32 $0x10, s7  }
0xf8: {  	[tilespmem:s8+$0xFFFF7400] =	vst v1  }
0xf9: {  	v1 =	vld.idx.msk [tilespmem:v3+s25+$0x0], $0xffff  }
0xfa: {  	v3 =	vor.u32 $0x2, v2;
	_ =	sdelay $0x3  }
0xfb: {  	[tilespmem:s8+$0xFFFF8800] =	vst v1  }
0xfc: {  	v1 =	vld.idx.msk [tilespmem:v3+s25+$0x0], $0xffff  }
0xfd: {  	v3 =	vor.u32 $0x3, v2;
	_ =	sdelay $0x3  }
0xfe: {  	[tilespmem:s8+$0xFFFF9C00] =	vst v1  }
0xff: {  	v1 =	vld.idx.msk [tilespmem:v3+s25+$0x0], $0xffff  }
0x100: {  	v3 =	vor.u32 $0x4, v2;
	_ =	sdelay $0x3  }
0x101: {  	[tilespmem:s8+$0xFFFFB000] =	vst v1  }
0x102: {  	v1 =	vld.idx.msk [tilespmem:v3+s25+$0x0], $0xffff  }
0x103: {  	v3 =	vor.u32 $0x5, v2;
	_ =	sdelay $0x3  }
0x104: {  	[tilespmem:s8+$0xFFFFC400] =	vst v1  }
0x105: {  	v1 =	vld.idx.msk [tilespmem:v3+s25+$0x0], $0xffff  }
0x106: {  	v3 =	vor.u32 $0x6, v2;
	_ =	sdelay $0x3  }
0x107: {  	[tilespmem:s8+$0xFFFFD800] =	vst v1  }
0x108: {  	v1 =	vld.idx.msk [tilespmem:v3+s25+$0x0], $0xffff  }
0x109: {  	v2 =	vor.u32 $0x7, v2;
	_ =	sdelay $0x3  }
0x10a: {  	[tilespmem:s8+$0xFFFFEC00] =	vst v1  }
0x10b: {  	v1 =	vld.idx.msk [tilespmem:v2+s25+$0x0], $0xffff;
	_ =	sdelay $0x4  }
0x10c: {  	s7 =	simm.s32 $0x0;
	[tilespmem:s8+$0x0] =	vst v1;
	s8 =	rddreg [dreg:$0xc]  }
0x10d: {  	[hbm4b:s8+s7] =	stream.linear.scatter [tilespmem:s26], [sflag:$0x2], $0x1400, $0x38;
	[tilespmem:$0x15400] =	vst v63  }
0x10e: {  	_ =	swait.ge [sflag:s22], $0x1400  }
0x10f: {  	[sflag:s22] =	ssyncset.done $0x0  }
0x110: {  	s9 =	rddreg [dreg:$0xd];
	[sflag:s22] =	ssyncadd.s32 $0xFFFFEC00  }
0x111: {  	[hbm4b:s9+s7] =	stream.linear.scatter [tilespmem:s28], [sflag:$0x2], $0x1400, $0x38;
	[tilespmem:$0x15400] =	vst v63  }
0x112: {  	_ =	swait.ge [sflag:s22], $0x1400  }
0x113: {  	[sflag:s22] =	ssyncset.done $0x0  }
0x114: {  	s10 =	rddreg [dreg:$0xe];
	[sflag:s22] =	ssyncadd.s32 $0xFFFFEC00  }
0x115: {  	[hbm4b:s10+s7] =	stream.linear.scatter [tilespmem:s29], [sflag:$0x2], $0x1400, $0x38;
	[tilespmem:$0x15400] =	vst v63  }
0x116: {  	_ =	swait.ge [sflag:s22], $0x1400  }
0x117: {  	[sflag:s22] =	ssyncset.done $0x0  }
0x118: {  	s9 =	rddreg [dreg:$0xf];
	[sflag:s22] =	ssyncadd.s32 $0xFFFFEC00  }
0x119: {  	[hbm4b:s9+s7] =	stream.linear.scatter [tilespmem:s30], [sflag:$0x2], $0x1400, $0x38;
	[tilespmem:$0x15400] =	vst v63  }
0x11a: {  	_ =	swait.ge [sflag:s22], $0x1400  }
0x11b: {  	[sflag:s22] =	ssyncset.done $0x0  }
0x11c: {  	s10 =	rddreg [dreg:$0x16];
	[sflag:s22] =	ssyncadd.s32 $0xFFFFEC00  }
0x11d: {  	[hbm4b:s10+s7] =	stream.linear.scatter [tilespmem:s31], [sflag:$0x2], $0x1400, $0x38;
	[tilespmem:$0x15400] =	vst v63  }
0x11e: {  	_ =	swait.ge [sflag:s22], $0x1400  }
0x11f: {  	[sflag:s22] =	ssyncset.done $0x0  }
0x120: {  	s9 =	rddreg [dreg:$0x18];
	[sflag:s22] =	ssyncadd.s32 $0xFFFFEC00  }
0x121: {  	[hbm4b:s9+s7] =	stream.linear.scatter [tilespmem:s1], [sflag:$0x2], $0x1400, $0x38;
	[tilespmem:$0x15400] =	vst v63  }
0x122: {  	_ =	swait.ge [sflag:s22], $0x1400  }
0x123: {  	[sflag:s22] =	ssyncset.done $0x0  }
0x124: {  	s10 =	rddreg [dreg:$0x19];
	[sflag:s22] =	ssyncadd.s32 $0xFFFFEC00  }
0x125: {  	[hbm4b:s10+s7] =	stream.linear.scatter [tilespmem:s0], [sflag:$0x2], $0x1400, $0x38;
	[tilespmem:$0x15400] =	vst v63  }
0x126: {  	_ =	swait.ge [sflag:s22], $0x1400  }
0x127: {  	[sflag:s22] =	ssyncset.done $0x0  }
0x128: {  	s9 =	rddreg [dreg:$0x1a];
	[sflag:s22] =	ssyncadd.s32 $0xFFFFEC00  }
0x129: {  	[hbm4b:s9+s7] =	stream.linear.scatter [tilespmem:s5], [sflag:$0x2], $0x1400, $0x38;
	[tilespmem:$0x15400] =	vst v63  }
0x12a: {  	_ =	swait.ge [sflag:s22], $0x1400  }
0x12b: {  	[sflag:s22] =	ssyncset.done $0x0  }
0x12c: {  	s10 =	rddreg [dreg:$0x10];
	[sflag:s22] =	ssyncadd.s32 $0xFFFFEC00  }
0x12d: {  	[tilespmem:s7], [sflag:$0x2] =	stream.linear.gather [hbm4b:s10+s7], $0x1400, $0x38;
	[tilespmem:$0x15400] =	vst v63  }
0x12e: {  	_ =	swait.ge [sflag:s22], $0x1400  }
0x12f: {  	s8 =	simm.s32 $0x200;
	s9 =	simm.s32 $0x1800;
	[sflag:s22] =	ssyncset.done $0x0  }
0x130: {  	s7 =	simm.s32 $0x1400;
	s10 =	simm.s32 $0x0;
	[sflag:s22] =	ssyncadd.s32 $0xFFFFEC00  }
.LBB2_10:
0x131: {  	[tilespmem:s7], [sflag:$0x1] =	stream.indirect.gather [hbm4b:s3+s23], $0x8, s10, s23, $0xb8;
	[tilespmem:$0x15400] =	vst v63  }
0x132: {  	s10 =	smov.u32 s8;
	s7 =	smov.u32 s9;
	p0 =	sne.s32 s8, $0x4E00  }
.Ltmp4:
0x133: {  	s8 =	sadd.s32 $0x200, s8;
	(pc) =	sbr.rel @p0 .LBB2_10-.Ltmp4, $2  }
0x134: {  	_ =	sdelay $0x2  }
0x135: {  	s9 =	sadd.s32 $0x400, s9;
	s10 =	sshra.s32 s10, $0x2  }
0x136: {  	s8 =	simm.s32 $0x0  }
0x137: {  	v1 =	vmov s8  }
0x138: {  	v1 =	vshll.u32 v1, $0x3  }
0x139: {  	v1 =	vor.u32 v0, v1  }
0x13a: {  	[tilespmem:s7], [sflag:$0x1] =	stream.indirect.gather [hbm4b:s3+s23], $0x8, s10, s23, $0xb8;
	[tilespmem:$0x15400] =	vst v63  }
0x13b: {  	_ =	swait.ge [sflag:s24], $0xA000  }
0x13c: {  	[sflag:s24] =	ssyncset.done $0x0  }
0x13d: {  	[sflag:s24] =	ssyncadd.s32 $0xFFFF6000  }
0x13e: {  	v2 =	vld.idx.msk [tilespmem:v1+s25+$0x0], $0xffff  }
0x13f: {  	v3 =	vor.u32 $0x1, v1;
	_ =	sdelay $0x2  }
0x140: {  	s7 =	simm.s32 $0x14000  }
0x141: {  	[tilespmem:s7+$0xFFFF7400] =	vst v2  }
0x142: {  	v2 =	vld.idx.msk [tilespmem:v3+s25+$0x0], $0xffff  }
0x143: {  	v3 =	vor.u32 $0x2, v1;
	_ =	sdelay $0x3  }
0x144: {  	[tilespmem:s7+$0xFFFF8800] =	vst v2  }
0x145: {  	v2 =	vld.idx.msk [tilespmem:v3+s25+$0x0], $0xffff  }
0x146: {  	v3 =	vor.u32 $0x3, v1;
	_ =	sdelay $0x3  }
0x147: {  	[tilespmem:s7+$0xFFFF9C00] =	vst v2  }
0x148: {  	v2 =	vld.idx.msk [tilespmem:v3+s25+$0x0], $0xffff  }
0x149: {  	v3 =	vor.u32 $0x4, v1;
	_ =	sdelay $0x3  }
0x14a: {  	[tilespmem:s7+$0xFFFFB000] =	vst v2  }
0x14b: {  	v2 =	vld.idx.msk [tilespmem:v3+s25+$0x0], $0xffff  }
0x14c: {  	v3 =	vor.u32 $0x5, v1;
	_ =	sdelay $0x3  }
0x14d: {  	[tilespmem:s7+$0xFFFFC400] =	vst v2  }
0x14e: {  	v2 =	vld.idx.msk [tilespmem:v3+s25+$0x0], $0xffff  }
0x14f: {  	v3 =	vor.u32 $0x6, v1;
	_ =	sdelay $0x3  }
0x150: {  	[tilespmem:s7+$0xFFFFD800] =	vst v2  }
0x151: {  	v2 =	vld.idx.msk [tilespmem:v3+s25+$0x0], $0xffff  }
0x152: {  	v1 =	vor.u32 $0x7, v1;
	_ =	sdelay $0x3  }
0x153: {  	s10 =	simm.s32 $0x10;
	[tilespmem:s7+$0xFFFFEC00] =	vst v2  }
0x154: {  	s8 =	simm.s32 $0x20;
	v2 =	vmov s10;
	v1 =	vld.idx.msk [tilespmem:v1+s25+$0x0], $0xffff  }
.LBB2_12:
0x155: {  	p0 =	sne.s32 s8, $0x13F0;
	v2 =	vshll.u32 v2, $0x3  }
0x156: {  	v2 =	vor.u32 v0, v2;
	_ =	sdelay $0x3  }
0x157: {  	[tilespmem:s7+$0x0] =	vst v1  }
0x158: {  	v1 =	vld.idx.msk [tilespmem:v2+s25+$0x0], $0xffff;
	_ =	sdelay $0x1  }
0x159: {  	v3 =	vor.u32 $0x1, v2;
	_ =	sdelay $0x2  }
0x15a: {  	s7 =	sadd.s32 $0x10, s7  }
0x15b: {  	[tilespmem:s7+$0xFFFF7400] =	vst v1  }
0x15c: {  	v1 =	vld.idx.msk [tilespmem:v3+s25+$0x0], $0xffff;
	_ =	sdelay $0x1  }
0x15d: {  	v3 =	vor.u32 $0x2, v2;
	_ =	sdelay $0x3  }
0x15e: {  	[tilespmem:s7+$0xFFFF8800] =	vst v1  }
0x15f: {  	v1 =	vld.idx.msk [tilespmem:v3+s25+$0x0], $0xffff;
	_ =	sdelay $0x1  }
0x160: {  	v3 =	vor.u32 $0x3, v2;
	_ =	sdelay $0x3  }
0x161: {  	[tilespmem:s7+$0xFFFF9C00] =	vst v1  }
0x162: {  	v1 =	vld.idx.msk [tilespmem:v3+s25+$0x0], $0xffff;
	_ =	sdelay $0x1  }
0x163: {  	v3 =	vor.u32 $0x4, v2;
	_ =	sdelay $0x3  }
0x164: {  	[tilespmem:s7+$0xFFFFB000] =	vst v1  }
0x165: {  	v1 =	vld.idx.msk [tilespmem:v3+s25+$0x0], $0xffff;
	_ =	sdelay $0x1  }
0x166: {  	v3 =	vor.u32 $0x5, v2;
	_ =	sdelay $0x3  }
0x167: {  	[tilespmem:s7+$0xFFFFC400] =	vst v1  }
0x168: {  	v1 =	vld.idx.msk [tilespmem:v3+s25+$0x0], $0xffff;
	_ =	sdelay $0x1  }
0x169: {  	v3 =	vor.u32 $0x6, v2;
	_ =	sdelay $0x3  }
0x16a: {  	[tilespmem:s7+$0xFFFFD800] =	vst v1  }
0x16b: {  	v1 =	vld.idx.msk [tilespmem:v3+s25+$0x0], $0xffff;
	_ =	sdelay $0x1  }
0x16c: {  	v3 =	vor.u32 $0x7, v2  }
.Ltmp5:
0x16d: {  	(pc) =	sbr.rel @p0 .LBB2_12-.Ltmp5, $3  }
0x16e: {  	_ =	sdelay $0x1  }
0x16f: {  	[tilespmem:s7+$0xFFFFEC00] =	vst v1  }
0x170: {  	v2 =	vmov s8;
	s8 =	sadd.s32 $0x10, s8;
	v1 =	vld.idx.msk [tilespmem:v3+s25+$0x0], $0xffff  }
0x171: {  	v2 =	vshll.u32 v2, $0x3  }
0x172: {  	v2 =	vor.u32 v0, v2;
	_ =	sdelay $0x3  }
0x173: {  	[tilespmem:s7+$0x0] =	vst v1  }
0x174: {  	v1 =	vld.idx.msk [tilespmem:v2+s25+$0x0], $0xffff  }
0x175: {  	v3 =	vor.u32 $0x1, v2;
	_ =	sdelay $0x2  }
0x176: {  	s8 =	sadd.s32 $0x10, s7  }
0x177: {  	[tilespmem:s8+$0xFFFF7400] =	vst v1  }
0x178: {  	v1 =	vld.idx.msk [tilespmem:v3+s25+$0x0], $0xffff  }
0x179: {  	v3 =	vor.u32 $0x2, v2;
	_ =	sdelay $0x3  }
0x17a: {  	[tilespmem:s8+$0xFFFF8800] =	vst v1  }
0x17b: {  	v1 =	vld.idx.msk [tilespmem:v3+s25+$0x0], $0xffff  }
0x17c: {  	v3 =	vor.u32 $0x3, v2;
	_ =	sdelay $0x3  }
0x17d: {  	[tilespmem:s8+$0xFFFF9C00] =	vst v1  }
0x17e: {  	v1 =	vld.idx.msk [tilespmem:v3+s25+$0x0], $0xffff  }
0x17f: {  	v3 =	vor.u32 $0x4, v2;
	_ =	sdelay $0x3  }
0x180: {  	[tilespmem:s8+$0xFFFFB000] =	vst v1  }
0x181: {  	v1 =	vld.idx.msk [tilespmem:v3+s25+$0x0], $0xffff  }
0x182: {  	v3 =	vor.u32 $0x5, v2;
	_ =	sdelay $0x3  }
0x183: {  	[tilespmem:s8+$0xFFFFC400] =	vst v1  }
0x184: {  	v1 =	vld.idx.msk [tilespmem:v3+s25+$0x0], $0xffff  }
0x185: {  	v3 =	vor.u32 $0x6, v2;
	_ =	sdelay $0x3  }
0x186: {  	[tilespmem:s8+$0xFFFFD800] =	vst v1  }
0x187: {  	v1 =	vld.idx.msk [tilespmem:v3+s25+$0x0], $0xffff  }
0x188: {  	v2 =	vor.u32 $0x7, v2;
	_ =	sdelay $0x3  }
0x189: {  	[tilespmem:s8+$0xFFFFEC00] =	vst v1  }
0x18a: {  	v1 =	vld.idx.msk [tilespmem:v2+s25+$0x0], $0xffff;
	_ =	sdelay $0x4  }
0x18b: {  	s7 =	simm.s32 $0x0;
	[tilespmem:s8+$0x0] =	vst v1;
	s8 =	rddreg [dreg:$0x11]  }
0x18c: {  	[hbm4b:s8+s7] =	stream.linear.scatter [tilespmem:s26], [sflag:$0x2], $0x1400, $0x38;
	[tilespmem:$0x15400] =	vst v63  }
0x18d: {  	_ =	swait.ge [sflag:s22], $0x1400  }
0x18e: {  	[sflag:s22] =	ssyncset.done $0x0  }
0x18f: {  	s9 =	rddreg [dreg:$0x1b];
	[sflag:s22] =	ssyncadd.s32 $0xFFFFEC00  }
0x190: {  	[hbm4b:s9+s7] =	stream.linear.scatter [tilespmem:s28], [sflag:$0x2], $0x1400, $0x38;
	[tilespmem:$0x15400] =	vst v63  }
0x191: {  	_ =	swait.ge [sflag:s22], $0x1400  }
0x192: {  	[sflag:s22] =	ssyncset.done $0x0  }
0x193: {  	s10 =	rddreg [dreg:$0x1c];
	[sflag:s22] =	ssyncadd.s32 $0xFFFFEC00  }
0x194: {  	[hbm4b:s10+s7] =	stream.linear.scatter [tilespmem:s29], [sflag:$0x2], $0x1400, $0x38;
	[tilespmem:$0x15400] =	vst v63  }
0x195: {  	_ =	swait.ge [sflag:s22], $0x1400  }
0x196: {  	[sflag:s22] =	ssyncset.done $0x0  }
0x197: {  	s9 =	rddreg [dreg:$0x1d];
	[sflag:s22] =	ssyncadd.s32 $0xFFFFEC00  }
0x198: {  	[hbm4b:s9+s7] =	stream.linear.scatter [tilespmem:s30], [sflag:$0x2], $0x1400, $0x38;
	[tilespmem:$0x15400] =	vst v63  }
0x199: {  	_ =	swait.ge [sflag:s22], $0x1400  }
0x19a: {  	[sflag:s22] =	ssyncset.done $0x0  }
0x19b: {  	s10 =	rddreg [dreg:$0x1e];
	[sflag:s22] =	ssyncadd.s32 $0xFFFFEC00  }
0x19c: {  	[hbm4b:s10+s7] =	stream.linear.scatter [tilespmem:s31], [sflag:$0x2], $0x1400, $0x38;
	[tilespmem:$0x15400] =	vst v63  }
0x19d: {  	_ =	swait.ge [sflag:s22], $0x1400  }
0x19e: {  	[sflag:s22] =	ssyncset.done $0x0  }
0x19f: {  	s9 =	rddreg [dreg:$0x1f];
	[sflag:s22] =	ssyncadd.s32 $0xFFFFEC00  }
0x1a0: {  	[hbm4b:s9+s7] =	stream.linear.scatter [tilespmem:s1], [sflag:$0x2], $0x1400, $0x38;
	[tilespmem:$0x15400] =	vst v63  }
0x1a1: {  	_ =	swait.ge [sflag:s22], $0x1400  }
0x1a2: {  	s10 =	sld [smem:$0x7F9]  }
0x1a3: {  	[sflag:s22] =	ssyncset.done $0x0  }
0x1a4: {  	[sflag:s22] =	ssyncadd.s32 $0xFFFFEC00  }
0x1a5: {  	[hbm4b:s10+s7] =	stream.linear.scatter [tilespmem:s0], [sflag:$0x2], $0x1400, $0x38;
	[tilespmem:$0x15400] =	vst v63  }
0x1a6: {  	_ =	swait.ge [sflag:s22], $0x1400  }
0x1a7: {  	s9 =	sld [smem:$0x7FA]  }
0x1a8: {  	[sflag:s22] =	ssyncset.done $0x0  }
0x1a9: {  	[sflag:s22] =	ssyncadd.s32 $0xFFFFEC00  }
0x1aa: {  	[hbm4b:s9+s7] =	stream.linear.scatter [tilespmem:s5], [sflag:$0x2], $0x1400, $0x38;
	[tilespmem:$0x15400] =	vst v63  }
0x1ab: {  	_ =	swait.ge [sflag:s22], $0x1400  }
0x1ac: {  	[sflag:s22] =	ssyncset.done $0x0  }
0x1ad: {  	s10 =	rddreg [dreg:$0x12];
	[sflag:s22] =	ssyncadd.s32 $0xFFFFEC00  }
0x1ae: {  	[tilespmem:s7], [sflag:$0x2] =	stream.linear.gather [hbm4b:s10+s7], $0x1400, $0x38;
	[tilespmem:$0x15400] =	vst v63  }
0x1af: {  	_ =	swait.ge [sflag:s22], $0x1400  }
0x1b0: {  	s8 =	simm.s32 $0x200;
	s9 =	simm.s32 $0x1800;
	[sflag:s22] =	ssyncset.done $0x0  }
0x1b1: {  	s7 =	simm.s32 $0x1400;
	s10 =	simm.s32 $0x0;
	[sflag:s22] =	ssyncadd.s32 $0xFFFFEC00  }
.LBB2_14:
0x1b2: {  	[tilespmem:s7], [sflag:$0x1] =	stream.indirect.gather [hbm4b:s3+s23], $0x8, s10, s23, $0xb8;
	[tilespmem:$0x15400] =	vst v63  }
0x1b3: {  	s10 =	smov.u32 s8;
	s7 =	smov.u32 s9;
	p0 =	sne.s32 s8, $0x4E00  }
.Ltmp6:
0x1b4: {  	s8 =	sadd.s32 $0x200, s8;
	(pc) =	sbr.rel @p0 .LBB2_14-.Ltmp6, $2  }
0x1b5: {  	_ =	sdelay $0x2  }
0x1b6: {  	s9 =	sadd.s32 $0x400, s9;
	s10 =	sshra.s32 s10, $0x2  }
0x1b7: {  	s8 =	simm.s32 $0x0  }
0x1b8: {  	v1 =	vmov s8  }
0x1b9: {  	v1 =	vshll.u32 v1, $0x3  }
0x1ba: {  	v1 =	vor.u32 v0, v1  }
0x1bb: {  	[tilespmem:s7], [sflag:$0x1] =	stream.indirect.gather [hbm4b:s3+s23], $0x8, s10, s23, $0xb8;
	[tilespmem:$0x15400] =	vst v63  }
0x1bc: {  	_ =	swait.ge [sflag:s24], $0xA000  }
0x1bd: {  	[sflag:s24] =	ssyncset.done $0x0  }
0x1be: {  	[sflag:s24] =	ssyncadd.s32 $0xFFFF6000  }
0x1bf: {  	v2 =	vld.idx.msk [tilespmem:v1+s25+$0x0], $0xffff  }
0x1c0: {  	v3 =	vor.u32 $0x1, v1;
	_ =	sdelay $0x2  }
0x1c1: {  	s7 =	simm.s32 $0x14000  }
0x1c2: {  	[tilespmem:s7+$0xFFFF7400] =	vst v2  }
0x1c3: {  	v2 =	vld.idx.msk [tilespmem:v3+s25+$0x0], $0xffff  }
0x1c4: {  	v3 =	vor.u32 $0x2, v1;
	_ =	sdelay $0x3  }
0x1c5: {  	[tilespmem:s7+$0xFFFF8800] =	vst v2  }
0x1c6: {  	v2 =	vld.idx.msk [tilespmem:v3+s25+$0x0], $0xffff  }
0x1c7: {  	v3 =	vor.u32 $0x3, v1;
	_ =	sdelay $0x3  }
0x1c8: {  	[tilespmem:s7+$0xFFFF9C00] =	vst v2  }
0x1c9: {  	v2 =	vld.idx.msk [tilespmem:v3+s25+$0x0], $0xffff  }
0x1ca: {  	v3 =	vor.u32 $0x4, v1;
	_ =	sdelay $0x3  }
0x1cb: {  	[tilespmem:s7+$0xFFFFB000] =	vst v2  }
0x1cc: {  	v2 =	vld.idx.msk [tilespmem:v3+s25+$0x0], $0xffff  }
0x1cd: {  	v3 =	vor.u32 $0x5, v1;
	_ =	sdelay $0x3  }
0x1ce: {  	[tilespmem:s7+$0xFFFFC400] =	vst v2  }
0x1cf: {  	v2 =	vld.idx.msk [tilespmem:v3+s25+$0x0], $0xffff  }
0x1d0: {  	v3 =	vor.u32 $0x6, v1;
	_ =	sdelay $0x3  }
0x1d1: {  	[tilespmem:s7+$0xFFFFD800] =	vst v2  }
0x1d2: {  	v2 =	vld.idx.msk [tilespmem:v3+s25+$0x0], $0xffff  }
0x1d3: {  	v1 =	vor.u32 $0x7, v1;
	_ =	sdelay $0x3  }
0x1d4: {  	s10 =	simm.s32 $0x10;
	[tilespmem:s7+$0xFFFFEC00] =	vst v2  }
0x1d5: {  	s8 =	simm.s32 $0x20;
	v2 =	vmov s10;
	v1 =	vld.idx.msk [tilespmem:v1+s25+$0x0], $0xffff  }
.LBB2_16:
0x1d6: {  	p0 =	sne.s32 s8, $0x13F0;
	v2 =	vshll.u32 v2, $0x3  }
0x1d7: {  	v2 =	vor.u32 v0, v2;
	_ =	sdelay $0x3  }
0x1d8: {  	[tilespmem:s7+$0x0] =	vst v1  }
0x1d9: {  	v1 =	vld.idx.msk [tilespmem:v2+s25+$0x0], $0xffff;
	_ =	sdelay $0x1  }
0x1da: {  	v3 =	vor.u32 $0x1, v2;
	_ =	sdelay $0x2  }
0x1db: {  	s7 =	sadd.s32 $0x10, s7  }
0x1dc: {  	[tilespmem:s7+$0xFFFF7400] =	vst v1  }
0x1dd: {  	v1 =	vld.idx.msk [tilespmem:v3+s25+$0x0], $0xffff;
	_ =	sdelay $0x1  }
0x1de: {  	v3 =	vor.u32 $0x2, v2;
	_ =	sdelay $0x3  }
0x1df: {  	[tilespmem:s7+$0xFFFF8800] =	vst v1  }
0x1e0: {  	v1 =	vld.idx.msk [tilespmem:v3+s25+$0x0], $0xffff;
	_ =	sdelay $0x1  }
0x1e1: {  	v3 =	vor.u32 $0x3, v2;
	_ =	sdelay $0x3  }
0x1e2: {  	[tilespmem:s7+$0xFFFF9C00] =	vst v1  }
0x1e3: {  	v1 =	vld.idx.msk [tilespmem:v3+s25+$0x0], $0xffff;
	_ =	sdelay $0x1  }
0x1e4: {  	v3 =	vor.u32 $0x4, v2;
	_ =	sdelay $0x3  }
0x1e5: {  	[tilespmem:s7+$0xFFFFB000] =	vst v1  }
0x1e6: {  	v1 =	vld.idx.msk [tilespmem:v3+s25+$0x0], $0xffff;
	_ =	sdelay $0x1  }
0x1e7: {  	v3 =	vor.u32 $0x5, v2;
	_ =	sdelay $0x3  }
0x1e8: {  	[tilespmem:s7+$0xFFFFC400] =	vst v1  }
0x1e9: {  	v1 =	vld.idx.msk [tilespmem:v3+s25+$0x0], $0xffff;
	_ =	sdelay $0x1  }
0x1ea: {  	v3 =	vor.u32 $0x6, v2;
	_ =	sdelay $0x3  }
0x1eb: {  	[tilespmem:s7+$0xFFFFD800] =	vst v1  }
0x1ec: {  	v1 =	vld.idx.msk [tilespmem:v3+s25+$0x0], $0xffff;
	_ =	sdelay $0x1  }
0x1ed: {  	v3 =	vor.u32 $0x7, v2  }
.Ltmp7:
0x1ee: {  	(pc) =	sbr.rel @p0 .LBB2_16-.Ltmp7, $3  }
0x1ef: {  	_ =	sdelay $0x1  }
0x1f0: {  	[tilespmem:s7+$0xFFFFEC00] =	vst v1  }
0x1f1: {  	v2 =	vmov s8;
	s8 =	sadd.s32 $0x10, s8;
	v1 =	vld.idx.msk [tilespmem:v3+s25+$0x0], $0xffff  }
0x1f2: {  	v2 =	vshll.u32 v2, $0x3  }
0x1f3: {  	v2 =	vor.u32 v0, v2;
	_ =	sdelay $0x3  }
0x1f4: {  	[tilespmem:s7+$0x0] =	vst v1  }
0x1f5: {  	v1 =	vld.idx.msk [tilespmem:v2+s25+$0x0], $0xffff  }
0x1f6: {  	v3 =	vor.u32 $0x1, v2;
	_ =	sdelay $0x2  }
0x1f7: {  	s8 =	sadd.s32 $0x10, s7  }
0x1f8: {  	[tilespmem:s8+$0xFFFF7400] =	vst v1  }
0x1f9: {  	v1 =	vld.idx.msk [tilespmem:v3+s25+$0x0], $0xffff  }
0x1fa: {  	v3 =	vor.u32 $0x2, v2;
	_ =	sdelay $0x3  }
0x1fb: {  	[tilespmem:s8+$0xFFFF8800] =	vst v1  }
0x1fc: {  	v1 =	vld.idx.msk [tilespmem:v3+s25+$0x0], $0xffff  }
0x1fd: {  	v3 =	vor.u32 $0x3, v2;
	_ =	sdelay $0x3  }
0x1fe: {  	[tilespmem:s8+$0xFFFF9C00] =	vst v1  }
0x1ff: {  	v1 =	vld.idx.msk [tilespmem:v3+s25+$0x0], $0xffff  }
0x200: {  	v3 =	vor.u32 $0x4, v2;
	_ =	sdelay $0x3  }
0x201: {  	[tilespmem:s8+$0xFFFFB000] =	vst v1  }
0x202: {  	v1 =	vld.idx.msk [tilespmem:v3+s25+$0x0], $0xffff  }
0x203: {  	v3 =	vor.u32 $0x5, v2;
	_ =	sdelay $0x3  }
0x204: {  	[tilespmem:s8+$0xFFFFC400] =	vst v1  }
0x205: {  	v1 =	vld.idx.msk [tilespmem:v3+s25+$0x0], $0xffff  }
0x206: {  	v3 =	vor.u32 $0x6, v2;
	_ =	sdelay $0x3  }
0x207: {  	[tilespmem:s8+$0xFFFFD800] =	vst v1  }
0x208: {  	v1 =	vld.idx.msk [tilespmem:v3+s25+$0x0], $0xffff  }
0x209: {  	v2 =	vor.u32 $0x7, v2;
	_ =	sdelay $0x3  }
0x20a: {  	[tilespmem:s8+$0xFFFFEC00] =	vst v1  }
0x20b: {  	v1 =	vld.idx.msk [tilespmem:v2+s25+$0x0], $0xffff;
	_ =	sdelay $0x4  }
0x20c: {  	s7 =	simm.s32 $0x0;
	[tilespmem:s8+$0x0] =	vst v1;
	s8 =	rddreg [dreg:$0x13]  }
0x20d: {  	[hbm4b:s8+s7] =	stream.linear.scatter [tilespmem:s26], [sflag:$0x2], $0x1400, $0x38;
	[tilespmem:$0x15400] =	vst v63  }
0x20e: {  	_ =	swait.ge [sflag:s22], $0x1400  }
0x20f: {  	s9 =	sld [smem:$0x7FB]  }
0x210: {  	[sflag:s22] =	ssyncset.done $0x0  }
0x211: {  	[sflag:s22] =	ssyncadd.s32 $0xFFFFEC00  }
0x212: {  	[hbm4b:s9+s7] =	stream.linear.scatter [tilespmem:s28], [sflag:$0x2], $0x1400, $0x38;
	[tilespmem:$0x15400] =	vst v63  }
0x213: {  	_ =	swait.ge [sflag:s22], $0x1400  }
0x214: {  	s10 =	sld [smem:$0x7FC]  }
0x215: {  	[sflag:s22] =	ssyncset.done $0x0  }
0x216: {  	[sflag:s22] =	ssyncadd.s32 $0xFFFFEC00  }
0x217: {  	[hbm4b:s10+s7] =	stream.linear.scatter [tilespmem:s29], [sflag:$0x2], $0x1400, $0x38;
	[tilespmem:$0x15400] =	vst v63  }
0x218: {  	_ =	swait.ge [sflag:s22], $0x1400  }
0x219: {  	s9 =	sld [smem:$0x7FD]  }
0x21a: {  	[sflag:s22] =	ssyncset.done $0x0  }
0x21b: {  	[sflag:s22] =	ssyncadd.s32 $0xFFFFEC00  }
0x21c: {  	[hbm4b:s9+s7] =	stream.linear.scatter [tilespmem:s30], [sflag:$0x2], $0x1400, $0x38;
	[tilespmem:$0x15400] =	vst v63  }
0x21d: {  	_ =	swait.ge [sflag:s22], $0x1400  }
0x21e: {  	[sflag:s22] =	ssyncset.done $0x0  }
0x21f: {  	[sflag:s22] =	ssyncadd.s32 $0xFFFFEC00  }
0x220: {  	[hbm4b:s11+s7] =	stream.linear.scatter [tilespmem:s31], [sflag:$0x2], $0x1400, $0x38;
	[tilespmem:$0x15400] =	vst v63  }
0x221: {  	_ =	swait.ge [sflag:s22], $0x1400  }
0x222: {  	[sflag:s22] =	ssyncset.done $0x0  }
0x223: {  	[sflag:s22] =	ssyncadd.s32 $0xFFFFEC00  }
0x224: {  	[hbm4b:s12+s7] =	stream.linear.scatter [tilespmem:s1], [sflag:$0x2], $0x1400, $0x38;
	[tilespmem:$0x15400] =	vst v63  }
0x225: {  	_ =	swait.ge [sflag:s22], $0x1400  }
0x226: {  	[sflag:s22] =	ssyncset.done $0x0  }
0x227: {  	[sflag:s22] =	ssyncadd.s32 $0xFFFFEC00  }
0x228: {  	[hbm4b:s13+s7] =	stream.linear.scatter [tilespmem:s0], [sflag:$0x2], $0x1400, $0x38;
	[tilespmem:$0x15400] =	vst v63  }
0x229: {  	_ =	swait.ge [sflag:s22], $0x1400  }
0x22a: {  	[sflag:s22] =	ssyncset.done $0x0  }
0x22b: {  	[sflag:s22] =	ssyncadd.s32 $0xFFFFEC00  }
0x22c: {  	[hbm4b:s14+s7] =	stream.linear.scatter [tilespmem:s5], [sflag:$0x2], $0x1400, $0x38;
	[tilespmem:$0x15400] =	vst v63  }
0x22d: {  	_ =	swait.ge [sflag:s22], $0x1400  }
0x22e: {  	[sflag:s22] =	ssyncset.done $0x0  }
0x22f: {  	s10 =	rddreg [dreg:$0x14];
	[sflag:s22] =	ssyncadd.s32 $0xFFFFEC00  }
0x230: {  	[tilespmem:s7], [sflag:$0x2] =	stream.linear.gather [hbm4b:s10+s7], $0x1400, $0x38;
	[tilespmem:$0x15400] =	vst v63  }
0x231: {  	_ =	swait.ge [sflag:s22], $0x1400  }
0x232: {  	s8 =	simm.s32 $0x200;
	s9 =	simm.s32 $0x1800;
	[sflag:s22] =	ssyncset.done $0x0  }
0x233: {  	s7 =	simm.s32 $0x1400;
	s10 =	simm.s32 $0x0;
	[sflag:s22] =	ssyncadd.s32 $0xFFFFEC00  }
.LBB2_18:
0x234: {  	[tilespmem:s7], [sflag:$0x1] =	stream.indirect.gather [hbm4b:s3+s23], $0x8, s10, s23, $0xb8;
	[tilespmem:$0x15400] =	vst v63  }
0x235: {  	s10 =	smov.u32 s8;
	s7 =	smov.u32 s9;
	p0 =	sne.s32 s8, $0x4E00  }
.Ltmp8:
0x236: {  	s8 =	sadd.s32 $0x200, s8;
	(pc) =	sbr.rel @p0 .LBB2_18-.Ltmp8, $2  }
0x237: {  	_ =	sdelay $0x2  }
0x238: {  	s9 =	sadd.s32 $0x400, s9;
	s10 =	sshra.s32 s10, $0x2  }
0x239: {  	s8 =	simm.s32 $0x0  }
0x23a: {  	v1 =	vmov s8  }
0x23b: {  	v1 =	vshll.u32 v1, $0x3  }
0x23c: {  	v1 =	vor.u32 v0, v1  }
0x23d: {  	[tilespmem:s7], [sflag:$0x1] =	stream.indirect.gather [hbm4b:s3+s23], $0x8, s10, s23, $0xb8;
	[tilespmem:$0x15400] =	vst v63  }
0x23e: {  	_ =	swait.ge [sflag:s24], $0xA000  }
0x23f: {  	[sflag:s24] =	ssyncset.done $0x0  }
0x240: {  	[sflag:s24] =	ssyncadd.s32 $0xFFFF6000  }
0x241: {  	v2 =	vld.idx.msk [tilespmem:v1+s25+$0x0], $0xffff  }
0x242: {  	v3 =	vor.u32 $0x1, v1;
	_ =	sdelay $0x2  }
0x243: {  	s7 =	simm.s32 $0x14000  }
0x244: {  	[tilespmem:s7+$0xFFFF7400] =	vst v2  }
0x245: {  	v2 =	vld.idx.msk [tilespmem:v3+s25+$0x0], $0xffff  }
0x246: {  	v3 =	vor.u32 $0x2, v1;
	_ =	sdelay $0x3  }
0x247: {  	[tilespmem:s7+$0xFFFF8800] =	vst v2  }
0x248: {  	v2 =	vld.idx.msk [tilespmem:v3+s25+$0x0], $0xffff  }
0x249: {  	v3 =	vor.u32 $0x3, v1;
	_ =	sdelay $0x3  }
0x24a: {  	[tilespmem:s7+$0xFFFF9C00] =	vst v2  }
0x24b: {  	v2 =	vld.idx.msk [tilespmem:v3+s25+$0x0], $0xffff  }
0x24c: {  	v3 =	vor.u32 $0x4, v1;
	_ =	sdelay $0x3  }
0x24d: {  	[tilespmem:s7+$0xFFFFB000] =	vst v2  }
0x24e: {  	v2 =	vld.idx.msk [tilespmem:v3+s25+$0x0], $0xffff  }
0x24f: {  	v3 =	vor.u32 $0x5, v1;
	_ =	sdelay $0x3  }
0x250: {  	[tilespmem:s7+$0xFFFFC400] =	vst v2  }
0x251: {  	v2 =	vld.idx.msk [tilespmem:v3+s25+$0x0], $0xffff  }
0x252: {  	v3 =	vor.u32 $0x6, v1;
	_ =	sdelay $0x3  }
0x253: {  	[tilespmem:s7+$0xFFFFD800] =	vst v2  }
0x254: {  	v2 =	vld.idx.msk [tilespmem:v3+s25+$0x0], $0xffff  }
0x255: {  	v1 =	vor.u32 $0x7, v1;
	_ =	sdelay $0x3  }
0x256: {  	s10 =	simm.s32 $0x10;
	[tilespmem:s7+$0xFFFFEC00] =	vst v2  }
0x257: {  	s8 =	simm.s32 $0x20;
	v2 =	vmov s10;
	v1 =	vld.idx.msk [tilespmem:v1+s25+$0x0], $0xffff  }
.LBB2_20:
0x258: {  	p0 =	sne.s32 s8, $0x13F0;
	v2 =	vshll.u32 v2, $0x3  }
0x259: {  	v2 =	vor.u32 v0, v2;
	_ =	sdelay $0x3  }
0x25a: {  	[tilespmem:s7+$0x0] =	vst v1  }
0x25b: {  	v1 =	vld.idx.msk [tilespmem:v2+s25+$0x0], $0xffff;
	_ =	sdelay $0x1  }
0x25c: {  	v3 =	vor.u32 $0x1, v2;
	_ =	sdelay $0x2  }
0x25d: {  	s7 =	sadd.s32 $0x10, s7  }
0x25e: {  	[tilespmem:s7+$0xFFFF7400] =	vst v1  }
0x25f: {  	v1 =	vld.idx.msk [tilespmem:v3+s25+$0x0], $0xffff;
	_ =	sdelay $0x1  }
0x260: {  	v3 =	vor.u32 $0x2, v2;
	_ =	sdelay $0x3  }
0x261: {  	[tilespmem:s7+$0xFFFF8800] =	vst v1  }
0x262: {  	v1 =	vld.idx.msk [tilespmem:v3+s25+$0x0], $0xffff;
	_ =	sdelay $0x1  }
0x263: {  	v3 =	vor.u32 $0x3, v2;
	_ =	sdelay $0x3  }
0x264: {  	[tilespmem:s7+$0xFFFF9C00] =	vst v1  }
0x265: {  	v1 =	vld.idx.msk [tilespmem:v3+s25+$0x0], $0xffff;
	_ =	sdelay $0x1  }
0x266: {  	v3 =	vor.u32 $0x4, v2;
	_ =	sdelay $0x3  }
0x267: {  	[tilespmem:s7+$0xFFFFB000] =	vst v1  }
0x268: {  	v1 =	vld.idx.msk [tilespmem:v3+s25+$0x0], $0xffff;
	_ =	sdelay $0x1  }
0x269: {  	v3 =	vor.u32 $0x5, v2;
	_ =	sdelay $0x3  }
0x26a: {  	[tilespmem:s7+$0xFFFFC400] =	vst v1  }
0x26b: {  	v1 =	vld.idx.msk [tilespmem:v3+s25+$0x0], $0xffff;
	_ =	sdelay $0x1  }
0x26c: {  	v3 =	vor.u32 $0x6, v2;
	_ =	sdelay $0x3  }
0x26d: {  	[tilespmem:s7+$0xFFFFD800] =	vst v1  }
0x26e: {  	v1 =	vld.idx.msk [tilespmem:v3+s25+$0x0], $0xffff;
	_ =	sdelay $0x1  }
0x26f: {  	v3 =	vor.u32 $0x7, v2  }
.Ltmp9:
0x270: {  	(pc) =	sbr.rel @p0 .LBB2_20-.Ltmp9, $3  }
0x271: {  	_ =	sdelay $0x1  }
0x272: {  	[tilespmem:s7+$0xFFFFEC00] =	vst v1  }
0x273: {  	v2 =	vmov s8;
	s8 =	sadd.s32 $0x10, s8;
	v1 =	vld.idx.msk [tilespmem:v3+s25+$0x0], $0xffff  }
0x274: {  	v2 =	vshll.u32 v2, $0x3  }
0x275: {  	v2 =	vor.u32 v0, v2;
	_ =	sdelay $0x3  }
0x276: {  	[tilespmem:s7+$0x0] =	vst v1  }
0x277: {  	v1 =	vld.idx.msk [tilespmem:v2+s25+$0x0], $0xffff  }
0x278: {  	v3 =	vor.u32 $0x1, v2;
	_ =	sdelay $0x2  }
0x279: {  	s8 =	sadd.s32 $0x10, s7  }
0x27a: {  	[tilespmem:s8+$0xFFFF7400] =	vst v1  }
0x27b: {  	v1 =	vld.idx.msk [tilespmem:v3+s25+$0x0], $0xffff  }
0x27c: {  	v3 =	vor.u32 $0x2, v2;
	_ =	sdelay $0x3  }
0x27d: {  	[tilespmem:s8+$0xFFFF8800] =	vst v1  }
0x27e: {  	v1 =	vld.idx.msk [tilespmem:v3+s25+$0x0], $0xffff  }
0x27f: {  	v3 =	vor.u32 $0x3, v2;
	_ =	sdelay $0x3  }
0x280: {  	[tilespmem:s8+$0xFFFF9C00] =	vst v1  }
0x281: {  	v1 =	vld.idx.msk [tilespmem:v3+s25+$0x0], $0xffff  }
0x282: {  	v3 =	vor.u32 $0x4, v2;
	_ =	sdelay $0x3  }
0x283: {  	[tilespmem:s8+$0xFFFFB000] =	vst v1  }
0x284: {  	v1 =	vld.idx.msk [tilespmem:v3+s25+$0x0], $0xffff  }
0x285: {  	v3 =	vor.u32 $0x5, v2;
	_ =	sdelay $0x3  }
0x286: {  	[tilespmem:s8+$0xFFFFC400] =	vst v1  }
0x287: {  	v1 =	vld.idx.msk [tilespmem:v3+s25+$0x0], $0xffff  }
0x288: {  	v3 =	vor.u32 $0x6, v2;
	_ =	sdelay $0x3  }
0x289: {  	[tilespmem:s8+$0xFFFFD800] =	vst v1  }
0x28a: {  	v1 =	vld.idx.msk [tilespmem:v3+s25+$0x0], $0xffff  }
0x28b: {  	v2 =	vor.u32 $0x7, v2;
	_ =	sdelay $0x3  }
0x28c: {  	[tilespmem:s8+$0xFFFFEC00] =	vst v1  }
0x28d: {  	v1 =	vld.idx.msk [tilespmem:v2+s25+$0x0], $0xffff;
	_ =	sdelay $0x4  }
0x28e: {  	s9 =	rddreg [dreg:$0x15];
	[tilespmem:s8+$0x0] =	vst v1  }
0x28f: {  	[hbm4b:s9+s2] =	stream.linear.scatter [tilespmem:s26], [sflag:$0x2], $0x1400, $0x38;
	[tilespmem:$0x15400] =	vst v63  }
0x290: {  	_ =	swait.ge [sflag:s22], $0x1400  }
0x291: {  	[sflag:s22] =	ssyncset.done $0x0  }
0x292: {  	[sflag:s22] =	ssyncadd.s32 $0xFFFFEC00  }
0x293: {  	[hbm4b:s15+s2] =	stream.linear.scatter [tilespmem:s28], [sflag:$0x2], $0x1400, $0x38;
	[tilespmem:$0x15400] =	vst v63  }
0x294: {  	_ =	swait.ge [sflag:s22], $0x1400  }
0x295: {  	[sflag:s22] =	ssyncset.done $0x0  }
0x296: {  	[sflag:s22] =	ssyncadd.s32 $0xFFFFEC00  }
0x297: {  	[hbm4b:s16+s2] =	stream.linear.scatter [tilespmem:s29], [sflag:$0x2], $0x1400, $0x38;
	[tilespmem:$0x15400] =	vst v63  }
0x298: {  	_ =	swait.ge [sflag:s22], $0x1400  }
0x299: {  	[sflag:s22] =	ssyncset.done $0x0  }
0x29a: {  	[sflag:s22] =	ssyncadd.s32 $0xFFFFEC00  }
0x29b: {  	[hbm4b:s17+s2] =	stream.linear.scatter [tilespmem:s30], [sflag:$0x2], $0x1400, $0x38;
	[tilespmem:$0x15400] =	vst v63  }
0x29c: {  	_ =	swait.ge [sflag:s22], $0x1400  }
0x29d: {  	[sflag:s22] =	ssyncset.done $0x0  }
0x29e: {  	[sflag:s22] =	ssyncadd.s32 $0xFFFFEC00  }
0x29f: {  	[hbm4b:s18+s2] =	stream.linear.scatter [tilespmem:s31], [sflag:$0x2], $0x1400, $0x38;
	[tilespmem:$0x15400] =	vst v63  }
0x2a0: {  	_ =	swait.ge [sflag:s22], $0x1400  }
0x2a1: {  	[sflag:s22] =	ssyncset.done $0x0  }
0x2a2: {  	[sflag:s22] =	ssyncadd.s32 $0xFFFFEC00  }
0x2a3: {  	[hbm4b:s19+s2] =	stream.linear.scatter [tilespmem:s1], [sflag:$0x2], $0x1400, $0x38;
	[tilespmem:$0x15400] =	vst v63  }
0x2a4: {  	_ =	swait.ge [sflag:s22], $0x1400  }
0x2a5: {  	[sflag:s22] =	ssyncset.done $0x0  }
0x2a6: {  	[sflag:s22] =	ssyncadd.s32 $0xFFFFEC00  }
0x2a7: {  	[hbm4b:s20+s2] =	stream.linear.scatter [tilespmem:s0], [sflag:$0x2], $0x1400, $0x38;
	[tilespmem:$0x15400] =	vst v63  }
0x2a8: {  	_ =	swait.ge [sflag:s22], $0x1400  }
0x2a9: {  	[sflag:s22] =	ssyncset.done $0x0  }
0x2aa: {  	[sflag:s22] =	ssyncadd.s32 $0xFFFFEC00  }
0x2ab: {  	[hbm4b:s21+s2] =	stream.linear.scatter [tilespmem:s5], [sflag:$0x2], $0x1400, $0x38;
	[tilespmem:$0x15400] =	vst v63  }
0x2ac: {  	_ =	swait.ge [sflag:s22], $0x1400  }
0x2ad: {  	s6 =	sadd.s32 $0x1, s6;
	s10 =	rddreg [dreg:$0x17]  }
0x2ae: {  	p0 =	sne.s32 s6, s10  }
.Ltmp10:
0x2af: {  	_ = 	snop;
	(pc) =	sbr.rel @p0 .LBB2_1-.Ltmp10, $3  }
0x2b0: {  	_ =	sdelay $0x1  }
0x2b1: {  	[sflag:s22] =	ssyncset.done $0x0  }
0x2b2: {  	[sflag:s22] =	ssyncadd.s32 $0xFFFFEC00  }
0x2b3: {  	_ =	sfence.sel $0x180000  }
0x2b4: {  	[bflag:$0x0] =	sbarrier.arrive $0xFFFF  }
0x2b5: {  	_ =	strace $0x90000047  }
0x2b6: {  	s0 =	stileid.u32;
	[bflag:$0x2] =	sbarrier.arrive $0xFFFF  }
0x2b7: {  	p0 =	sne.s32 s0, $0x0;
	s0 =	rddreg [dreg:$0x2]  }
0x2b8: {  	s0 =	sadd.s32 @!p0 $0x100000, s0  }
0x2b9: {  	[sflag:s0] =	ssyncadd.tile.s32 @!p0 $0x1;
	_ =	shalt  }
.Lfunc_end2:
_tile_overlayer_lowered:
.L_overlay_start_2:
0x2ba: {  	(tag) =	ssettag $0x2  }
0x2bb: {  	s0 =	rddreg [dreg:$0x0];
	s2 =	stileid.u32  }
0x2bc: {  	s1 =	rddreg [dreg:$0x1];
	p0 =	sne.s32 s2, $0x0  }
0x2bd: {  	s3 =	rddreg [dreg:$0x2];
	[bflag:$0x3] =	sbarrier.arrive $0xFFFF;
	s2 =	simm.s32 @!p0 $0x1C02  }
0x2be: {  	[timem:s3], [sflag:s2] =	dma.local @!p0 [hbm:s0], s1  }
0x2bf: {  	s0 =	simm.s32 @!p0 $0x2  }
0x2c0: {  	_ =	swait.ge @!p0 [sflag:s0], s1  }
0x2c1: {  	s1 =	ssub.s32 @!p0 $0x0, s1;
	[sflag:s0] =	ssyncset.done @!p0 $0x0  }
0x2c2: {  	[sflag:s0] =	ssyncadd.s32 @!p0 s1  }
0x2c3: {  	[bflag:$0x3] =	sbarrier.arrive $0xFFFF  }
0x2c4: {  	_ =	shalt  }

</sc_bundles>
